<compile_context>
chip_gen: v7x
topology: tpu7x:2x2x1
jax: 0.10.2.dev20260603
libtpu: 0.0.44.dev20260713+nightly
codegen_flags: <defaults>
</compile_context>

<pallas_src>
import functools

import jax
import jax.numpy as jnp
from jax import lax
from jax.experimental import pallas as pl
from jax.experimental.pallas import tpu as pltpu
from jax.experimental.pallas import tpu_sc as plsc

B, S, D = 1, 2048, 768
H, KV, HD = 12, 4, 64
I, E, TOPK = 1536, 8, 2
EPS = 1e-5
THETA = 10000.0

QDIM = H * HD
KVDIM = KV * HD
QKDIM = QDIM + KVDIM
QKVDIM = QDIM + 2 * KVDIM

BT = 256
BQ = 512
BM = 512


def _rotate_half_cols(w):
    d0, c = w.shape
    wr = w.reshape(d0, c // HD, 2, HD // 2)
    return jnp.concatenate([-wr[:, :, 1:2], wr[:, :, 0:1]], axis=2).reshape(d0, c)


def _qkv_kernel(x_ref, cos_ref, sin_ref, wqkv_ref, wrot_ref, ln1_ref, o_ref):
    x = x_ref[...]
    var = jnp.mean(x * x, axis=-1, keepdims=True)
    xn = x * lax.rsqrt(var + EPS) * ln1_ref[...]
    qkv = jnp.dot(xn, wqkv_ref[...], preferred_element_type=jnp.float32)
    qkrot = jnp.dot(xn, wrot_ref[...], preferred_element_type=jnp.float32)
    qk = qkv[:, :QKDIM] * cos_ref[...] + qkrot * sin_ref[...]
    o_ref[...] = jnp.concatenate([qk, qkv[:, QKDIM:]], axis=-1)


def _attn_kernel(q_ref, k_ref, v_ref, o_ref, s_scr):
    i = pl.program_id(0)
    q_all = q_ref[...]
    scale = HD ** -0.5
    row = i * BQ + lax.broadcasted_iota(jnp.int32, (BQ, BQ), 0)

    @pl.when(i == 0)
    def _init():
        for j in range(1, S // BQ):
            s_scr[:, pl.ds(j * BQ, BQ)] = jnp.full((BQ, BQ), -1e30,
                                                   jnp.float32)

    outs = []
    for h in range(H):
        g = h // (H // KV)
        q = q_all[:, h * HD:(h + 1) * HD]
        for j in range(S // BQ):
            @pl.when(j <= i)
            def _chunk(j=j, q=q, g=g):
                k = k_ref[pl.ds(j * BQ, BQ), g * HD:(g + 1) * HD]
                s = lax.dot_general(q, k, (((1,), (1,)), ((), ())),
                                    preferred_element_type=jnp.float32)
                col = j * BQ + lax.broadcasted_iota(jnp.int32, (BQ, BQ), 1)
                s_scr[:, pl.ds(j * BQ, BQ)] = jnp.where(row >= col,
                                                        s * scale, -1e30)

        p = jnp.exp(s_scr[...])
        p = p / jnp.sum(p, axis=-1, keepdims=True)
        v = v_ref[:, g * HD:(g + 1) * HD]
        outs.append(jnp.dot(p, v, preferred_element_type=jnp.float32))
    o_ref[...] = jnp.concatenate(outs, axis=1)


NP = 2 * S
BE = 256
NBLK = NP // BE + E
PAD_TOTAL = NBLK * BE
RC = 512


def _post_kernel(a_ref, res_ref, wo_ref, wg_ref, ln2_ref, r2_ref, y_ref, pr_ref):
    a = a_ref[...]
    r2 = jnp.dot(a, wo_ref[...], preferred_element_type=jnp.float32) + res_ref[...]
    r2_ref[...] = r2
    var = jnp.mean(r2 * r2, axis=-1, keepdims=True)
    y = r2 * lax.rsqrt(var + EPS) * ln2_ref[...]
    y_ref[...] = y
    logits = jnp.dot(y, wg_ref[...], preferred_element_type=jnp.float32)
    lm = jnp.max(logits, axis=-1, keepdims=True)
    ex = jnp.exp(logits - lm)
    pr_ref[...] = ex / jnp.sum(ex, axis=-1, keepdims=True)


def _routing_kernel(pr_ref, pos_ref, tw_ref, g_ref):
    p = pr_ref[...]
    lanes = lax.broadcasted_iota(jnp.int32, (S, E), 1)
    m1 = jnp.max(p, axis=-1, keepdims=True)
    i1 = jnp.min(jnp.where(p == m1, lanes, E), axis=-1, keepdims=True)
    p2 = jnp.where(lanes == i1, -1.0, p)
    m2 = jnp.max(p2, axis=-1, keepdims=True)
    i2 = jnp.min(jnp.where(p2 == m2, lanes, E), axis=-1, keepdims=True)
    denom = m1 + m2
    tw_ref[...] = jnp.concatenate([m1 / denom, m2 / denom], axis=1)
    oh = jnp.concatenate([(lanes == i1).astype(jnp.float32),
                          (lanes == i2).astype(jnp.float32)], axis=0)
    r0 = lax.broadcasted_iota(jnp.int32, (RC, RC), 0)
    c0 = lax.broadcasted_iota(jnp.int32, (RC, RC), 1)
    tri = (c0 < r0).astype(jnp.float32)
    base = jnp.zeros((1, E), jnp.float32)
    ranks = []
    for c in range(NP // RC):
        ohc = oh[c * RC:(c + 1) * RC, :]
        ranks.append(jnp.dot(tri, ohc, preferred_element_type=jnp.float32)
                     + base)
        base = base + jnp.sum(ohc, axis=0, keepdims=True)
    rank = jnp.concatenate(ranks, axis=0)
    counts = base
    nblocks = jnp.ceil(counts / BE)
    e0 = lax.broadcasted_iota(jnp.int32, (E, E), 0)
    e1 = lax.broadcasted_iota(jnp.int32, (E, E), 1)
    tri8 = (e0 < e1).astype(jnp.float32)
    block_start = jnp.dot(nblocks, tri8,
                          preferred_element_type=jnp.float32)
    row_off = block_start * BE
    pos = jnp.sum(oh * (row_off + rank), axis=1, keepdims=True)
    posr = lax.transpose(pos, (1, 0))
    pos_ref[...] = jnp.broadcast_to(posr, (8, NP)).astype(jnp.int32)
    outer = lax.dot_general(block_start, jnp.ones((1, 32), jnp.float32),
                            (((0,), (0,)), ((), ())),
                            preferred_element_type=jnp.float32)
    bidx = lax.broadcasted_iota(jnp.int32, (E, 32), 1).astype(jnp.float32)
    cmp = (outer <= bidx).astype(jnp.float32)
    g = jnp.dot(jnp.ones((1, E), jnp.float32), cmp,
                preferred_element_type=jnp.float32) - 1.0
    g = jnp.clip(g, 0.0, E - 1.0)
    g_ref[...] = jnp.broadcast_to(g, (8, 32)).astype(jnp.int32)


def _expert_kernel(g_ref, ts_ref, w1_ref, w2_ref, w3_ref, o_ref):
    del g_ref
    t = ts_ref[...].astype(jnp.bfloat16)
    g = jnp.dot(t, w1_ref[0].astype(jnp.bfloat16),
                preferred_element_type=jnp.float32)
    u = jnp.dot(t, w3_ref[0].astype(jnp.bfloat16),
                preferred_element_type=jnp.float32)
    h = ((g * jax.nn.sigmoid(g)) * u).astype(jnp.bfloat16)
    o_ref[...] = jnp.dot(h, w2_ref[0].astype(jnp.bfloat16),
                         preferred_element_type=jnp.float32)


NW = 32
TPW = S // NW
CW = 32


def _sc_mesh():
    return plsc.VectorSubcoreMesh(core_axis_name="c", subcore_axis_name="s")


def _sc_dispatch(y, pos2d):
    @functools.partial(
        pl.kernel, mesh=_sc_mesh(),
        out_type=jax.ShapeDtypeStruct((PAD_TOTAL, D), jnp.float32),
        scratch_types=[
            pltpu.VMEM((CW,), jnp.int32),
            pltpu.VMEM((CW,), jnp.int32),
            pltpu.VMEM((CW, D), jnp.float32),
            pltpu.SemaphoreType.DMA,
            pltpu.SemaphoreType.DMA,
            pltpu.SemaphoreType.DMA,
        ],
    )
    def disp(y_hbm, pos_hbm, ts_hbm, i0_v, i1_v, y_v, s0, s1, s2):
        wid = lax.axis_index("s") * 2 + lax.axis_index("c")
        for c in range(TPW // CW):
            tb = wid * TPW + c * CW
            l0 = pltpu.async_copy(pos_hbm.at[0, pl.ds(tb, CW)], i0_v, s0)
            l1 = pltpu.async_copy(pos_hbm.at[0, pl.ds(S + tb, CW)], i1_v, s1)
            l2 = pltpu.async_copy(y_hbm.at[pl.ds(tb, CW)], y_v, s2)
            l0.wait()
            l1.wait()
            l2.wait()
            c0 = pltpu.async_copy(y_v, ts_hbm.at[i0_v], s0)
            c1 = pltpu.async_copy(y_v, ts_hbm.at[i1_v], s1)
            c0.wait()
            c1.wait()

    return disp(y, pos2d)


def _sc_gather(op, pos2d):
    @functools.partial(
        pl.kernel, mesh=_sc_mesh(),
        out_type=[
            jax.ShapeDtypeStruct((S, D), jnp.float32),
            jax.ShapeDtypeStruct((S, D), jnp.float32),
        ],
        scratch_types=[
            pltpu.VMEM((CW,), jnp.int32),
            pltpu.VMEM((CW,), jnp.int32),
            pltpu.VMEM((CW, D), jnp.float32),
            pltpu.VMEM((CW, D), jnp.float32),
            pltpu.SemaphoreType.DMA,
            pltpu.SemaphoreType.DMA,
        ],
    )
    def gath(op_hbm, pos_hbm, a_hbm, b_hbm, i0_v, i1_v, a_v, b_v,
             s0, s1):
        wid = lax.axis_index("s") * 2 + lax.axis_index("c")
        for c in range(TPW // CW):
            tb = wid * TPW + c * CW
            l0 = pltpu.async_copy(pos_hbm.at[0, pl.ds(tb, CW)], i0_v, s0)
            l1 = pltpu.async_copy(pos_hbm.at[0, pl.ds(S + tb, CW)], i1_v, s1)
            l0.wait()
            l1.wait()
            c0 = pltpu.async_copy(op_hbm.at[i0_v], a_v, s0)
            c1 = pltpu.async_copy(op_hbm.at[i1_v], b_v, s1)
            c0.wait()
            c1.wait()
            w0 = pltpu.async_copy(a_v, a_hbm.at[pl.ds(tb, CW)], s0)
            w1 = pltpu.async_copy(b_v, b_hbm.at[pl.ds(tb, CW)], s1)
            w0.wait()
            w1.wait()

    return gath(op, pos2d)


def _combine_kernel(a_ref, b_ref, tw_ref, o_ref):
    tw = tw_ref[...]
    o_ref[...] = (a_ref[...] * tw[:, 0:1] + b_ref[...] * tw[:, 1:2])


@jax.jit
def kernel(hidden_states, positions, w_qkv, w_o, w_gate, w1, w2, w3, ln1, ln2):
    x = hidden_states.reshape(S, D)
    pos = positions.reshape(S)

    inv_freq = 1.0 / (THETA ** (jnp.arange(0, HD, 2, dtype=jnp.float32) / HD))
    freqs = pos.astype(jnp.float32)[:, None] * inv_freq[None, :]
    cos = jnp.tile(jnp.concatenate([jnp.cos(freqs)] * 2, axis=1), (1, QKDIM // HD))
    sin = jnp.tile(jnp.concatenate([jnp.sin(freqs)] * 2, axis=1), (1, QKDIM // HD))
    w_rot = _rotate_half_cols(w_qkv[:, :QKDIM])

    qkv = pl.pallas_call(
        _qkv_kernel,
        grid=(S // BT,),
        in_specs=[
            pl.BlockSpec((BT, D), lambda i: (i, 0)),
            pl.BlockSpec((BT, QKDIM), lambda i: (i, 0)),
            pl.BlockSpec((BT, QKDIM), lambda i: (i, 0)),
            pl.BlockSpec((D, QKVDIM), lambda i: (0, 0)),
            pl.BlockSpec((D, QKDIM), lambda i: (0, 0)),
            pl.BlockSpec((1, D), lambda i: (0, 0)),
        ],
        out_specs=pl.BlockSpec((BT, QKVDIM), lambda i: (i, 0)),
        out_shape=jax.ShapeDtypeStruct((S, QKVDIM), jnp.float32),
    )(x, cos, sin, w_qkv, w_rot, ln1.reshape(1, D))

    attn2d = pl.pallas_call(
        _attn_kernel,
        grid=(S // BQ,),
        in_specs=[
            pl.BlockSpec((BQ, QDIM), lambda i: (i, 0)),
            pl.BlockSpec((S, KVDIM), lambda i: (0, QDIM // KVDIM)),
            pl.BlockSpec((S, KVDIM), lambda i: (0, QKDIM // KVDIM)),
        ],
        out_specs=pl.BlockSpec((BQ, QDIM), lambda i: (i, 0)),
        out_shape=jax.ShapeDtypeStruct((S, QDIM), jnp.float32),
        scratch_shapes=[
            pltpu.VMEM((BQ, S), jnp.float32),
        ],
    )(qkv, qkv, qkv)

    r2, y, probs = pl.pallas_call(
        _post_kernel,
        grid=(S // BT,),
        in_specs=[
            pl.BlockSpec((BT, QDIM), lambda i: (i, 0)),
            pl.BlockSpec((BT, D), lambda i: (i, 0)),
            pl.BlockSpec((QDIM, D), lambda i: (0, 0)),
            pl.BlockSpec((D, E), lambda i: (0, 0)),
            pl.BlockSpec((1, D), lambda i: (0, 0)),
        ],
        out_specs=[
            pl.BlockSpec((BT, D), lambda i: (i, 0)),
            pl.BlockSpec((BT, D), lambda i: (i, 0)),
            pl.BlockSpec((BT, E), lambda i: (i, 0)),
        ],
        out_shape=[
            jax.ShapeDtypeStruct((S, D), jnp.float32),
            jax.ShapeDtypeStruct((S, D), jnp.float32),
            jax.ShapeDtypeStruct((S, E), jnp.float32),
        ],
    )(attn2d, x, w_o, w_gate, ln2.reshape(1, D))

    posb, tw, gb = pl.pallas_call(
        _routing_kernel,
        out_shape=[
            jax.ShapeDtypeStruct((8, NP), jnp.int32),
            jax.ShapeDtypeStruct((S, 2), jnp.float32),
            jax.ShapeDtypeStruct((8, 32), jnp.int32),
        ],
    )(probs)

    ts = _sc_dispatch(y, posb)

    op = pl.pallas_call(
        _expert_kernel,
        grid_spec=pltpu.PrefetchScalarGridSpec(
            num_scalar_prefetch=1,
            grid=(NBLK,),
            in_specs=[
                pl.BlockSpec((BE, D), lambda b, gr: (b, 0)),
                pl.BlockSpec((1, D, I), lambda b, gr: (gr[0, b], 0, 0)),
                pl.BlockSpec((1, I, D), lambda b, gr: (gr[0, b], 0, 0)),
                pl.BlockSpec((1, D, I), lambda b, gr: (gr[0, b], 0, 0)),
            ],
            out_specs=pl.BlockSpec((BE, D), lambda b, gr: (b, 0)),
        ),
        out_shape=jax.ShapeDtypeStruct((PAD_TOTAL, D), jnp.float32),
    )(gb, ts, w1, w2, w3)

    opa, opb = _sc_gather(op, posb)

    moe = pl.pallas_call(
        _combine_kernel,
        grid=(S // BT,),
        in_specs=[
            pl.BlockSpec((BT, D), lambda i: (i, 0)),
            pl.BlockSpec((BT, D), lambda i: (i, 0)),
            pl.BlockSpec((BT, 2), lambda i: (i, 0)),
        ],
        out_specs=pl.BlockSpec((BT, D), lambda i: (i, 0)),
        out_shape=jax.ShapeDtypeStruct((S, D), jnp.float32),
    )(opa, opb, tw)

    return moe.reshape(B, S, D), r2.reshape(B, S, D)

# --- scband reference (transcript-rebuilt; emitter-appended) ---
"""Pipeline reference for scband-mixtral-decoder-layer-78434692759606 (READ-ONLY COPY).

The authoritative reference and input builder live on the scoring server;
editing this copy changes nothing except your own understanding.
"""

import jax, jax.numpy as jnp
import numpy as np

B, S, D = 1, 2048, 768
H, KV, HD = 12, 4, 64
I, E, TOPK = 1536, 8, 2
EPS = 1e-5
THETA = 10000.0


def rmsnorm(x, g):
    xf = x.astype(jnp.float32)
    var = jnp.mean(xf * xf, axis=-1, keepdims=True)
    return (xf * jax.lax.rsqrt(var + EPS)).astype(x.dtype) * g


def apply_rope(x, positions):
    # x: [B, S, n_heads, HD], neox-style rotary over full head dim
    half = HD // 2
    inv_freq = 1.0 / (THETA ** (jnp.arange(0, HD, 2, dtype=jnp.float32) / HD))
    freqs = positions.astype(jnp.float32)[..., None] * inv_freq  # [B, S, half]
    cos = jnp.cos(freqs)[:, :, None, :]
    sin = jnp.sin(freqs)[:, :, None, :]
    x1 = x[..., :half]
    x2 = x[..., half:]
    return jnp.concatenate([x1 * cos - x2 * sin, x2 * cos + x1 * sin], axis=-1)


def setup_inputs(seed: int = 0) -> dict:
    key = jax.random.key(seed)
    ks = jax.random.split(key, 10)
    scale = 0.02
    inp = {}
    inp["hidden_states"] = jax.random.normal(ks[0], (B, S, D), dtype=jnp.float32)
    inp["positions"] = jnp.arange(B * S, dtype=jnp.int32).reshape(B, S)
    inp["w_qkv"] = jax.random.normal(ks[1], (D, (H + 2 * KV) * HD), dtype=jnp.float32) * scale
    inp["w_o"] = jax.random.normal(ks[2], (H * HD, D), dtype=jnp.float32) * scale
    inp["w_gate"] = jax.random.normal(ks[3], (D, E), dtype=jnp.float32) * scale
    inp["w1"] = jax.random.normal(ks[4], (E, D, I), dtype=jnp.float32) * scale
    inp["w3"] = jax.random.normal(ks[5], (E, D, I), dtype=jnp.float32) * scale
    inp["w2"] = jax.random.normal(ks[6], (E, I, D), dtype=jnp.float32) * scale
    inp["ln1"] = jnp.ones((D,), dtype=jnp.float32)
    inp["ln2"] = jnp.ones((D,), dtype=jnp.float32)
    return inp


def reference(hidden_states, positions, w_qkv, w_o, w_gate, w1, w2, w3, ln1, ln2):
    # --- input_layernorm (residual is None on first layer) ---
    residual = hidden_states
    x = rmsnorm(hidden_states, ln1)

    # --- self attention (prefill, causal, GQA) ---
    qkv = x @ w_qkv
    q = qkv[..., : H * HD].reshape(B, S, H, HD)
    k = qkv[..., H * HD : H * HD + KV * HD].reshape(B, S, KV, HD)
    v = qkv[..., H * HD + KV * HD :].reshape(B, S, KV, HD)
    q = apply_rope(q, positions)
    k = apply_rope(k, positions)
    # repeat kv heads for GQA
    k = jnp.repeat(k, H // KV, axis=2)
    v = jnp.repeat(v, H // KV, axis=2)
    scores = jnp.einsum("bqhd,bkhd->bhqk", q, k) * (HD ** -0.5)
    causal = jnp.tril(jnp.ones((S, S), dtype=bool))
    scores = jnp.where(causal[None, None, :, :], scores, -1e30)
    probs = jax.nn.softmax(scores.astype(jnp.float32), axis=-1).astype(q.dtype)
    attn = jnp.einsum("bhqk,bkhd->bqhd", probs, v).reshape(B, S, H * HD)
    attn_out = attn @ w_o

    # --- post_attention_layernorm (fused residual add) ---
    x2 = attn_out + residual
    residual2 = x2
    y = rmsnorm(x2, ln2)

    # --- block sparse MoE (dense-masked form, faithful to reference math) ---
    t = y.reshape(-1, D)
    router_logits = t @ w_gate
    routing_weights = jax.nn.softmax(router_logits.astype(jnp.float32), axis=-1)
    top_w, top_i = jax.lax.top_k(routing_weights, TOPK)
    top_w = top_w / jnp.sum(top_w, axis=-1, keepdims=True)
    final = jnp.zeros_like(t)
    for e in range(E):
        expert_mask = (top_i == e)
        w = jnp.sum(top_w * expert_mask, axis=-1, keepdims=True).astype(t.dtype)
        h = jax.nn.silu(t @ w1[e]) * (t @ w3[e])
        final = final + (h @ w2[e]) * w
    moe_out = final.reshape(B, S, D)
    return (moe_out, residual2)

if __name__ == "__main__":
    import jax
    _d = setup_inputs()
    print(jax.jit(kernel)(*tuple(_d.values())))

</pallas_src>

<mosaic_0001>
#map = affine_map<(d0, d1) -> (0, 0)>
module attributes {stable_mosaic.version = 14 : i64} {
  func.func @gath(%arg0: i32, %arg1: i32, %arg2: memref<6144x768xf32, #tpu.memory_space<hbm>>, %arg3: memref<8x4096xi32, #tpu.memory_space<hbm>>, %arg4: memref<2048x768xf32, #tpu.memory_space<hbm>>, %arg5: memref<2048x768xf32, #tpu.memory_space<hbm>>, %arg6: memref<32xi32, #tpu.memory_space<vmem>>, %arg7: memref<32xi32, #tpu.memory_space<vmem>>, %arg8: memref<32x768xf32, #tpu.memory_space<vmem>>, %arg9: memref<32x768xf32, #tpu.memory_space<vmem>>, %arg10: memref<!tpu.dma_semaphore, #tpu.memory_space<semaphore_mem>>, %arg11: memref<!tpu.dma_semaphore, #tpu.memory_space<semaphore_mem>>) attributes {dimension_semantics = [#tpu.dimension_semantics<core_parallel>, #tpu.dimension_semantics<subcore_parallel>], iteration_bounds = array<i64: 2, 16>, scalar_prefetch = 0 : i64, scratch_operands = 6 : i64, tpu.core_type = #tpu.core_type<sc_vector_subcore>, window_params = [{transform_indices = #map}, {transform_indices = #map}, {transform_indices = #map}, {transform_indices = #map}]} {
    %mul3A = arith.constant 2 : i32
    %mul3A_0 = arith.muli %arg1, %mul3A : i32
    %add3A = arith.addi %mul3A_0, %arg0 : i32
    %mul3A_1 = arith.constant 64 : i32
    %mul3A_2 = arith.muli %add3A, %mul3A_1 : i32
    %add3A_3 = arith.constant 0 : i32
    %add3A_4 = arith.addi %mul3A_2, %add3A_3 : i32
    %dma_start3A = arith.constant 0 : i32
    %dma_start3A_5 = tpu.memref_slice %arg3[%dma_start3A, %add3A_4] : memref<8x4096xi32, #tpu.memory_space<hbm>> -> memref<1x32xi32, #tpu.memory_space<hbm>>
    %dma_start3A_6 = tpu.memref_squeeze %dma_start3A_5 : memref<1x32xi32, #tpu.memory_space<hbm>> -> memref<32xi32, #tpu.memory_space<hbm>>
    %dma_start3A_7 = tpu.memref_slice %arg3[%dma_start3A, %add3A_4] : memref<8x4096xi32, #tpu.memory_space<hbm>> -> memref<1x32xi32, #tpu.memory_space<hbm>>
    %dma_start3A_8 = tpu.memref_squeeze %dma_start3A_7 : memref<1x32xi32, #tpu.memory_space<hbm>> -> memref<32xi32, #tpu.memory_space<hbm>>
    tpu.enqueue_dma source(%dma_start3A_8 : memref<32xi32, #tpu.memory_space<hbm>>) target(%arg6 : memref<32xi32, #tpu.memory_space<vmem>>) target_semaphore(%arg10 : memref<!tpu.dma_semaphore, #tpu.memory_space<semaphore_mem>>)
    %add3A_9 = arith.constant 2048 : i32
    %add3A_10 = arith.addi %add3A_9, %add3A_4 : i32
    %dma_start3A_11 = arith.constant 0 : i32
    %dma_start3A_12 = tpu.memref_slice %arg3[%dma_start3A_11, %add3A_10] : memref<8x4096xi32, #tpu.memory_space<hbm>> -> memref<1x32xi32, #tpu.memory_space<hbm>>
    %dma_start3A_13 = tpu.memref_squeeze %dma_start3A_12 : memref<1x32xi32, #tpu.memory_space<hbm>> -> memref<32xi32, #tpu.memory_space<hbm>>
    %dma_start3A_14 = tpu.memref_slice %arg3[%dma_start3A_11, %add3A_10] : memref<8x4096xi32, #tpu.memory_space<hbm>> -> memref<1x32xi32, #tpu.memory_space<hbm>>
    %dma_start3A_15 = tpu.memref_squeeze %dma_start3A_14 : memref<1x32xi32, #tpu.memory_space<hbm>> -> memref<32xi32, #tpu.memory_space<hbm>>
    tpu.enqueue_dma source(%dma_start3A_15 : memref<32xi32, #tpu.memory_space<hbm>>) target(%arg7 : memref<32xi32, #tpu.memory_space<vmem>>) target_semaphore(%arg11 : memref<!tpu.dma_semaphore, #tpu.memory_space<semaphore_mem>>)
    %dma_wait3A = arith.constant 0 : i32
    %dma_wait3A_16 = tpu.memref_slice %arg3[%dma_wait3A, %add3A_4] : memref<8x4096xi32, #tpu.memory_space<hbm>> -> memref<1x32xi32, #tpu.memory_space<hbm>>
    %dma_wait3A_17 = tpu.memref_squeeze %dma_wait3A_16 : memref<1x32xi32, #tpu.memory_space<hbm>> -> memref<32xi32, #tpu.memory_space<hbm>>
    %dma_wait3A_18 = tpu.memref_slice %arg3[%dma_wait3A, %add3A_4] : memref<8x4096xi32, #tpu.memory_space<hbm>> -> memref<1x32xi32, #tpu.memory_space<hbm>>
    %dma_wait3A_19 = tpu.memref_squeeze %dma_wait3A_18 : memref<1x32xi32, #tpu.memory_space<hbm>> -> memref<32xi32, #tpu.memory_space<hbm>>
    tpu.wait_dma2 semaphore(%arg10 : memref<!tpu.dma_semaphore, #tpu.memory_space<semaphore_mem>>) src(%dma_wait3A_19 : memref<32xi32, #tpu.memory_space<hbm>>) dst(%arg6 : memref<32xi32, #tpu.memory_space<vmem>>)
    %dma_wait3A_20 = arith.constant 0 : i32
    %dma_wait3A_21 = tpu.memref_slice %arg3[%dma_wait3A_20, %add3A_10] : memref<8x4096xi32, #tpu.memory_space<hbm>> -> memref<1x32xi32, #tpu.memory_space<hbm>>
    %dma_wait3A_22 = tpu.memref_squeeze %dma_wait3A_21 : memref<1x32xi32, #tpu.memory_space<hbm>> -> memref<32xi32, #tpu.memory_space<hbm>>
    %dma_wait3A_23 = tpu.memref_slice %arg3[%dma_wait3A_20, %add3A_10] : memref<8x4096xi32, #tpu.memory_space<hbm>> -> memref<1x32xi32, #tpu.memory_space<hbm>>
    %dma_wait3A_24 = tpu.memref_squeeze %dma_wait3A_23 : memref<1x32xi32, #tpu.memory_space<hbm>> -> memref<32xi32, #tpu.memory_space<hbm>>
    tpu.wait_dma2 semaphore(%arg11 : memref<!tpu.dma_semaphore, #tpu.memory_space<semaphore_mem>>) src(%dma_wait3A_24 : memref<32xi32, #tpu.memory_space<hbm>>) dst(%arg7 : memref<32xi32, #tpu.memory_space<vmem>>)
    %dma_start3A_25 = arith.constant 0 : i32
    %dma_start3A_26 = arith.constant 0 : i32
    %dma_start3A_27 = tpu.memref_slice %arg2[%dma_start3A_25, %dma_start3A_26] : memref<6144x768xf32, #tpu.memory_space<hbm>> -> memref<6144x768xf32, #tpu.memory_space<hbm>>
    tpu.enqueue_indirect_dma source(%dma_start3A_27 : memref<6144x768xf32, #tpu.memory_space<hbm>>) target(%arg8 : memref<32x768xf32, #tpu.memory_space<vmem>>) offsets(%arg6 : memref<32xi32, #tpu.memory_space<vmem>>) semaphore(%arg10 : memref<!tpu.dma_semaphore, #tpu.memory_space<semaphore_mem>>)
    %dma_start3A_28 = arith.constant 0 : i32
    %dma_start3A_29 = arith.constant 0 : i32
    %dma_start3A_30 = tpu.memref_slice %arg2[%dma_start3A_28, %dma_start3A_29] : memref<6144x768xf32, #tpu.memory_space<hbm>> -> memref<6144x768xf32, #tpu.memory_space<hbm>>
    tpu.enqueue_indirect_dma source(%dma_start3A_30 : memref<6144x768xf32, #tpu.memory_space<hbm>>) target(%arg9 : memref<32x768xf32, #tpu.memory_space<vmem>>) offsets(%arg7 : memref<32xi32, #tpu.memory_space<vmem>>) semaphore(%arg11 : memref<!tpu.dma_semaphore, #tpu.memory_space<semaphore_mem>>)
    %dma_wait3A_31 = arith.constant 0 : i32
    %dma_wait3A_32 = arith.constant 0 : i32
    %dma_wait3A_33 = tpu.memref_slice %arg2[%dma_wait3A_31, %dma_wait3A_32] : memref<6144x768xf32, #tpu.memory_space<hbm>> -> memref<6144x768xf32, #tpu.memory_space<hbm>>
    tpu.wait_indirect_dma semaphore(%arg10 : memref<!tpu.dma_semaphore, #tpu.memory_space<semaphore_mem>>) src(%dma_wait3A_33 : memref<6144x768xf32, #tpu.memory_space<hbm>>) dst(%arg8 : memref<32x768xf32, #tpu.memory_space<vmem>>)
    %dma_wait3A_34 = arith.constant 0 : i32
    %dma_wait3A_35 = arith.constant 0 : i32
    %dma_wait3A_36 = tpu.memref_slice %arg2[%dma_wait3A_34, %dma_wait3A_35] : memref<6144x768xf32, #tpu.memory_space<hbm>> -> memref<6144x768xf32, #tpu.memory_space<hbm>>
    tpu.wait_indirect_dma semaphore(%arg11 : memref<!tpu.dma_semaphore, #tpu.memory_space<semaphore_mem>>) src(%dma_wait3A_36 : memref<6144x768xf32, #tpu.memory_space<hbm>>) dst(%arg9 : memref<32x768xf32, #tpu.memory_space<vmem>>)
    %dma_start3A_37 = arith.constant 0 : i32
    %dma_start3A_38 = tpu.memref_slice %arg4[%add3A_4, %dma_start3A_37] : memref<2048x768xf32, #tpu.memory_space<hbm>> -> memref<32x768xf32, #tpu.memory_space<hbm>>
    %dma_start3A_39 = arith.constant 0 : i32
    %dma_start3A_40 = tpu.memref_slice %arg4[%add3A_4, %dma_start3A_39] : memref<2048x768xf32, #tpu.memory_space<hbm>> -> memref<32x768xf32, #tpu.memory_space<hbm>>
    tpu.enqueue_dma source(%arg8 : memref<32x768xf32, #tpu.memory_space<vmem>>) target(%dma_start3A_40 : memref<32x768xf32, #tpu.memory_space<hbm>>) target_semaphore(%arg10 : memref<!tpu.dma_semaphore, #tpu.memory_space<semaphore_mem>>)
    %dma_start3A_41 = arith.constant 0 : i32
    %dma_start3A_42 = tpu.memref_slice %arg5[%add3A_4, %dma_start3A_41] : memref<2048x768xf32, #tpu.memory_space<hbm>> -> memref<32x768xf32, #tpu.memory_space<hbm>>
    %dma_start3A_43 = arith.constant 0 : i32
    %dma_start3A_44 = tpu.memref_slice %arg5[%add3A_4, %dma_start3A_43] : memref<2048x768xf32, #tpu.memory_space<hbm>> -> memref<32x768xf32, #tpu.memory_space<hbm>>
    tpu.enqueue_dma source(%arg9 : memref<32x768xf32, #tpu.memory_space<vmem>>) target(%dma_start3A_44 : memref<32x768xf32, #tpu.memory_space<hbm>>) target_semaphore(%arg11 : memref<!tpu.dma_semaphore, #tpu.memory_space<semaphore_mem>>)
    %dma_wait3A_45 = arith.constant 0 : i32
    %dma_wait3A_46 = tpu.memref_slice %arg4[%add3A_4, %dma_wait3A_45] : memref<2048x768xf32, #tpu.memory_space<hbm>> -> memref<32x768xf32, #tpu.memory_space<hbm>>
    %dma_wait3A_47 = arith.constant 0 : i32
    %dma_wait3A_48 = tpu.memref_slice %arg4[%add3A_4, %dma_wait3A_47] : memref<2048x768xf32, #tpu.memory_space<hbm>> -> memref<32x768xf32, #tpu.memory_space<hbm>>
    tpu.wait_dma2 semaphore(%arg10 : memref<!tpu.dma_semaphore, #tpu.memory_space<semaphore_mem>>) src(%arg8 : memref<32x768xf32, #tpu.memory_space<vmem>>) dst(%dma_wait3A_48 : memref<32x768xf32, #tpu.memory_space<hbm>>)
    %dma_wait3A_49 = arith.constant 0 : i32
    %dma_wait3A_50 = tpu.memref_slice %arg5[%add3A_4, %dma_wait3A_49] : memref<2048x768xf32, #tpu.memory_space<hbm>> -> memref<32x768xf32, #tpu.memory_space<hbm>>
    %dma_wait3A_51 = arith.constant 0 : i32
    %dma_wait3A_52 = tpu.memref_slice %arg5[%add3A_4, %dma_wait3A_51] : memref<2048x768xf32, #tpu.memory_space<hbm>> -> memref<32x768xf32, #tpu.memory_space<hbm>>
    tpu.wait_dma2 semaphore(%arg11 : memref<!tpu.dma_semaphore, #tpu.memory_space<semaphore_mem>>) src(%arg9 : memref<32x768xf32, #tpu.memory_space<vmem>>) dst(%dma_wait3A_52 : memref<32x768xf32, #tpu.memory_space<hbm>>)
    %mul3A_53 = arith.constant 64 : i32
    %mul3A_54 = arith.muli %add3A, %mul3A_53 : i32
    %add3A_55 = arith.constant 32 : i32
    %add3A_56 = arith.addi %mul3A_54, %add3A_55 : i32
    %dma_start3A_57 = arith.constant 0 : i32
    %dma_start3A_58 = tpu.memref_slice %arg3[%dma_start3A_57, %add3A_56] : memref<8x4096xi32, #tpu.memory_space<hbm>> -> memref<1x32xi32, #tpu.memory_space<hbm>>
    %dma_start3A_59 = tpu.memref_squeeze %dma_start3A_58 : memref<1x32xi32, #tpu.memory_space<hbm>> -> memref<32xi32, #tpu.memory_space<hbm>>
    %dma_start3A_60 = tpu.memref_slice %arg3[%dma_start3A_57, %add3A_56] : memref<8x4096xi32, #tpu.memory_space<hbm>> -> memref<1x32xi32, #tpu.memory_space<hbm>>
    %dma_start3A_61 = tpu.memref_squeeze %dma_start3A_60 : memref<1x32xi32, #tpu.memory_space<hbm>> -> memref<32xi32, #tpu.memory_space<hbm>>
    tpu.enqueue_dma source(%dma_start3A_61 : memref<32xi32, #tpu.memory_space<hbm>>) target(%arg6 : memref<32xi32, #tpu.memory_space<vmem>>) target_semaphore(%arg10 : memref<!tpu.dma_semaphore, #tpu.memory_space<semaphore_mem>>)
    %add3A_62 = arith.constant 2048 : i32
    %add3A_63 = arith.addi %add3A_62, %add3A_56 : i32
    %dma_start3A_64 = arith.constant 0 : i32
    %dma_start3A_65 = tpu.memref_slice %arg3[%dma_start3A_64, %add3A_63] : memref<8x4096xi32, #tpu.memory_space<hbm>> -> memref<1x32xi32, #tpu.memory_space<hbm>>
    %dma_start3A_66 = tpu.memref_squeeze %dma_start3A_65 : memref<1x32xi32, #tpu.memory_space<hbm>> -> memref<32xi32, #tpu.memory_space<hbm>>
    %dma_start3A_67 = tpu.memref_slice %arg3[%dma_start3A_64, %add3A_63] : memref<8x4096xi32, #tpu.memory_space<hbm>> -> memref<1x32xi32, #tpu.memory_space<hbm>>
    %dma_start3A_68 = tpu.memref_squeeze %dma_start3A_67 : memref<1x32xi32, #tpu.memory_space<hbm>> -> memref<32xi32, #tpu.memory_space<hbm>>
    tpu.enqueue_dma source(%dma_start3A_68 : memref<32xi32, #tpu.memory_space<hbm>>) target(%arg7 : memref<32xi32, #tpu.memory_space<vmem>>) target_semaphore(%arg11 : memref<!tpu.dma_semaphore, #tpu.memory_space<semaphore_mem>>)
    %dma_wait3A_69 = arith.constant 0 : i32
    %dma_wait3A_70 = tpu.memref_slice %arg3[%dma_wait3A_69, %add3A_56] : memref<8x4096xi32, #tpu.memory_space<hbm>> -> memref<1x32xi32, #tpu.memory_space<hbm>>
    %dma_wait3A_71 = tpu.memref_squeeze %dma_wait3A_70 : memref<1x32xi32, #tpu.memory_space<hbm>> -> memref<32xi32, #tpu.memory_space<hbm>>
    %dma_wait3A_72 = tpu.memref_slice %arg3[%dma_wait3A_69, %add3A_56] : memref<8x4096xi32, #tpu.memory_space<hbm>> -> memref<1x32xi32, #tpu.memory_space<hbm>>
    %dma_wait3A_73 = tpu.memref_squeeze %dma_wait3A_72 : memref<1x32xi32, #tpu.memory_space<hbm>> -> memref<32xi32, #tpu.memory_space<hbm>>
    tpu.wait_dma2 semaphore(%arg10 : memref<!tpu.dma_semaphore, #tpu.memory_space<semaphore_mem>>) src(%dma_wait3A_73 : memref<32xi32, #tpu.memory_space<hbm>>) dst(%arg6 : memref<32xi32, #tpu.memory_space<vmem>>)
    %dma_wait3A_74 = arith.constant 0 : i32
    %dma_wait3A_75 = tpu.memref_slice %arg3[%dma_wait3A_74, %add3A_63] : memref<8x4096xi32, #tpu.memory_space<hbm>> -> memref<1x32xi32, #tpu.memory_space<hbm>>
    %dma_wait3A_76 = tpu.memref_squeeze %dma_wait3A_75 : memref<1x32xi32, #tpu.memory_space<hbm>> -> memref<32xi32, #tpu.memory_space<hbm>>
    %dma_wait3A_77 = tpu.memref_slice %arg3[%dma_wait3A_74, %add3A_63] : memref<8x4096xi32, #tpu.memory_space<hbm>> -> memref<1x32xi32, #tpu.memory_space<hbm>>
    %dma_wait3A_78 = tpu.memref_squeeze %dma_wait3A_77 : memref<1x32xi32, #tpu.memory_space<hbm>> -> memref<32xi32, #tpu.memory_space<hbm>>
    tpu.wait_dma2 semaphore(%arg11 : memref<!tpu.dma_semaphore, #tpu.memory_space<semaphore_mem>>) src(%dma_wait3A_78 : memref<32xi32, #tpu.memory_space<hbm>>) dst(%arg7 : memref<32xi32, #tpu.memory_space<vmem>>)
    %dma_start3A_79 = arith.constant 0 : i32
    %dma_start3A_80 = arith.constant 0 : i32
    %dma_start3A_81 = tpu.memref_slice %arg2[%dma_start3A_79, %dma_start3A_80] : memref<6144x768xf32, #tpu.memory_space<hbm>> -> memref<6144x768xf32, #tpu.memory_space<hbm>>
    tpu.enqueue_indirect_dma source(%dma_start3A_81 : memref<6144x768xf32, #tpu.memory_space<hbm>>) target(%arg8 : memref<32x768xf32, #tpu.memory_space<vmem>>) offsets(%arg6 : memref<32xi32, #tpu.memory_space<vmem>>) semaphore(%arg10 : memref<!tpu.dma_semaphore, #tpu.memory_space<semaphore_mem>>)
    %dma_start3A_82 = arith.constant 0 : i32
    %dma_start3A_83 = arith.constant 0 : i32
    %dma_start3A_84 = tpu.memref_slice %arg2[%dma_start3A_82, %dma_start3A_83] : memref<6144x768xf32, #tpu.memory_space<hbm>> -> memref<6144x768xf32, #tpu.memory_space<hbm>>
    tpu.enqueue_indirect_dma source(%dma_start3A_84 : memref<6144x768xf32, #tpu.memory_space<hbm>>) target(%arg9 : memref<32x768xf32, #tpu.memory_space<vmem>>) offsets(%arg7 : memref<32xi32, #tpu.memory_space<vmem>>) semaphore(%arg11 : memref<!tpu.dma_semaphore, #tpu.memory_space<semaphore_mem>>)
    %dma_wait3A_85 = arith.constant 0 : i32
    %dma_wait3A_86 = arith.constant 0 : i32
    %dma_wait3A_87 = tpu.memref_slice %arg2[%dma_wait3A_85, %dma_wait3A_86] : memref<6144x768xf32, #tpu.memory_space<hbm>> -> memref<6144x768xf32, #tpu.memory_space<hbm>>
    tpu.wait_indirect_dma semaphore(%arg10 : memref<!tpu.dma_semaphore, #tpu.memory_space<semaphore_mem>>) src(%dma_wait3A_87 : memref<6144x768xf32, #tpu.memory_space<hbm>>) dst(%arg8 : memref<32x768xf32, #tpu.memory_space<vmem>>)
    %dma_wait3A_88 = arith.constant 0 : i32
    %dma_wait3A_89 = arith.constant 0 : i32
    %dma_wait3A_90 = tpu.memref_slice %arg2[%dma_wait3A_88, %dma_wait3A_89] : memref<6144x768xf32, #tpu.memory_space<hbm>> -> memref<6144x768xf32, #tpu.memory_space<hbm>>
    tpu.wait_indirect_dma semaphore(%arg11 : memref<!tpu.dma_semaphore, #tpu.memory_space<semaphore_mem>>) src(%dma_wait3A_90 : memref<6144x768xf32, #tpu.memory_space<hbm>>) dst(%arg9 : memref<32x768xf32, #tpu.memory_space<vmem>>)
    %dma_start3A_91 = arith.constant 0 : i32
    %dma_start3A_92 = tpu.memref_slice %arg4[%add3A_56, %dma_start3A_91] : memref<2048x768xf32, #tpu.memory_space<hbm>> -> memref<32x768xf32, #tpu.memory_space<hbm>>
    %dma_start3A_93 = arith.constant 0 : i32
    %dma_start3A_94 = tpu.memref_slice %arg4[%add3A_56, %dma_start3A_93] : memref<2048x768xf32, #tpu.memory_space<hbm>> -> memref<32x768xf32, #tpu.memory_space<hbm>>
    tpu.enqueue_dma source(%arg8 : memref<32x768xf32, #tpu.memory_space<vmem>>) target(%dma_start3A_94 : memref<32x768xf32, #tpu.memory_space<hbm>>) target_semaphore(%arg10 : memref<!tpu.dma_semaphore, #tpu.memory_space<semaphore_mem>>)
    %dma_start3A_95 = arith.constant 0 : i32
    %dma_start3A_96 = tpu.memref_slice %arg5[%add3A_56, %dma_start3A_95] : memref<2048x768xf32, #tpu.memory_space<hbm>> -> memref<32x768xf32, #tpu.memory_space<hbm>>
    %dma_start3A_97 = arith.constant 0 : i32
    %dma_start3A_98 = tpu.memref_slice %arg5[%add3A_56, %dma_start3A_97] : memref<2048x768xf32, #tpu.memory_space<hbm>> -> memref<32x768xf32, #tpu.memory_space<hbm>>
    tpu.enqueue_dma source(%arg9 : memref<32x768xf32, #tpu.memory_space<vmem>>) target(%dma_start3A_98 : memref<32x768xf32, #tpu.memory_space<hbm>>) target_semaphore(%arg11 : memref<!tpu.dma_semaphore, #tpu.memory_space<semaphore_mem>>)
    %dma_wait3A_99 = arith.constant 0 : i32
    %dma_wait3A_100 = tpu.memref_slice %arg4[%add3A_56, %dma_wait3A_99] : memref<2048x768xf32, #tpu.memory_space<hbm>> -> memref<32x768xf32, #tpu.memory_space<hbm>>
    %dma_wait3A_101 = arith.constant 0 : i32
    %dma_wait3A_102 = tpu.memref_slice %arg4[%add3A_56, %dma_wait3A_101] : memref<2048x768xf32, #tpu.memory_space<hbm>> -> memref<32x768xf32, #tpu.memory_space<hbm>>
    tpu.wait_dma2 semaphore(%arg10 : memref<!tpu.dma_semaphore, #tpu.memory_space<semaphore_mem>>) src(%arg8 : memref<32x768xf32, #tpu.memory_space<vmem>>) dst(%dma_wait3A_102 : memref<32x768xf32, #tpu.memory_space<hbm>>)
    %dma_wait3A_103 = arith.constant 0 : i32
    %dma_wait3A_104 = tpu.memref_slice %arg5[%add3A_56, %dma_wait3A_103] : memref<2048x768xf32, #tpu.memory_space<hbm>> -> memref<32x768xf32, #tpu.memory_space<hbm>>
    %dma_wait3A_105 = arith.constant 0 : i32
    %dma_wait3A_106 = tpu.memref_slice %arg5[%add3A_56, %dma_wait3A_105] : memref<2048x768xf32, #tpu.memory_space<hbm>> -> memref<32x768xf32, #tpu.memory_space<hbm>>
    tpu.wait_dma2 semaphore(%arg11 : memref<!tpu.dma_semaphore, #tpu.memory_space<semaphore_mem>>) src(%arg9 : memref<32x768xf32, #tpu.memory_space<vmem>>) dst(%dma_wait3A_106 : memref<32x768xf32, #tpu.memory_space<hbm>>)
    return
  }
}

#map = affine_map<(d0, d1) -> (0, 0)>
module attributes {stable_mosaic.version = 14 : i64} {
  func.func @disp(%arg0: i32, %arg1: i32, %arg2: memref<2048x768xf32, #tpu.memory_space<hbm>>, %arg3: memref<8x4096xi32, #tpu.memory_space<hbm>>, %arg4: memref<6144x768xf32, #tpu.memory_space<hbm>>, %arg5: memref<32xi32, #tpu.memory_space<vmem>>, %arg6: memref<32xi32, #tpu.memory_space<vmem>>, %arg7: memref<32x768xf32, #tpu.memory_space<vmem>>, %arg8: memref<!tpu.dma_semaphore, #tpu.memory_space<semaphore_mem>>, %arg9: memref<!tpu.dma_semaphore, #tpu.memory_space<semaphore_mem>>, %arg10: memref<!tpu.dma_semaphore, #tpu.memory_space<semaphore_mem>>) attributes {dimension_semantics = [#tpu.dimension_semantics<core_parallel>, #tpu.dimension_semantics<subcore_parallel>], iteration_bounds = array<i64: 2, 16>, scalar_prefetch = 0 : i64, scratch_operands = 6 : i64, tpu.core_type = #tpu.core_type<sc_vector_subcore>, window_params = [{transform_indices = #map}, {transform_indices = #map}, {transform_indices = #map}]} {
    %mul3A = arith.constant 2 : i32
    %mul3A_0 = arith.muli %arg1, %mul3A : i32
    %add3A = arith.addi %mul3A_0, %arg0 : i32
    %mul3A_1 = arith.constant 64 : i32
    %mul3A_2 = arith.muli %add3A, %mul3A_1 : i32
    %add3A_3 = arith.constant 0 : i32
    %add3A_4 = arith.addi %mul3A_2, %add3A_3 : i32
    %dma_start3A = arith.constant 0 : i32
    %dma_start3A_5 = tpu.memref_slice %arg3[%dma_start3A, %add3A_4] : memref<8x4096xi32, #tpu.memory_space<hbm>> -> memref<1x32xi32, #tpu.memory_space<hbm>>
    %dma_start3A_6 = tpu.memref_squeeze %dma_start3A_5 : memref<1x32xi32, #tpu.memory_space<hbm>> -> memref<32xi32, #tpu.memory_space<hbm>>
    %dma_start3A_7 = tpu.memref_slice %arg3[%dma_start3A, %add3A_4] : memref<8x4096xi32, #tpu.memory_space<hbm>> -> memref<1x32xi32, #tpu.memory_space<hbm>>
    %dma_start3A_8 = tpu.memref_squeeze %dma_start3A_7 : memref<1x32xi32, #tpu.memory_space<hbm>> -> memref<32xi32, #tpu.memory_space<hbm>>
    tpu.enqueue_dma source(%dma_start3A_8 : memref<32xi32, #tpu.memory_space<hbm>>) target(%arg5 : memref<32xi32, #tpu.memory_space<vmem>>) target_semaphore(%arg8 : memref<!tpu.dma_semaphore, #tpu.memory_space<semaphore_mem>>)
    %add3A_9 = arith.constant 2048 : i32
    %add3A_10 = arith.addi %add3A_9, %add3A_4 : i32
    %dma_start3A_11 = arith.constant 0 : i32
    %dma_start3A_12 = tpu.memref_slice %arg3[%dma_start3A_11, %add3A_10] : memref<8x4096xi32, #tpu.memory_space<hbm>> -> memref<1x32xi32, #tpu.memory_space<hbm>>
    %dma_start3A_13 = tpu.memref_squeeze %dma_start3A_12 : memref<1x32xi32, #tpu.memory_space<hbm>> -> memref<32xi32, #tpu.memory_space<hbm>>
    %dma_start3A_14 = tpu.memref_slice %arg3[%dma_start3A_11, %add3A_10] : memref<8x4096xi32, #tpu.memory_space<hbm>> -> memref<1x32xi32, #tpu.memory_space<hbm>>
    %dma_start3A_15 = tpu.memref_squeeze %dma_start3A_14 : memref<1x32xi32, #tpu.memory_space<hbm>> -> memref<32xi32, #tpu.memory_space<hbm>>
    tpu.enqueue_dma source(%dma_start3A_15 : memref<32xi32, #tpu.memory_space<hbm>>) target(%arg6 : memref<32xi32, #tpu.memory_space<vmem>>) target_semaphore(%arg9 : memref<!tpu.dma_semaphore, #tpu.memory_space<semaphore_mem>>)
    %dma_start3A_16 = arith.constant 0 : i32
    %dma_start3A_17 = tpu.memref_slice %arg2[%add3A_4, %dma_start3A_16] : memref<2048x768xf32, #tpu.memory_space<hbm>> -> memref<32x768xf32, #tpu.memory_space<hbm>>
    %dma_start3A_18 = arith.constant 0 : i32
    %dma_start3A_19 = tpu.memref_slice %arg2[%add3A_4, %dma_start3A_18] : memref<2048x768xf32, #tpu.memory_space<hbm>> -> memref<32x768xf32, #tpu.memory_space<hbm>>
    tpu.enqueue_dma source(%dma_start3A_19 : memref<32x768xf32, #tpu.memory_space<hbm>>) target(%arg7 : memref<32x768xf32, #tpu.memory_space<vmem>>) target_semaphore(%arg10 : memref<!tpu.dma_semaphore, #tpu.memory_space<semaphore_mem>>)
    %dma_wait3A = arith.constant 0 : i32
    %dma_wait3A_20 = tpu.memref_slice %arg3[%dma_wait3A, %add3A_4] : memref<8x4096xi32, #tpu.memory_space<hbm>> -> memref<1x32xi32, #tpu.memory_space<hbm>>
    %dma_wait3A_21 = tpu.memref_squeeze %dma_wait3A_20 : memref<1x32xi32, #tpu.memory_space<hbm>> -> memref<32xi32, #tpu.memory_space<hbm>>
    %dma_wait3A_22 = tpu.memref_slice %arg3[%dma_wait3A, %add3A_4] : memref<8x4096xi32, #tpu.memory_space<hbm>> -> memref<1x32xi32, #tpu.memory_space<hbm>>
    %dma_wait3A_23 = tpu.memref_squeeze %dma_wait3A_22 : memref<1x32xi32, #tpu.memory_space<hbm>> -> memref<32xi32, #tpu.memory_space<hbm>>
    tpu.wait_dma2 semaphore(%arg8 : memref<!tpu.dma_semaphore, #tpu.memory_space<semaphore_mem>>) src(%dma_wait3A_23 : memref<32xi32, #tpu.memory_space<hbm>>) dst(%arg5 : memref<32xi32, #tpu.memory_space<vmem>>)
    %dma_wait3A_24 = arith.constant 0 : i32
    %dma_wait3A_25 = tpu.memref_slice %arg3[%dma_wait3A_24, %add3A_10] : memref<8x4096xi32, #tpu.memory_space<hbm>> -> memref<1x32xi32, #tpu.memory_space<hbm>>
    %dma_wait3A_26 = tpu.memref_squeeze %dma_wait3A_25 : memref<1x32xi32, #tpu.memory_space<hbm>> -> memref<32xi32, #tpu.memory_space<hbm>>
    %dma_wait3A_27 = tpu.memref_slice %arg3[%dma_wait3A_24, %add3A_10] : memref<8x4096xi32, #tpu.memory_space<hbm>> -> memref<1x32xi32, #tpu.memory_space<hbm>>
    %dma_wait3A_28 = tpu.memref_squeeze %dma_wait3A_27 : memref<1x32xi32, #tpu.memory_space<hbm>> -> memref<32xi32, #tpu.memory_space<hbm>>
    tpu.wait_dma2 semaphore(%arg9 : memref<!tpu.dma_semaphore, #tpu.memory_space<semaphore_mem>>) src(%dma_wait3A_28 : memref<32xi32, #tpu.memory_space<hbm>>) dst(%arg6 : memref<32xi32, #tpu.memory_space<vmem>>)
    %dma_wait3A_29 = arith.constant 0 : i32
    %dma_wait3A_30 = tpu.memref_slice %arg2[%add3A_4, %dma_wait3A_29] : memref<2048x768xf32, #tpu.memory_space<hbm>> -> memref<32x768xf32, #tpu.memory_space<hbm>>
    %dma_wait3A_31 = arith.constant 0 : i32
    %dma_wait3A_32 = tpu.memref_slice %arg2[%add3A_4, %dma_wait3A_31] : memref<2048x768xf32, #tpu.memory_space<hbm>> -> memref<32x768xf32, #tpu.memory_space<hbm>>
    tpu.wait_dma2 semaphore(%arg10 : memref<!tpu.dma_semaphore, #tpu.memory_space<semaphore_mem>>) src(%dma_wait3A_32 : memref<32x768xf32, #tpu.memory_space<hbm>>) dst(%arg7 : memref<32x768xf32, #tpu.memory_space<vmem>>)
    %dma_start3A_33 = arith.constant 0 : i32
    %dma_start3A_34 = arith.constant 0 : i32
    %dma_start3A_35 = tpu.memref_slice %arg4[%dma_start3A_33, %dma_start3A_34] : memref<6144x768xf32, #tpu.memory_space<hbm>> -> memref<6144x768xf32, #tpu.memory_space<hbm>>
    tpu.enqueue_indirect_dma source(%arg7 : memref<32x768xf32, #tpu.memory_space<vmem>>) target(%dma_start3A_35 : memref<6144x768xf32, #tpu.memory_space<hbm>>) offsets(%arg5 : memref<32xi32, #tpu.memory_space<vmem>>) semaphore(%arg8 : memref<!tpu.dma_semaphore, #tpu.memory_space<semaphore_mem>>)
    %dma_start3A_36 = arith.constant 0 : i32
    %dma_start3A_37 = arith.constant 0 : i32
    %dma_start3A_38 = tpu.memref_slice %arg4[%dma_start3A_36, %dma_start3A_37] : memref<6144x768xf32, #tpu.memory_space<hbm>> -> memref<6144x768xf32, #tpu.memory_space<hbm>>
    tpu.enqueue_indirect_dma source(%arg7 : memref<32x768xf32, #tpu.memory_space<vmem>>) target(%dma_start3A_38 : memref<6144x768xf32, #tpu.memory_space<hbm>>) offsets(%arg6 : memref<32xi32, #tpu.memory_space<vmem>>) semaphore(%arg9 : memref<!tpu.dma_semaphore, #tpu.memory_space<semaphore_mem>>)
    %dma_wait3A_39 = arith.constant 0 : i32
    %dma_wait3A_40 = arith.constant 0 : i32
    %dma_wait3A_41 = tpu.memref_slice %arg4[%dma_wait3A_39, %dma_wait3A_40] : memref<6144x768xf32, #tpu.memory_space<hbm>> -> memref<6144x768xf32, #tpu.memory_space<hbm>>
    tpu.wait_indirect_dma semaphore(%arg8 : memref<!tpu.dma_semaphore, #tpu.memory_space<semaphore_mem>>) src(%arg7 : memref<32x768xf32, #tpu.memory_space<vmem>>) dst(%dma_wait3A_41 : memref<6144x768xf32, #tpu.memory_space<hbm>>)
    %dma_wait3A_42 = arith.constant 0 : i32
    %dma_wait3A_43 = arith.constant 0 : i32
    %dma_wait3A_44 = tpu.memref_slice %arg4[%dma_wait3A_42, %dma_wait3A_43] : memref<6144x768xf32, #tpu.memory_space<hbm>> -> memref<6144x768xf32, #tpu.memory_space<hbm>>
    tpu.wait_indirect_dma semaphore(%arg9 : memref<!tpu.dma_semaphore, #tpu.memory_space<semaphore_mem>>) src(%arg7 : memref<32x768xf32, #tpu.memory_space<vmem>>) dst(%dma_wait3A_44 : memref<6144x768xf32, #tpu.memory_space<hbm>>)
    %mul3A_45 = arith.constant 64 : i32
    %mul3A_46 = arith.muli %add3A, %mul3A_45 : i32
    %add3A_47 = arith.constant 32 : i32
    %add3A_48 = arith.addi %mul3A_46, %add3A_47 : i32
    %dma_start3A_49 = arith.constant 0 : i32
    %dma_start3A_50 = tpu.memref_slice %arg3[%dma_start3A_49, %add3A_48] : memref<8x4096xi32, #tpu.memory_space<hbm>> -> memref<1x32xi32, #tpu.memory_space<hbm>>
    %dma_start3A_51 = tpu.memref_squeeze %dma_start3A_50 : memref<1x32xi32, #tpu.memory_space<hbm>> -> memref<32xi32, #tpu.memory_space<hbm>>
    %dma_start3A_52 = tpu.memref_slice %arg3[%dma_start3A_49, %add3A_48] : memref<8x4096xi32, #tpu.memory_space<hbm>> -> memref<1x32xi32, #tpu.memory_space<hbm>>
    %dma_start3A_53 = tpu.memref_squeeze %dma_start3A_52 : memref<1x32xi32, #tpu.memory_space<hbm>> -> memref<32xi32, #tpu.memory_space<hbm>>
    tpu.enqueue_dma source(%dma_start3A_53 : memref<32xi32, #tpu.memory_space<hbm>>) target(%arg5 : memref<32xi32, #tpu.memory_space<vmem>>) target_semaphore(%arg8 : memref<!tpu.dma_semaphore, #tpu.memory_space<semaphore_mem>>)
    %add3A_54 = arith.constant 2048 : i32
    %add3A_55 = arith.addi %add3A_54, %add3A_48 : i32
    %dma_start3A_56 = arith.constant 0 : i32
    %dma_start3A_57 = tpu.memref_slice %arg3[%dma_start3A_56, %add3A_55] : memref<8x4096xi32, #tpu.memory_space<hbm>> -> memref<1x32xi32, #tpu.memory_space<hbm>>
    %dma_start3A_58 = tpu.memref_squeeze %dma_start3A_57 : memref<1x32xi32, #tpu.memory_space<hbm>> -> memref<32xi32, #tpu.memory_space<hbm>>
    %dma_start3A_59 = tpu.memref_slice %arg3[%dma_start3A_56, %add3A_55] : memref<8x4096xi32, #tpu.memory_space<hbm>> -> memref<1x32xi32, #tpu.memory_space<hbm>>
    %dma_start3A_60 = tpu.memref_squeeze %dma_start3A_59 : memref<1x32xi32, #tpu.memory_space<hbm>> -> memref<32xi32, #tpu.memory_space<hbm>>
    tpu.enqueue_dma source(%dma_start3A_60 : memref<32xi32, #tpu.memory_space<hbm>>) target(%arg6 : memref<32xi32, #tpu.memory_space<vmem>>) target_semaphore(%arg9 : memref<!tpu.dma_semaphore, #tpu.memory_space<semaphore_mem>>)
    %dma_start3A_61 = arith.constant 0 : i32
    %dma_start3A_62 = tpu.memref_slice %arg2[%add3A_48, %dma_start3A_61] : memref<2048x768xf32, #tpu.memory_space<hbm>> -> memref<32x768xf32, #tpu.memory_space<hbm>>
    %dma_start3A_63 = arith.constant 0 : i32
    %dma_start3A_64 = tpu.memref_slice %arg2[%add3A_48, %dma_start3A_63] : memref<2048x768xf32, #tpu.memory_space<hbm>> -> memref<32x768xf32, #tpu.memory_space<hbm>>
    tpu.enqueue_dma source(%dma_start3A_64 : memref<32x768xf32, #tpu.memory_space<hbm>>) target(%arg7 : memref<32x768xf32, #tpu.memory_space<vmem>>) target_semaphore(%arg10 : memref<!tpu.dma_semaphore, #tpu.memory_space<semaphore_mem>>)
    %dma_wait3A_65 = arith.constant 0 : i32
    %dma_wait3A_66 = tpu.memref_slice %arg3[%dma_wait3A_65, %add3A_48] : memref<8x4096xi32, #tpu.memory_space<hbm>> -> memref<1x32xi32, #tpu.memory_space<hbm>>
    %dma_wait3A_67 = tpu.memref_squeeze %dma_wait3A_66 : memref<1x32xi32, #tpu.memory_space<hbm>> -> memref<32xi32, #tpu.memory_space<hbm>>
    %dma_wait3A_68 = tpu.memref_slice %arg3[%dma_wait3A_65, %add3A_48] : memref<8x4096xi32, #tpu.memory_space<hbm>> -> memref<1x32xi32, #tpu.memory_space<hbm>>
    %dma_wait3A_69 = tpu.memref_squeeze %dma_wait3A_68 : memref<1x32xi32, #tpu.memory_space<hbm>> -> memref<32xi32, #tpu.memory_space<hbm>>
    tpu.wait_dma2 semaphore(%arg8 : memref<!tpu.dma_semaphore, #tpu.memory_space<semaphore_mem>>) src(%dma_wait3A_69 : memref<32xi32, #tpu.memory_space<hbm>>) dst(%arg5 : memref<32xi32, #tpu.memory_space<vmem>>)
    %dma_wait3A_70 = arith.constant 0 : i32
    %dma_wait3A_71 = tpu.memref_slice %arg3[%dma_wait3A_70, %add3A_55] : memref<8x4096xi32, #tpu.memory_space<hbm>> -> memref<1x32xi32, #tpu.memory_space<hbm>>
    %dma_wait3A_72 = tpu.memref_squeeze %dma_wait3A_71 : memref<1x32xi32, #tpu.memory_space<hbm>> -> memref<32xi32, #tpu.memory_space<hbm>>
    %dma_wait3A_73 = tpu.memref_slice %arg3[%dma_wait3A_70, %add3A_55] : memref<8x4096xi32, #tpu.memory_space<hbm>> -> memref<1x32xi32, #tpu.memory_space<hbm>>
    %dma_wait3A_74 = tpu.memref_squeeze %dma_wait3A_73 : memref<1x32xi32, #tpu.memory_space<hbm>> -> memref<32xi32, #tpu.memory_space<hbm>>
    tpu.wait_dma2 semaphore(%arg9 : memref<!tpu.dma_semaphore, #tpu.memory_space<semaphore_mem>>) src(%dma_wait3A_74 : memref<32xi32, #tpu.memory_space<hbm>>) dst(%arg6 : memref<32xi32, #tpu.memory_space<vmem>>)
    %dma_wait3A_75 = arith.constant 0 : i32
    %dma_wait3A_76 = tpu.memref_slice %arg2[%add3A_48, %dma_wait3A_75] : memref<2048x768xf32, #tpu.memory_space<hbm>> -> memref<32x768xf32, #tpu.memory_space<hbm>>
    %dma_wait3A_77 = arith.constant 0 : i32
    %dma_wait3A_78 = tpu.memref_slice %arg2[%add3A_48, %dma_wait3A_77] : memref<2048x768xf32, #tpu.memory_space<hbm>> -> memref<32x768xf32, #tpu.memory_space<hbm>>
    tpu.wait_dma2 semaphore(%arg10 : memref<!tpu.dma_semaphore, #tpu.memory_space<semaphore_mem>>) src(%dma_wait3A_78 : memref<32x768xf32, #tpu.memory_space<hbm>>) dst(%arg7 : memref<32x768xf32, #tpu.memory_space<vmem>>)
    %dma_start3A_79 = arith.constant 0 : i32
    %dma_start3A_80 = arith.constant 0 : i32
    %dma_start3A_81 = tpu.memref_slice %arg4[%dma_start3A_79, %dma_start3A_80] : memref<6144x768xf32, #tpu.memory_space<hbm>> -> memref<6144x768xf32, #tpu.memory_space<hbm>>
    tpu.enqueue_indirect_dma source(%arg7 : memref<32x768xf32, #tpu.memory_space<vmem>>) target(%dma_start3A_81 : memref<6144x768xf32, #tpu.memory_space<hbm>>) offsets(%arg5 : memref<32xi32, #tpu.memory_space<vmem>>) semaphore(%arg8 : memref<!tpu.dma_semaphore, #tpu.memory_space<semaphore_mem>>)
    %dma_start3A_82 = arith.constant 0 : i32
    %dma_start3A_83 = arith.constant 0 : i32
    %dma_start3A_84 = tpu.memref_slice %arg4[%dma_start3A_82, %dma_start3A_83] : memref<6144x768xf32, #tpu.memory_space<hbm>> -> memref<6144x768xf32, #tpu.memory_space<hbm>>
    tpu.enqueue_indirect_dma source(%arg7 : memref<32x768xf32, #tpu.memory_space<vmem>>) target(%dma_start3A_84 : memref<6144x768xf32, #tpu.memory_space<hbm>>) offsets(%arg6 : memref<32xi32, #tpu.memory_space<vmem>>) semaphore(%arg9 : memref<!tpu.dma_semaphore, #tpu.memory_space<semaphore_mem>>)
    %dma_wait3A_85 = arith.constant 0 : i32
    %dma_wait3A_86 = arith.constant 0 : i32
    %dma_wait3A_87 = tpu.memref_slice %arg4[%dma_wait3A_85, %dma_wait3A_86] : memref<6144x768xf32, #tpu.memory_space<hbm>> -> memref<6144x768xf32, #tpu.memory_space<hbm>>
    tpu.wait_indirect_dma semaphore(%arg8 : memref<!tpu.dma_semaphore, #tpu.memory_space<semaphore_mem>>) src(%arg7 : memref<32x768xf32, #tpu.memory_space<vmem>>) dst(%dma_wait3A_87 : memref<6144x768xf32, #tpu.memory_space<hbm>>)
    %dma_wait3A_88 = arith.constant 0 : i32
    %dma_wait3A_89 = arith.constant 0 : i32
    %dma_wait3A_90 = tpu.memref_slice %arg4[%dma_wait3A_88, %dma_wait3A_89] : memref<6144x768xf32, #tpu.memory_space<hbm>> -> memref<6144x768xf32, #tpu.memory_space<hbm>>
    tpu.wait_indirect_dma semaphore(%arg9 : memref<!tpu.dma_semaphore, #tpu.memory_space<semaphore_mem>>) src(%arg7 : memref<32x768xf32, #tpu.memory_space<vmem>>) dst(%dma_wait3A_90 : memref<6144x768xf32, #tpu.memory_space<hbm>>)
    return
  }
}

module attributes {stable_mosaic.version = 14 : i64} {
  func.func @_qkv_kernel(%arg0: i32, %arg1: memref<256x768xf32, #tpu.memory_space<vmem>>, %arg2: memref<256x1024xf32, #tpu.memory_space<vmem>>, %arg3: memref<256x1024xf32, #tpu.memory_space<vmem>>, %arg4: memref<768x1280xf32, #tpu.memory_space<vmem>>, %arg5: memref<768x1024xf32, #tpu.memory_space<vmem>>, %arg6: memref<1x768xf32, #tpu.memory_space<vmem>>, %arg7: memref<256x1280xf32, #tpu.memory_space<vmem>>) attributes {dimension_semantics = [#tpu.dimension_semantics<arbitrary>], iteration_bounds = array<i64: 8>, scalar_prefetch = 0 : i64, scratch_operands = 0 : i64, tpu.core_type = #tpu.core_type<tc>, window_params = [{transform_indices = @transform_0, window_bounds = array<i64: 256, 768>}, {transform_indices = @transform_1, window_bounds = array<i64: 256, 1024>}, {transform_indices = @transform_2, window_bounds = array<i64: 256, 1024>}, {pipeline_mode = #tpu.pipeline_mode<synchronous>, transform_indices = @transform_3, window_bounds = array<i64: 768, 1280>}, {pipeline_mode = #tpu.pipeline_mode<synchronous>, transform_indices = @transform_4, window_bounds = array<i64: 768, 1024>}, {pipeline_mode = #tpu.pipeline_mode<synchronous>, transform_indices = @transform_5, window_bounds = array<i64: 1, 768>}, {transform_indices = @transform_6, window_bounds = array<i64: 256, 1280>}]} {
    %get3A = arith.constant 0 : index
    %get3A_0 = arith.constant 0 : index
    %get3A_1 = vector.load %arg1[%get3A, %get3A_0] : memref<256x768xf32, #tpu.memory_space<vmem>>, vector<256x768xf32>
    %mul3A = arith.mulf %get3A_1, %get3A_1 : vector<256x768xf32>
    %reduce_sum3A = arith.constant dense<0.000000e+00> : vector<256xf32>
    %reduce_sum3A_2 = vector.multi_reduction <add>, %mul3A, %reduce_sum3A [1] : vector<256x768xf32> to vector<256xf32>
    %broadcast_in_dim3A = vector.shape_cast %reduce_sum3A_2 : vector<256xf32> to vector<256x1xf32>
    %div3A = arith.constant 7.680000e+02 : f32
    %div3A_3 = vector.broadcast %div3A : f32 to vector<256x1xf32>
    %div3A_4 = arith.divf %broadcast_in_dim3A, %div3A_3 : vector<256x1xf32>
    %add3A = arith.constant 9.99999974E-6 : f32
    %add3A_5 = vector.broadcast %add3A : f32 to vector<256x1xf32>
    %add3A_6 = arith.addf %div3A_4, %add3A_5 : vector<256x1xf32>
    %rsqrt3A = math.rsqrt %add3A_6 : vector<256x1xf32>
    %mul3A_7 = vector.broadcast %rsqrt3A : vector<256x1xf32> to vector<256x768xf32>
    %mul3A_8 = arith.mulf %get3A_1, %mul3A_7 : vector<256x768xf32>
    %get3A_9 = arith.constant 0 : index
    %get3A_10 = arith.constant 0 : index
    %get3A_11 = vector.load %arg6[%get3A_9, %get3A_10] : memref<1x768xf32, #tpu.memory_space<vmem>>, vector<1x768xf32>
    %mul3A_12 = vector.broadcast %get3A_11 : vector<1x768xf32> to vector<256x768xf32>
    %mul3A_13 = arith.mulf %mul3A_8, %mul3A_12 : vector<256x768xf32>
    %get3A_14 = arith.constant 0 : index
    %get3A_15 = arith.constant 0 : index
    %get3A_16 = vector.load %arg4[%get3A_14, %get3A_15] : memref<768x1280xf32, #tpu.memory_space<vmem>>, vector<768x1280xf32>
    %dot_general3A = arith.constant dense<0.000000e+00> : vector<256x1280xf32>
    %dot_general3A_17 = tpu.matmul %mul3A_13, %get3A_16, %dot_general3A {dimension_numbers = #tpu.dot_dimension_numbers<[1], [0], [0], [1], [0, 0, 1, 1], [], []>, transpose_lhs_hint = false} : vector<256x768xf32>, vector<768x1280xf32>, vector<256x1280xf32> -> vector<256x1280xf32>
    %get3A_18 = arith.constant 0 : index
    %get3A_19 = arith.constant 0 : index
    %get3A_20 = vector.load %arg5[%get3A_18, %get3A_19] : memref<768x1024xf32, #tpu.memory_space<vmem>>, vector<768x1024xf32>
    %dot_general3A_21 = arith.constant dense<0.000000e+00> : vector<256x1024xf32>
    %dot_general3A_22 = tpu.matmul %mul3A_13, %get3A_20, %dot_general3A_21 {dimension_numbers = #tpu.dot_dimension_numbers<[1], [0], [0], [1], [0, 0, 1, 1], [], []>, transpose_lhs_hint = false} : vector<256x768xf32>, vector<768x1024xf32>, vector<256x1024xf32> -> vector<256x1024xf32>
    %slice3A = vector.extract_strided_slice %dot_general3A_17 {offsets = [0, 0], sizes = [256, 1024], strides = [1, 1]} : vector<256x1280xf32> to vector<256x1024xf32>
    %get3A_23 = arith.constant 0 : index
    %get3A_24 = arith.constant 0 : index
    %get3A_25 = vector.load %arg2[%get3A_23, %get3A_24] : memref<256x1024xf32, #tpu.memory_space<vmem>>, vector<256x1024xf32>
    %mul3A_26 = arith.mulf %slice3A, %get3A_25 : vector<256x1024xf32>
    %get3A_27 = arith.constant 0 : index
    %get3A_28 = arith.constant 0 : index
    %get3A_29 = vector.load %arg3[%get3A_27, %get3A_28] : memref<256x1024xf32, #tpu.memory_space<vmem>>, vector<256x1024xf32>
    %mul3A_30 = arith.mulf %dot_general3A_22, %get3A_29 : vector<256x1024xf32>
    %add3A_31 = arith.addf %mul3A_26, %mul3A_30 : vector<256x1024xf32>
    %slice3A_32 = vector.extract_strided_slice %dot_general3A_17 {offsets = [0, 1024], sizes = [256, 256], strides = [1, 1]} : vector<256x1280xf32> to vector<256x256xf32>
    %concatenate3A = tpu.concatenate %add3A_31, %slice3A_32 in 1 : vector<256x1024xf32>, vector<256x256xf32> -> vector<256x1280xf32>
    %swap3A = arith.constant 0 : index
    %swap3A_33 = arith.constant 0 : index
    %swap3A_34 = vector.load %arg7[%swap3A, %swap3A_33] : memref<256x1280xf32, #tpu.memory_space<vmem>>, vector<256x1280xf32>
    tpu.vector_store %arg7[%swap3A, %swap3A_33], %concatenate3A {strides = array<i32>} : memref<256x1280xf32, #tpu.memory_space<vmem>>, vector<256x1280xf32>,
    return
  }
  func.func @transform_0(%arg0: i32) -> (i32, i32) {
    %c0_i32 = arith.constant 0 : i32
    %c0_i32_0 = arith.constant 0 : i32
    return %arg0, %c0_i32 : i32, i32
  }
  func.func @transform_1(%arg0: i32) -> (i32, i32) {
    %c0_i32 = arith.constant 0 : i32
    %c0_i32_0 = arith.constant 0 : i32
    return %arg0, %c0_i32 : i32, i32
  }
  func.func @transform_2(%arg0: i32) -> (i32, i32) {
    %c0_i32 = arith.constant 0 : i32
    %c0_i32_0 = arith.constant 0 : i32
    return %arg0, %c0_i32 : i32, i32
  }
  func.func @transform_3(%arg0: i32) -> (i32, i32) {
    %c0_i32 = arith.constant 0 : i32
    %c0_i32_0 = arith.constant 0 : i32
    %c0_i32_1 = arith.constant 0 : i32
    return %c0_i32, %c0_i32_0 : i32, i32
  }
  func.func @transform_4(%arg0: i32) -> (i32, i32) {
    %c0_i32 = arith.constant 0 : i32
    %c0_i32_0 = arith.constant 0 : i32
    %c0_i32_1 = arith.constant 0 : i32
    return %c0_i32, %c0_i32_0 : i32, i32
  }
  func.func @transform_5(%arg0: i32) -> (i32, i32) {
    %c0_i32 = arith.constant 0 : i32
    %c0_i32_0 = arith.constant 0 : i32
    %c0_i32_1 = arith.constant 0 : i32
    return %c0_i32, %c0_i32_0 : i32, i32
  }
  func.func @transform_6(%arg0: i32) -> (i32, i32) {
    %c0_i32 = arith.constant 0 : i32
    %c0_i32_0 = arith.constant 0 : i32
    return %arg0, %c0_i32 : i32, i32
  }
}

module attributes {stable_mosaic.version = 14 : i64} {
  func.func @_post_kernel(%arg0: i32, %arg1: memref<256x768xf32, #tpu.memory_space<vmem>>, %arg2: memref<256x768xf32, #tpu.memory_space<vmem>>, %arg3: memref<768x768xf32, #tpu.memory_space<vmem>>, %arg4: memref<768x8xf32, #tpu.memory_space<vmem>>, %arg5: memref<1x768xf32, #tpu.memory_space<vmem>>, %arg6: memref<256x768xf32, #tpu.memory_space<vmem>>, %arg7: memref<256x768xf32, #tpu.memory_space<vmem>>, %arg8: memref<256x8xf32, #tpu.memory_space<vmem>>) attributes {dimension_semantics = [#tpu.dimension_semantics<arbitrary>], iteration_bounds = array<i64: 8>, scalar_prefetch = 0 : i64, scratch_operands = 0 : i64, tpu.core_type = #tpu.core_type<tc>, window_params = [{transform_indices = @transform_0, window_bounds = array<i64: 256, 768>}, {transform_indices = @transform_1, window_bounds = array<i64: 256, 768>}, {pipeline_mode = #tpu.pipeline_mode<synchronous>, transform_indices = @transform_2, window_bounds = array<i64: 768, 768>}, {pipeline_mode = #tpu.pipeline_mode<synchronous>, transform_indices = @transform_3, window_bounds = array<i64: 768, 8>}, {pipeline_mode = #tpu.pipeline_mode<synchronous>, transform_indices = @transform_4, window_bounds = array<i64: 1, 768>}, {transform_indices = @transform_5, window_bounds = array<i64: 256, 768>}, {transform_indices = @transform_6, window_bounds = array<i64: 256, 768>}, {transform_indices = @transform_7, window_bounds = array<i64: 256, 8>}]} {
    %get3A = arith.constant 0 : index
    %get3A_0 = arith.constant 0 : index
    %get3A_1 = vector.load %arg1[%get3A, %get3A_0] : memref<256x768xf32, #tpu.memory_space<vmem>>, vector<256x768xf32>
    %get3A_2 = arith.constant 0 : index
    %get3A_3 = arith.constant 0 : index
    %get3A_4 = vector.load %arg3[%get3A_2, %get3A_3] : memref<768x768xf32, #tpu.memory_space<vmem>>, vector<768x768xf32>
    %dot_general3A = arith.constant dense<0.000000e+00> : vector<256x768xf32>
    %dot_general3A_5 = tpu.matmul %get3A_1, %get3A_4, %dot_general3A {dimension_numbers = #tpu.dot_dimension_numbers<[1], [0], [0], [1], [0, 0, 1, 1], [], []>, transpose_lhs_hint = false} : vector<256x768xf32>, vector<768x768xf32>, vector<256x768xf32> -> vector<256x768xf32>
    %get3A_6 = arith.constant 0 : index
    %get3A_7 = arith.constant 0 : index
    %get3A_8 = vector.load %arg2[%get3A_6, %get3A_7] : memref<256x768xf32, #tpu.memory_space<vmem>>, vector<256x768xf32>
    %add3A = arith.addf %dot_general3A_5, %get3A_8 : vector<256x768xf32>
    %swap3A = arith.constant 0 : index
    %swap3A_9 = arith.constant 0 : index
    %swap3A_10 = vector.load %arg6[%swap3A, %swap3A_9] : memref<256x768xf32, #tpu.memory_space<vmem>>, vector<256x768xf32>
    tpu.vector_store %arg6[%swap3A, %swap3A_9], %add3A {strides = array<i32>} : memref<256x768xf32, #tpu.memory_space<vmem>>, vector<256x768xf32>,
    %mul3A = arith.mulf %add3A, %add3A : vector<256x768xf32>
    %reduce_sum3A = arith.constant dense<0.000000e+00> : vector<256xf32>
    %reduce_sum3A_11 = vector.multi_reduction <add>, %mul3A, %reduce_sum3A [1] : vector<256x768xf32> to vector<256xf32>
    %broadcast_in_dim3A = vector.shape_cast %reduce_sum3A_11 : vector<256xf32> to vector<256x1xf32>
    %div3A = arith.constant 7.680000e+02 : f32
    %div3A_12 = vector.broadcast %div3A : f32 to vector<256x1xf32>
    %div3A_13 = arith.divf %broadcast_in_dim3A, %div3A_12 : vector<256x1xf32>
    %add3A_14 = arith.constant 9.99999974E-6 : f32
    %add3A_15 = vector.broadcast %add3A_14 : f32 to vector<256x1xf32>
    %add3A_16 = arith.addf %div3A_13, %add3A_15 : vector<256x1xf32>
    %rsqrt3A = math.rsqrt %add3A_16 : vector<256x1xf32>
    %mul3A_17 = vector.broadcast %rsqrt3A : vector<256x1xf32> to vector<256x768xf32>
    %mul3A_18 = arith.mulf %add3A, %mul3A_17 : vector<256x768xf32>
    %get3A_19 = arith.constant 0 : index
    %get3A_20 = arith.constant 0 : index
    %get3A_21 = vector.load %arg5[%get3A_19, %get3A_20] : memref<1x768xf32, #tpu.memory_space<vmem>>, vector<1x768xf32>
    %mul3A_22 = vector.broadcast %get3A_21 : vector<1x768xf32> to vector<256x768xf32>
    %mul3A_23 = arith.mulf %mul3A_18, %mul3A_22 : vector<256x768xf32>
    %swap3A_24 = arith.constant 0 : index
    %swap3A_25 = arith.constant 0 : index
    %swap3A_26 = vector.load %arg7[%swap3A_24, %swap3A_25] : memref<256x768xf32, #tpu.memory_space<vmem>>, vector<256x768xf32>
    tpu.vector_store %arg7[%swap3A_24, %swap3A_25], %mul3A_23 {strides = array<i32>} : memref<256x768xf32, #tpu.memory_space<vmem>>, vector<256x768xf32>,
    %get3A_27 = arith.constant 0 : index
    %get3A_28 = arith.constant 0 : index
    %get3A_29 = vector.load %arg4[%get3A_27, %get3A_28] : memref<768x8xf32, #tpu.memory_space<vmem>>, vector<768x8xf32>
    %dot_general3A_30 = arith.constant dense<0.000000e+00> : vector<256x8xf32>
    %dot_general3A_31 = tpu.matmul %mul3A_23, %get3A_29, %dot_general3A_30 {dimension_numbers = #tpu.dot_dimension_numbers<[1], [0], [0], [1], [0, 0, 1, 1], [], []>, transpose_lhs_hint = false} : vector<256x768xf32>, vector<768x8xf32>, vector<256x8xf32> -> vector<256x8xf32>
    %reduce_max3A = arith.constant dense<0xFF800000> : vector<256xf32>
    %reduce_max3A_32 = vector.multi_reduction <maximumf>, %dot_general3A_31, %reduce_max3A [1] : vector<256x8xf32> to vector<256xf32>
    %broadcast_in_dim3A_33 = vector.shape_cast %reduce_max3A_32 : vector<256xf32> to vector<256x1xf32>
    %sub3A = vector.broadcast %broadcast_in_dim3A_33 : vector<256x1xf32> to vector<256x8xf32>
    %sub3A_34 = arith.subf %dot_general3A_31, %sub3A : vector<256x8xf32>
    %exp3A = math.exp %sub3A_34 : vector<256x8xf32>
    %reduce_sum3A_35 = arith.constant dense<0.000000e+00> : vector<256xf32>
    %reduce_sum3A_36 = vector.multi_reduction <add>, %exp3A, %reduce_sum3A_35 [1] : vector<256x8xf32> to vector<256xf32>
    %broadcast_in_dim3A_37 = vector.shape_cast %reduce_sum3A_36 : vector<256xf32> to vector<256x1xf32>
    %div3A_38 = vector.broadcast %broadcast_in_dim3A_37 : vector<256x1xf32> to vector<256x8xf32>
    %div3A_39 = arith.divf %exp3A, %div3A_38 : vector<256x8xf32>
    %swap3A_40 = arith.constant 0 : index
    %swap3A_41 = arith.constant 0 : index
    %swap3A_42 = vector.load %arg8[%swap3A_40, %swap3A_41] : memref<256x8xf32, #tpu.memory_space<vmem>>, vector<256x8xf32>
    tpu.vector_store %arg8[%swap3A_40, %swap3A_41], %div3A_39 {strides = array<i32>} : memref<256x8xf32, #tpu.memory_space<vmem>>, vector<256x8xf32>,
    return
  }
  func.func @transform_0(%arg0: i32) -> (i32, i32) {
    %c0_i32 = arith.constant 0 : i32
    %c0_i32_0 = arith.constant 0 : i32
    return %arg0, %c0_i32 : i32, i32
  }
  func.func @transform_1(%arg0: i32) -> (i32, i32) {
    %c0_i32 = arith.constant 0 : i32
    %c0_i32_0 = arith.constant 0 : i32
    return %arg0, %c0_i32 : i32, i32
  }
  func.func @transform_2(%arg0: i32) -> (i32, i32) {
    %c0_i32 = arith.constant 0 : i32
    %c0_i32_0 = arith.constant 0 : i32
    %c0_i32_1 = arith.constant 0 : i32
    return %c0_i32, %c0_i32_0 : i32, i32
  }
  func.func @transform_3(%arg0: i32) -> (i32, i32) {
    %c0_i32 = arith.constant 0 : i32
    %c0_i32_0 = arith.constant 0 : i32
    %c0_i32_1 = arith.constant 0 : i32
    return %c0_i32, %c0_i32_0 : i32, i32
  }
  func.func @transform_4(%arg0: i32) -> (i32, i32) {
    %c0_i32 = arith.constant 0 : i32
    %c0_i32_0 = arith.constant 0 : i32
    %c0_i32_1 = arith.constant 0 : i32
    return %c0_i32, %c0_i32_0 : i32, i32
  }
  func.func @transform_5(%arg0: i32) -> (i32, i32) {
    %c0_i32 = arith.constant 0 : i32
    %c0_i32_0 = arith.constant 0 : i32
    return %arg0, %c0_i32 : i32, i32
  }
  func.func @transform_6(%arg0: i32) -> (i32, i32) {
    %c0_i32 = arith.constant 0 : i32
    %c0_i32_0 = arith.constant 0 : i32
    return %arg0, %c0_i32 : i32, i32
  }
  func.func @transform_7(%arg0: i32) -> (i32, i32) {
    %c0_i32 = arith.constant 0 : i32
    %c0_i32_0 = arith.constant 0 : i32
    return %arg0, %c0_i32 : i32, i32
  }
}

module attributes {stable_mosaic.version = 14 : i64} {
  func.func @_attn_kernel(%arg0: i32, %arg1: memref<512x768xf32, #tpu.memory_space<vmem>>, %arg2: memref<2048x256xf32, #tpu.memory_space<vmem>>, %arg3: memref<2048x256xf32, #tpu.memory_space<vmem>>, %arg4: memref<512x768xf32, #tpu.memory_space<vmem>>, %arg5: memref<512x2048xf32, #tpu.memory_space<vmem>>) attributes {dimension_semantics = [#tpu.dimension_semantics<arbitrary>], iteration_bounds = array<i64: 4>, scalar_prefetch = 0 : i64, scratch_operands = 1 : i64, tpu.core_type = #tpu.core_type<tc>, window_params = [{transform_indices = @transform_0, window_bounds = array<i64: 512, 768>}, {transform_indices = @transform_1, window_bounds = array<i64: 2048, 256>}, {transform_indices = @transform_2, window_bounds = array<i64: 2048, 256>}, {transform_indices = @transform_3, window_bounds = array<i64: 512, 768>}]} {
    %get3A = arith.constant 0 : index
    %get3A_0 = arith.constant 0 : index
    %get3A_1 = vector.load %arg1[%get3A, %get3A_0] : memref<512x768xf32, #tpu.memory_space<vmem>>, vector<512x768xf32>
    %mul3A = arith.constant 512 : i32
    %mul3A_2 = arith.muli %arg0, %mul3A : i32
    %iota3A = tpu.iota {dimensions = array<i32: 0>} : vector<512x512xi32>
    %add3A = vector.broadcast %mul3A_2 : i32 to vector<512x512xi32>
    %add3A_3 = arith.addi %add3A, %iota3A : vector<512x512xi32>
    %eq3A = arith.constant 0 : i32
    %eq3A_4 = arith.cmpi eq, %arg0, %eq3A : i32
    %convert_element_type3A = arith.extui %eq3A_4 : i1 to i32
    %cond3A = arith.constant 0 : i32
    %cond3A_5 = arith.cmpi ne, %convert_element_type3A, %cond3A : i32
    scf.if %cond3A_5 {
      %broadcast_in_dim3A_421 = arith.constant -1.000000e+30 : f32
      %broadcast_in_dim3A_422 = vector.broadcast %broadcast_in_dim3A_421 : f32 to vector<512x512xf32>
      %swap3A_423 = arith.constant 0 : index
      %swap3A_424 = arith.constant 512 : index
      %swap3A_425 = vector.load %arg5[%swap3A_423, %swap3A_424] : memref<512x2048xf32, #tpu.memory_space<vmem>>, vector<512x512xf32>
      tpu.vector_store %arg5[%swap3A_423, %swap3A_424], %broadcast_in_dim3A_422 {strides = array<i32>} : memref<512x2048xf32, #tpu.memory_space<vmem>>, vector<512x512xf32>,
      %broadcast_in_dim3A_426 = arith.constant -1.000000e+30 : f32
      %broadcast_in_dim3A_427 = vector.broadcast %broadcast_in_dim3A_426 : f32 to vector<512x512xf32>
      %swap3A_428 = arith.constant 0 : index
      %swap3A_429 = arith.constant 1024 : index
      %swap3A_430 = vector.load %arg5[%swap3A_428, %swap3A_429] : memref<512x2048xf32, #tpu.memory_space<vmem>>, vector<512x512xf32>
      tpu.vector_store %arg5[%swap3A_428, %swap3A_429], %broadcast_in_dim3A_427 {strides = array<i32>} : memref<512x2048xf32, #tpu.memory_space<vmem>>, vector<512x512xf32>,
      %broadcast_in_dim3A_431 = arith.constant -1.000000e+30 : f32
      %broadcast_in_dim3A_432 = vector.broadcast %broadcast_in_dim3A_431 : f32 to vector<512x512xf32>
      %swap3A_433 = arith.constant 0 : index
      %swap3A_434 = arith.constant 1536 : index
      %swap3A_435 = vector.load %arg5[%swap3A_433, %swap3A_434] : memref<512x2048xf32, #tpu.memory_space<vmem>>, vector<512x512xf32>
      tpu.vector_store %arg5[%swap3A_433, %swap3A_434], %broadcast_in_dim3A_432 {strides = array<i32>} : memref<512x2048xf32, #tpu.memory_space<vmem>>, vector<512x512xf32>,
    } else {
    }
    %slice3A = vector.extract_strided_slice %get3A_1 {offsets = [0, 0], sizes = [512, 64], strides = [1, 1]} : vector<512x768xf32> to vector<512x64xf32>
    %ge3A = arith.constant 0 : i32
    %ge3A_6 = arith.cmpi sge, %arg0, %ge3A : i32
    %convert_element_type3A_7 = arith.extui %ge3A_6 : i1 to i32
    %cond3A_8 = arith.constant 0 : i32
    %cond3A_9 = arith.cmpi ne, %convert_element_type3A_7, %cond3A_8 : i32
    scf.if %cond3A_9 {
      %get3A_421 = arith.constant 0 : index
      %get3A_422 = arith.constant 0 : index
      %get3A_423 = vector.load %arg2[%get3A_421, %get3A_422] : memref<2048x256xf32, #tpu.memory_space<vmem>>, vector<512x64xf32>
      %dot_general3A_424 = arith.constant dense<0.000000e+00> : vector<512x512xf32>
      %dot_general3A_425 = tpu.matmul %slice3A, %get3A_423, %dot_general3A_424 {dimension_numbers = #tpu.dot_dimension_numbers<[1], [1], [0], [0], [0, 0, 1, 0], [], []>, transpose_lhs_hint = false} : vector<512x64xf32>, vector<512x64xf32>, vector<512x512xf32> -> vector<512x512xf32>
      %iota3A_426 = tpu.iota {dimensions = array<i32: 1>} : vector<512x512xi32>
      %add3A_427 = arith.constant 0 : i32
      %add3A_428 = vector.broadcast %add3A_427 : i32 to vector<512x512xi32>
      %add3A_429 = arith.addi %add3A_428, %iota3A_426 : vector<512x512xi32>
      %ge3A_430 = arith.cmpi sge, %add3A_3, %add3A_429 : vector<512x512xi32>
      %mul3A_431 = arith.constant 1.250000e-01 : f32
      %mul3A_432 = vector.broadcast %mul3A_431 : f32 to vector<512x512xf32>
      %mul3A_433 = arith.mulf %dot_general3A_425, %mul3A_432 : vector<512x512xf32>
      %jit3A = arith.constant -1.000000e+30 : f32
      %broadcast_in_dim3A_434 = vector.broadcast %jit3A : f32 to vector<512x512xf32>
      %select_n3A = arith.select %ge3A_430, %mul3A_433, %broadcast_in_dim3A_434 : vector<512x512xi1>, vector<512x512xf32>
      %swap3A_435 = arith.constant 0 : index
      %swap3A_436 = arith.constant 0 : index
      %swap3A_437 = vector.load %arg5[%swap3A_435, %swap3A_436] : memref<512x2048xf32, #tpu.memory_space<vmem>>, vector<512x512xf32>
      tpu.vector_store %arg5[%swap3A_435, %swap3A_436], %select_n3A {strides = array<i32>} : memref<512x2048xf32, #tpu.memory_space<vmem>>, vector<512x512xf32>,
    } else {
    }
    %ge3A_10 = arith.constant 1 : i32
    %ge3A_11 = arith.cmpi sge, %arg0, %ge3A_10 : i32
    %convert_element_type3A_12 = arith.extui %ge3A_11 : i1 to i32
    %cond3A_13 = arith.constant 0 : i32
    %cond3A_14 = arith.cmpi ne, %convert_element_type3A_12, %cond3A_13 : i32
    scf.if %cond3A_14 {
      %get3A_421 = arith.constant 512 : index
      %get3A_422 = arith.constant 0 : index
      %get3A_423 = vector.load %arg2[%get3A_421, %get3A_422] : memref<2048x256xf32, #tpu.memory_space<vmem>>, vector<512x64xf32>
      %dot_general3A_424 = arith.constant dense<0.000000e+00> : vector<512x512xf32>
      %dot_general3A_425 = tpu.matmul %slice3A, %get3A_423, %dot_general3A_424 {dimension_numbers = #tpu.dot_dimension_numbers<[1], [1], [0], [0], [0, 0, 1, 0], [], []>, transpose_lhs_hint = false} : vector<512x64xf32>, vector<512x64xf32>, vector<512x512xf32> -> vector<512x512xf32>
      %iota3A_426 = tpu.iota {dimensions = array<i32: 1>} : vector<512x512xi32>
      %add3A_427 = arith.constant 512 : i32
      %add3A_428 = vector.broadcast %add3A_427 : i32 to vector<512x512xi32>
      %add3A_429 = arith.addi %add3A_428, %iota3A_426 : vector<512x512xi32>
      %ge3A_430 = arith.cmpi sge, %add3A_3, %add3A_429 : vector<512x512xi32>
      %mul3A_431 = arith.constant 1.250000e-01 : f32
      %mul3A_432 = vector.broadcast %mul3A_431 : f32 to vector<512x512xf32>
      %mul3A_433 = arith.mulf %dot_general3A_425, %mul3A_432 : vector<512x512xf32>
      %jit3A = arith.constant -1.000000e+30 : f32
      %broadcast_in_dim3A_434 = vector.broadcast %jit3A : f32 to vector<512x512xf32>
      %select_n3A = arith.select %ge3A_430, %mul3A_433, %broadcast_in_dim3A_434 : vector<512x512xi1>, vector<512x512xf32>
      %swap3A_435 = arith.constant 0 : index
      %swap3A_436 = arith.constant 512 : index
      %swap3A_437 = vector.load %arg5[%swap3A_435, %swap3A_436] : memref<512x2048xf32, #tpu.memory_space<vmem>>, vector<512x512xf32>
      tpu.vector_store %arg5[%swap3A_435, %swap3A_436], %select_n3A {strides = array<i32>} : memref<512x2048xf32, #tpu.memory_space<vmem>>, vector<512x512xf32>,
    } else {
    }
    %ge3A_15 = arith.constant 2 : i32
    %ge3A_16 = arith.cmpi sge, %arg0, %ge3A_15 : i32
    %convert_element_type3A_17 = arith.extui %ge3A_16 : i1 to i32
    %cond3A_18 = arith.constant 0 : i32
    %cond3A_19 = arith.cmpi ne, %convert_element_type3A_17, %cond3A_18 : i32
    scf.if %cond3A_19 {
      %get3A_421 = arith.constant 1024 : index
      %get3A_422 = arith.constant 0 : index
      %get3A_423 = vector.load %arg2[%get3A_421, %get3A_422] : memref<2048x256xf32, #tpu.memory_space<vmem>>, vector<512x64xf32>
      %dot_general3A_424 = arith.constant dense<0.000000e+00> : vector<512x512xf32>
      %dot_general3A_425 = tpu.matmul %slice3A, %get3A_423, %dot_general3A_424 {dimension_numbers = #tpu.dot_dimension_numbers<[1], [1], [0], [0], [0, 0, 1, 0], [], []>, transpose_lhs_hint = false} : vector<512x64xf32>, vector<512x64xf32>, vector<512x512xf32> -> vector<512x512xf32>
      %iota3A_426 = tpu.iota {dimensions = array<i32: 1>} : vector<512x512xi32>
      %add3A_427 = arith.constant 1024 : i32
      %add3A_428 = vector.broadcast %add3A_427 : i32 to vector<512x512xi32>
      %add3A_429 = arith.addi %add3A_428, %iota3A_426 : vector<512x512xi32>
      %ge3A_430 = arith.cmpi sge, %add3A_3, %add3A_429 : vector<512x512xi32>
      %mul3A_431 = arith.constant 1.250000e-01 : f32
      %mul3A_432 = vector.broadcast %mul3A_431 : f32 to vector<512x512xf32>
      %mul3A_433 = arith.mulf %dot_general3A_425, %mul3A_432 : vector<512x512xf32>
      %jit3A = arith.constant -1.000000e+30 : f32
      %broadcast_in_dim3A_434 = vector.broadcast %jit3A : f32 to vector<512x512xf32>
      %select_n3A = arith.select %ge3A_430, %mul3A_433, %broadcast_in_dim3A_434 : vector<512x512xi1>, vector<512x512xf32>
      %swap3A_435 = arith.constant 0 : index
      %swap3A_436 = arith.constant 1024 : index
      %swap3A_437 = vector.load %arg5[%swap3A_435, %swap3A_436] : memref<512x2048xf32, #tpu.memory_space<vmem>>, vector<512x512xf32>
      tpu.vector_store %arg5[%swap3A_435, %swap3A_436], %select_n3A {strides = array<i32>} : memref<512x2048xf32, #tpu.memory_space<vmem>>, vector<512x512xf32>,
    } else {
    }
    %ge3A_20 = arith.constant 3 : i32
    %ge3A_21 = arith.cmpi sge, %arg0, %ge3A_20 : i32
    %convert_element_type3A_22 = arith.extui %ge3A_21 : i1 to i32
    %cond3A_23 = arith.constant 0 : i32
    %cond3A_24 = arith.cmpi ne, %convert_element_type3A_22, %cond3A_23 : i32
    scf.if %cond3A_24 {
      %get3A_421 = arith.constant 1536 : index
      %get3A_422 = arith.constant 0 : index
      %get3A_423 = vector.load %arg2[%get3A_421, %get3A_422] : memref<2048x256xf32, #tpu.memory_space<vmem>>, vector<512x64xf32>
      %dot_general3A_424 = arith.constant dense<0.000000e+00> : vector<512x512xf32>
      %dot_general3A_425 = tpu.matmul %slice3A, %get3A_423, %dot_general3A_424 {dimension_numbers = #tpu.dot_dimension_numbers<[1], [1], [0], [0], [0, 0, 1, 0], [], []>, transpose_lhs_hint = false} : vector<512x64xf32>, vector<512x64xf32>, vector<512x512xf32> -> vector<512x512xf32>
      %iota3A_426 = tpu.iota {dimensions = array<i32: 1>} : vector<512x512xi32>
      %add3A_427 = arith.constant 1536 : i32
      %add3A_428 = vector.broadcast %add3A_427 : i32 to vector<512x512xi32>
      %add3A_429 = arith.addi %add3A_428, %iota3A_426 : vector<512x512xi32>
      %ge3A_430 = arith.cmpi sge, %add3A_3, %add3A_429 : vector<512x512xi32>
      %mul3A_431 = arith.constant 1.250000e-01 : f32
      %mul3A_432 = vector.broadcast %mul3A_431 : f32 to vector<512x512xf32>
      %mul3A_433 = arith.mulf %dot_general3A_425, %mul3A_432 : vector<512x512xf32>
      %jit3A = arith.constant -1.000000e+30 : f32
      %broadcast_in_dim3A_434 = vector.broadcast %jit3A : f32 to vector<512x512xf32>
      %select_n3A = arith.select %ge3A_430, %mul3A_433, %broadcast_in_dim3A_434 : vector<512x512xi1>, vector<512x512xf32>
      %swap3A_435 = arith.constant 0 : index
      %swap3A_436 = arith.constant 1536 : index
      %swap3A_437 = vector.load %arg5[%swap3A_435, %swap3A_436] : memref<512x2048xf32, #tpu.memory_space<vmem>>, vector<512x512xf32>
      tpu.vector_store %arg5[%swap3A_435, %swap3A_436], %select_n3A {strides = array<i32>} : memref<512x2048xf32, #tpu.memory_space<vmem>>, vector<512x512xf32>,
    } else {
    }
    %get3A_25 = arith.constant 0 : index
    %get3A_26 = arith.constant 0 : index
    %get3A_27 = vector.load %arg5[%get3A_25, %get3A_26] : memref<512x2048xf32, #tpu.memory_space<vmem>>, vector<512x2048xf32>
    %exp3A = math.exp %get3A_27 : vector<512x2048xf32>
    %reduce_sum3A = arith.constant dense<0.000000e+00> : vector<512xf32>
    %reduce_sum3A_28 = vector.multi_reduction <add>, %exp3A, %reduce_sum3A [1] : vector<512x2048xf32> to vector<512xf32>
    %broadcast_in_dim3A = vector.shape_cast %reduce_sum3A_28 : vector<512xf32> to vector<512x1xf32>
    %div3A = vector.broadcast %broadcast_in_dim3A : vector<512x1xf32> to vector<512x2048xf32>
    %div3A_29 = arith.divf %exp3A, %div3A : vector<512x2048xf32>
    %get3A_30 = arith.constant 0 : index
    %get3A_31 = arith.constant 0 : index
    %get3A_32 = vector.load %arg3[%get3A_30, %get3A_31] : memref<2048x256xf32, #tpu.memory_space<vmem>>, vector<2048x64xf32>
    %dot_general3A = arith.constant dense<0.000000e+00> : vector<512x64xf32>
    %dot_general3A_33 = tpu.matmul %div3A_29, %get3A_32, %dot_general3A {dimension_numbers = #tpu.dot_dimension_numbers<[1], [0], [0], [1], [0, 0, 1, 1], [], []>, transpose_lhs_hint = false} : vector<512x2048xf32>, vector<2048x64xf32>, vector<512x64xf32> -> vector<512x64xf32>
    %slice3A_34 = vector.extract_strided_slice %get3A_1 {offsets = [0, 64], sizes = [512, 64], strides = [1, 1]} : vector<512x768xf32> to vector<512x64xf32>
    %ge3A_35 = arith.constant 0 : i32
    %ge3A_36 = arith.cmpi sge, %arg0, %ge3A_35 : i32
    %convert_element_type3A_37 = arith.extui %ge3A_36 : i1 to i32
    %cond3A_38 = arith.constant 0 : i32
    %cond3A_39 = arith.cmpi ne, %convert_element_type3A_37, %cond3A_38 : i32
    scf.if %cond3A_39 {
      %get3A_421 = arith.constant 0 : index
      %get3A_422 = arith.constant 0 : index
      %get3A_423 = vector.load %arg2[%get3A_421, %get3A_422] : memref<2048x256xf32, #tpu.memory_space<vmem>>, vector<512x64xf32>
      %dot_general3A_424 = arith.constant dense<0.000000e+00> : vector<512x512xf32>
      %dot_general3A_425 = tpu.matmul %slice3A_34, %get3A_423, %dot_general3A_424 {dimension_numbers = #tpu.dot_dimension_numbers<[1], [1], [0], [0], [0, 0, 1, 0], [], []>, transpose_lhs_hint = false} : vector<512x64xf32>, vector<512x64xf32>, vector<512x512xf32> -> vector<512x512xf32>
      %iota3A_426 = tpu.iota {dimensions = array<i32: 1>} : vector<512x512xi32>
      %add3A_427 = arith.constant 0 : i32
      %add3A_428 = vector.broadcast %add3A_427 : i32 to vector<512x512xi32>
      %add3A_429 = arith.addi %add3A_428, %iota3A_426 : vector<512x512xi32>
      %ge3A_430 = arith.cmpi sge, %add3A_3, %add3A_429 : vector<512x512xi32>
      %mul3A_431 = arith.constant 1.250000e-01 : f32
      %mul3A_432 = vector.broadcast %mul3A_431 : f32 to vector<512x512xf32>
      %mul3A_433 = arith.mulf %dot_general3A_425, %mul3A_432 : vector<512x512xf32>
      %jit3A = arith.constant -1.000000e+30 : f32
      %broadcast_in_dim3A_434 = vector.broadcast %jit3A : f32 to vector<512x512xf32>
      %select_n3A = arith.select %ge3A_430, %mul3A_433, %broadcast_in_dim3A_434 : vector<512x512xi1>, vector<512x512xf32>
      %swap3A_435 = arith.constant 0 : index
      %swap3A_436 = arith.constant 0 : index
      %swap3A_437 = vector.load %arg5[%swap3A_435, %swap3A_436] : memref<512x2048xf32, #tpu.memory_space<vmem>>, vector<512x512xf32>
      tpu.vector_store %arg5[%swap3A_435, %swap3A_436], %select_n3A {strides = array<i32>} : memref<512x2048xf32, #tpu.memory_space<vmem>>, vector<512x512xf32>,
    } else {
    }
    %ge3A_40 = arith.constant 1 : i32
    %ge3A_41 = arith.cmpi sge, %arg0, %ge3A_40 : i32
    %convert_element_type3A_42 = arith.extui %ge3A_41 : i1 to i32
    %cond3A_43 = arith.constant 0 : i32
    %cond3A_44 = arith.cmpi ne, %convert_element_type3A_42, %cond3A_43 : i32
    scf.if %cond3A_44 {
      %get3A_421 = arith.constant 512 : index
      %get3A_422 = arith.constant 0 : index
      %get3A_423 = vector.load %arg2[%get3A_421, %get3A_422] : memref<2048x256xf32, #tpu.memory_space<vmem>>, vector<512x64xf32>
      %dot_general3A_424 = arith.constant dense<0.000000e+00> : vector<512x512xf32>
      %dot_general3A_425 = tpu.matmul %slice3A_34, %get3A_423, %dot_general3A_424 {dimension_numbers = #tpu.dot_dimension_numbers<[1], [1], [0], [0], [0, 0, 1, 0], [], []>, transpose_lhs_hint = false} : vector<512x64xf32>, vector<512x64xf32>, vector<512x512xf32> -> vector<512x512xf32>
      %iota3A_426 = tpu.iota {dimensions = array<i32: 1>} : vector<512x512xi32>
      %add3A_427 = arith.constant 512 : i32
      %add3A_428 = vector.broadcast %add3A_427 : i32 to vector<512x512xi32>
      %add3A_429 = arith.addi %add3A_428, %iota3A_426 : vector<512x512xi32>
      %ge3A_430 = arith.cmpi sge, %add3A_3, %add3A_429 : vector<512x512xi32>
      %mul3A_431 = arith.constant 1.250000e-01 : f32
      %mul3A_432 = vector.broadcast %mul3A_431 : f32 to vector<512x512xf32>
      %mul3A_433 = arith.mulf %dot_general3A_425, %mul3A_432 : vector<512x512xf32>
      %jit3A = arith.constant -1.000000e+30 : f32
      %broadcast_in_dim3A_434 = vector.broadcast %jit3A : f32 to vector<512x512xf32>
      %select_n3A = arith.select %ge3A_430, %mul3A_433, %broadcast_in_dim3A_434 : vector<512x512xi1>, vector<512x512xf32>
      %swap3A_435 = arith.constant 0 : index
      %swap3A_436 = arith.constant 512 : index
      %swap3A_437 = vector.load %arg5[%swap3A_435, %swap3A_436] : memref<512x2048xf32, #tpu.memory_space<vmem>>, vector<512x512xf32>
      tpu.vector_store %arg5[%swap3A_435, %swap3A_436], %select_n3A {strides = array<i32>} : memref<512x2048xf32, #tpu.memory_space<vmem>>, vector<512x512xf32>,
    } else {
    }
    %ge3A_45 = arith.constant 2 : i32
    %ge3A_46 = arith.cmpi sge, %arg0, %ge3A_45 : i32
    %convert_element_type3A_47 = arith.extui %ge3A_46 : i1 to i32
    %cond3A_48 = arith.constant 0 : i32
    %cond3A_49 = arith.cmpi ne, %convert_element_type3A_47, %cond3A_48 : i32
    scf.if %cond3A_49 {
      %get3A_421 = arith.constant 1024 : index
      %get3A_422 = arith.constant 0 : index
      %get3A_423 = vector.load %arg2[%get3A_421, %get3A_422] : memref<2048x256xf32, #tpu.memory_space<vmem>>, vector<512x64xf32>
      %dot_general3A_424 = arith.constant dense<0.000000e+00> : vector<512x512xf32>
      %dot_general3A_425 = tpu.matmul %slice3A_34, %get3A_423, %dot_general3A_424 {dimension_numbers = #tpu.dot_dimension_numbers<[1], [1], [0], [0], [0, 0, 1, 0], [], []>, transpose_lhs_hint = false} : vector<512x64xf32>, vector<512x64xf32>, vector<512x512xf32> -> vector<512x512xf32>
      %iota3A_426 = tpu.iota {dimensions = array<i32: 1>} : vector<512x512xi32>
      %add3A_427 = arith.constant 1024 : i32
      %add3A_428 = vector.broadcast %add3A_427 : i32 to vector<512x512xi32>
      %add3A_429 = arith.addi %add3A_428, %iota3A_426 : vector<512x512xi32>
      %ge3A_430 = arith.cmpi sge, %add3A_3, %add3A_429 : vector<512x512xi32>
      %mul3A_431 = arith.constant 1.250000e-01 : f32
      %mul3A_432 = vector.broadcast %mul3A_431 : f32 to vector<512x512xf32>
      %mul3A_433 = arith.mulf %dot_general3A_425, %mul3A_432 : vector<512x512xf32>
      %jit3A = arith.constant -1.000000e+30 : f32
      %broadcast_in_dim3A_434 = vector.broadcast %jit3A : f32 to vector<512x512xf32>
      %select_n3A = arith.select %ge3A_430, %mul3A_433, %broadcast_in_dim3A_434 : vector<512x512xi1>, vector<512x512xf32>
      %swap3A_435 = arith.constant 0 : index
      %swap3A_436 = arith.constant 1024 : index
      %swap3A_437 = vector.load %arg5[%swap3A_435, %swap3A_436] : memref<512x2048xf32, #tpu.memory_space<vmem>>, vector<512x512xf32>
      tpu.vector_store %arg5[%swap3A_435, %swap3A_436], %select_n3A {strides = array<i32>} : memref<512x2048xf32, #tpu.memory_space<vmem>>, vector<512x512xf32>,
    } else {
    }
    %ge3A_50 = arith.constant 3 : i32
    %ge3A_51 = arith.cmpi sge, %arg0, %ge3A_50 : i32
    %convert_element_type3A_52 = arith.extui %ge3A_51 : i1 to i32
    %cond3A_53 = arith.constant 0 : i32
    %cond3A_54 = arith.cmpi ne, %convert_element_type3A_52, %cond3A_53 : i32
    scf.if %cond3A_54 {
      %get3A_421 = arith.constant 1536 : index
      %get3A_422 = arith.constant 0 : index
      %get3A_423 = vector.load %arg2[%get3A_421, %get3A_422] : memref<2048x256xf32, #tpu.memory_space<vmem>>, vector<512x64xf32>
      %dot_general3A_424 = arith.constant dense<0.000000e+00> : vector<512x512xf32>
      %dot_general3A_425 = tpu.matmul %slice3A_34, %get3A_423, %dot_general3A_424 {dimension_numbers = #tpu.dot_dimension_numbers<[1], [1], [0], [0], [0, 0, 1, 0], [], []>, transpose_lhs_hint = false} : vector<512x64xf32>, vector<512x64xf32>, vector<512x512xf32> -> vector<512x512xf32>
      %iota3A_426 = tpu.iota {dimensions = array<i32: 1>} : vector<512x512xi32>
      %add3A_427 = arith.constant 1536 : i32
      %add3A_428 = vector.broadcast %add3A_427 : i32 to vector<512x512xi32>
      %add3A_429 = arith.addi %add3A_428, %iota3A_426 : vector<512x512xi32>
      %ge3A_430 = arith.cmpi sge, %add3A_3, %add3A_429 : vector<512x512xi32>
      %mul3A_431 = arith.constant 1.250000e-01 : f32
      %mul3A_432 = vector.broadcast %mul3A_431 : f32 to vector<512x512xf32>
      %mul3A_433 = arith.mulf %dot_general3A_425, %mul3A_432 : vector<512x512xf32>
      %jit3A = arith.constant -1.000000e+30 : f32
      %broadcast_in_dim3A_434 = vector.broadcast %jit3A : f32 to vector<512x512xf32>
      %select_n3A = arith.select %ge3A_430, %mul3A_433, %broadcast_in_dim3A_434 : vector<512x512xi1>, vector<512x512xf32>
      %swap3A_435 = arith.constant 0 : index
      %swap3A_436 = arith.constant 1536 : index
      %swap3A_437 = vector.load %arg5[%swap3A_435, %swap3A_436] : memref<512x2048xf32, #tpu.memory_space<vmem>>, vector<512x512xf32>
      tpu.vector_store %arg5[%swap3A_435, %swap3A_436], %select_n3A {strides = array<i32>} : memref<512x2048xf32, #tpu.memory_space<vmem>>, vector<512x512xf32>,
    } else {
    }
    %get3A_55 = arith.constant 0 : index
    %get3A_56 = arith.constant 0 : index
    %get3A_57 = vector.load %arg5[%get3A_55, %get3A_56] : memref<512x2048xf32, #tpu.memory_space<vmem>>, vector<512x2048xf32>
    %exp3A_58 = math.exp %get3A_57 : vector<512x2048xf32>
    %reduce_sum3A_59 = arith.constant dense<0.000000e+00> : vector<512xf32>
    %reduce_sum3A_60 = vector.multi_reduction <add>, %exp3A_58, %reduce_sum3A_59 [1] : vector<512x2048xf32> to vector<512xf32>
    %broadcast_in_dim3A_61 = vector.shape_cast %reduce_sum3A_60 : vector<512xf32> to vector<512x1xf32>
    %div3A_62 = vector.broadcast %broadcast_in_dim3A_61 : vector<512x1xf32> to vector<512x2048xf32>
    %div3A_63 = arith.divf %exp3A_58, %div3A_62 : vector<512x2048xf32>
    %get3A_64 = arith.constant 0 : index
    %get3A_65 = arith.constant 0 : index
    %get3A_66 = vector.load %arg3[%get3A_64, %get3A_65] : memref<2048x256xf32, #tpu.memory_space<vmem>>, vector<2048x64xf32>
    %dot_general3A_67 = arith.constant dense<0.000000e+00> : vector<512x64xf32>
    %dot_general3A_68 = tpu.matmul %div3A_63, %get3A_66, %dot_general3A_67 {dimension_numbers = #tpu.dot_dimension_numbers<[1], [0], [0], [1], [0, 0, 1, 1], [], []>, transpose_lhs_hint = false} : vector<512x2048xf32>, vector<2048x64xf32>, vector<512x64xf32> -> vector<512x64xf32>
    %slice3A_69 = vector.extract_strided_slice %get3A_1 {offsets = [0, 128], sizes = [512, 64], strides = [1, 1]} : vector<512x768xf32> to vector<512x64xf32>
    %ge3A_70 = arith.constant 0 : i32
    %ge3A_71 = arith.cmpi sge, %arg0, %ge3A_70 : i32
    %convert_element_type3A_72 = arith.extui %ge3A_71 : i1 to i32
    %cond3A_73 = arith.constant 0 : i32
    %cond3A_74 = arith.cmpi ne, %convert_element_type3A_72, %cond3A_73 : i32
    scf.if %cond3A_74 {
      %get3A_421 = arith.constant 0 : index
      %get3A_422 = arith.constant 0 : index
      %get3A_423 = vector.load %arg2[%get3A_421, %get3A_422] : memref<2048x256xf32, #tpu.memory_space<vmem>>, vector<512x64xf32>
      %dot_general3A_424 = arith.constant dense<0.000000e+00> : vector<512x512xf32>
      %dot_general3A_425 = tpu.matmul %slice3A_69, %get3A_423, %dot_general3A_424 {dimension_numbers = #tpu.dot_dimension_numbers<[1], [1], [0], [0], [0, 0, 1, 0], [], []>, transpose_lhs_hint = false} : vector<512x64xf32>, vector<512x64xf32>, vector<512x512xf32> -> vector<512x512xf32>
      %iota3A_426 = tpu.iota {dimensions = array<i32: 1>} : vector<512x512xi32>
      %add3A_427 = arith.constant 0 : i32
      %add3A_428 = vector.broadcast %add3A_427 : i32 to vector<512x512xi32>
      %add3A_429 = arith.addi %add3A_428, %iota3A_426 : vector<512x512xi32>
      %ge3A_430 = arith.cmpi sge, %add3A_3, %add3A_429 : vector<512x512xi32>
      %mul3A_431 = arith.constant 1.250000e-01 : f32
      %mul3A_432 = vector.broadcast %mul3A_431 : f32 to vector<512x512xf32>
      %mul3A_433 = arith.mulf %dot_general3A_425, %mul3A_432 : vector<512x512xf32>
      %jit3A = arith.constant -1.000000e+30 : f32
      %broadcast_in_dim3A_434 = vector.broadcast %jit3A : f32 to vector<512x512xf32>
      %select_n3A = arith.select %ge3A_430, %mul3A_433, %broadcast_in_dim3A_434 : vector<512x512xi1>, vector<512x512xf32>
      %swap3A_435 = arith.constant 0 : index
      %swap3A_436 = arith.constant 0 : index
      %swap3A_437 = vector.load %arg5[%swap3A_435, %swap3A_436] : memref<512x2048xf32, #tpu.memory_space<vmem>>, vector<512x512xf32>
      tpu.vector_store %arg5[%swap3A_435, %swap3A_436], %select_n3A {strides = array<i32>} : memref<512x2048xf32, #tpu.memory_space<vmem>>, vector<512x512xf32>,
    } else {
    }
    %ge3A_75 = arith.constant 1 : i32
    %ge3A_76 = arith.cmpi sge, %arg0, %ge3A_75 : i32
    %convert_element_type3A_77 = arith.extui %ge3A_76 : i1 to i32
    %cond3A_78 = arith.constant 0 : i32
    %cond3A_79 = arith.cmpi ne, %convert_element_type3A_77, %cond3A_78 : i32
    scf.if %cond3A_79 {
      %get3A_421 = arith.constant 512 : index
      %get3A_422 = arith.constant 0 : index
      %get3A_423 = vector.load %arg2[%get3A_421, %get3A_422] : memref<2048x256xf32, #tpu.memory_space<vmem>>, vector<512x64xf32>
      %dot_general3A_424 = arith.constant dense<0.000000e+00> : vector<512x512xf32>
      %dot_general3A_425 = tpu.matmul %slice3A_69, %get3A_423, %dot_general3A_424 {dimension_numbers = #tpu.dot_dimension_numbers<[1], [1], [0], [0], [0, 0, 1, 0], [], []>, transpose_lhs_hint = false} : vector<512x64xf32>, vector<512x64xf32>, vector<512x512xf32> -> vector<512x512xf32>
      %iota3A_426 = tpu.iota {dimensions = array<i32: 1>} : vector<512x512xi32>
      %add3A_427 = arith.constant 512 : i32
      %add3A_428 = vector.broadcast %add3A_427 : i32 to vector<512x512xi32>
      %add3A_429 = arith.addi %add3A_428, %iota3A_426 : vector<512x512xi32>
      %ge3A_430 = arith.cmpi sge, %add3A_3, %add3A_429 : vector<512x512xi32>
      %mul3A_431 = arith.constant 1.250000e-01 : f32
      %mul3A_432 = vector.broadcast %mul3A_431 : f32 to vector<512x512xf32>
      %mul3A_433 = arith.mulf %dot_general3A_425, %mul3A_432 : vector<512x512xf32>
      %jit3A = arith.constant -1.000000e+30 : f32
      %broadcast_in_dim3A_434 = vector.broadcast %jit3A : f32 to vector<512x512xf32>
      %select_n3A = arith.select %ge3A_430, %mul3A_433, %broadcast_in_dim3A_434 : vector<512x512xi1>, vector<512x512xf32>
      %swap3A_435 = arith.constant 0 : index
      %swap3A_436 = arith.constant 512 : index
      %swap3A_437 = vector.load %arg5[%swap3A_435, %swap3A_436] : memref<512x2048xf32, #tpu.memory_space<vmem>>, vector<512x512xf32>
      tpu.vector_store %arg5[%swap3A_435, %swap3A_436], %select_n3A {strides = array<i32>} : memref<512x2048xf32, #tpu.memory_space<vmem>>, vector<512x512xf32>,
    } else {
    }
    %ge3A_80 = arith.constant 2 : i32
    %ge3A_81 = arith.cmpi sge, %arg0, %ge3A_80 : i32
    %convert_element_type3A_82 = arith.extui %ge3A_81 : i1 to i32
    %cond3A_83 = arith.constant 0 : i32
    %cond3A_84 = arith.cmpi ne, %convert_element_type3A_82, %cond3A_83 : i32
    scf.if %cond3A_84 {
      %get3A_421 = arith.constant 1024 : index
      %get3A_422 = arith.constant 0 : index
      %get3A_423 = vector.load %arg2[%get3A_421, %get3A_422] : memref<2048x256xf32, #tpu.memory_space<vmem>>, vector<512x64xf32>
      %dot_general3A_424 = arith.constant dense<0.000000e+00> : vector<512x512xf32>
      %dot_general3A_425 = tpu.matmul %slice3A_69, %get3A_423, %dot_general3A_424 {dimension_numbers = #tpu.dot_dimension_numbers<[1], [1], [0], [0], [0, 0, 1, 0], [], []>, transpose_lhs_hint = false} : vector<512x64xf32>, vector<512x64xf32>, vector<512x512xf32> -> vector<512x512xf32>
      %iota3A_426 = tpu.iota {dimensions = array<i32: 1>} : vector<512x512xi32>
      %add3A_427 = arith.constant 1024 : i32
      %add3A_428 = vector.broadcast %add3A_427 : i32 to vector<512x512xi32>
      %add3A_429 = arith.addi %add3A_428, %iota3A_426 : vector<512x512xi32>
      %ge3A_430 = arith.cmpi sge, %add3A_3, %add3A_429 : vector<512x512xi32>
      %mul3A_431 = arith.constant 1.250000e-01 : f32
      %mul3A_432 = vector.broadcast %mul3A_431 : f32 to vector<512x512xf32>
      %mul3A_433 = arith.mulf %dot_general3A_425, %mul3A_432 : vector<512x512xf32>
      %jit3A = arith.constant -1.000000e+30 : f32
      %broadcast_in_dim3A_434 = vector.broadcast %jit3A : f32 to vector<512x512xf32>
      %select_n3A = arith.select %ge3A_430, %mul3A_433, %broadcast_in_dim3A_434 : vector<512x512xi1>, vector<512x512xf32>
      %swap3A_435 = arith.constant 0 : index
      %swap3A_436 = arith.constant 1024 : index
      %swap3A_437 = vector.load %arg5[%swap3A_435, %swap3A_436] : memref<512x2048xf32, #tpu.memory_space<vmem>>, vector<512x512xf32>
      tpu.vector_store %arg5[%swap3A_435, %swap3A_436], %select_n3A {strides = array<i32>} : memref<512x2048xf32, #tpu.memory_space<vmem>>, vector<512x512xf32>,
    } else {
    }
    %ge3A_85 = arith.constant 3 : i32
    %ge3A_86 = arith.cmpi sge, %arg0, %ge3A_85 : i32
    %convert_element_type3A_87 = arith.extui %ge3A_86 : i1 to i32
    %cond3A_88 = arith.constant 0 : i32
    %cond3A_89 = arith.cmpi ne, %convert_element_type3A_87, %cond3A_88 : i32
    scf.if %cond3A_89 {
      %get3A_421 = arith.constant 1536 : index
      %get3A_422 = arith.constant 0 : index
      %get3A_423 = vector.load %arg2[%get3A_421, %get3A_422] : memref<2048x256xf32, #tpu.memory_space<vmem>>, vector<512x64xf32>
      %dot_general3A_424 = arith.constant dense<0.000000e+00> : vector<512x512xf32>
      %dot_general3A_425 = tpu.matmul %slice3A_69, %get3A_423, %dot_general3A_424 {dimension_numbers = #tpu.dot_dimension_numbers<[1], [1], [0], [0], [0, 0, 1, 0], [], []>, transpose_lhs_hint = false} : vector<512x64xf32>, vector<512x64xf32>, vector<512x512xf32> -> vector<512x512xf32>
      %iota3A_426 = tpu.iota {dimensions = array<i32: 1>} : vector<512x512xi32>
      %add3A_427 = arith.constant 1536 : i32
      %add3A_428 = vector.broadcast %add3A_427 : i32 to vector<512x512xi32>
      %add3A_429 = arith.addi %add3A_428, %iota3A_426 : vector<512x512xi32>
      %ge3A_430 = arith.cmpi sge, %add3A_3, %add3A_429 : vector<512x512xi32>
      %mul3A_431 = arith.constant 1.250000e-01 : f32
      %mul3A_432 = vector.broadcast %mul3A_431 : f32 to vector<512x512xf32>
      %mul3A_433 = arith.mulf %dot_general3A_425, %mul3A_432 : vector<512x512xf32>
      %jit3A = arith.constant -1.000000e+30 : f32
      %broadcast_in_dim3A_434 = vector.broadcast %jit3A : f32 to vector<512x512xf32>
      %select_n3A = arith.select %ge3A_430, %mul3A_433, %broadcast_in_dim3A_434 : vector<512x512xi1>, vector<512x512xf32>
      %swap3A_435 = arith.constant 0 : index
      %swap3A_436 = arith.constant 1536 : index
      %swap3A_437 = vector.load %arg5[%swap3A_435, %swap3A_436] : memref<512x2048xf32, #tpu.memory_space<vmem>>, vector<512x512xf32>
      tpu.vector_store %arg5[%swap3A_435, %swap3A_436], %select_n3A {strides = array<i32>} : memref<512x2048xf32, #tpu.memory_space<vmem>>, vector<512x512xf32>,
    } else {
    }
    %get3A_90 = arith.constant 0 : index
    %get3A_91 = arith.constant 0 : index
    %get3A_92 = vector.load %arg5[%get3A_90, %get3A_91] : memref<512x2048xf32, #tpu.memory_space<vmem>>, vector<512x2048xf32>
    %exp3A_93 = math.exp %get3A_92 : vector<512x2048xf32>
    %reduce_sum3A_94 = arith.constant dense<0.000000e+00> : vector<512xf32>
    %reduce_sum3A_95 = vector.multi_reduction <add>, %exp3A_93, %reduce_sum3A_94 [1] : vector<512x2048xf32> to vector<512xf32>
    %broadcast_in_dim3A_96 = vector.shape_cast %reduce_sum3A_95 : vector<512xf32> to vector<512x1xf32>
    %div3A_97 = vector.broadcast %broadcast_in_dim3A_96 : vector<512x1xf32> to vector<512x2048xf32>
    %div3A_98 = arith.divf %exp3A_93, %div3A_97 : vector<512x2048xf32>
    %get3A_99 = arith.constant 0 : index
    %get3A_100 = arith.constant 0 : index
    %get3A_101 = vector.load %arg3[%get3A_99, %get3A_100] : memref<2048x256xf32, #tpu.memory_space<vmem>>, vector<2048x64xf32>
    %dot_general3A_102 = arith.constant dense<0.000000e+00> : vector<512x64xf32>
    %dot_general3A_103 = tpu.matmul %div3A_98, %get3A_101, %dot_general3A_102 {dimension_numbers = #tpu.dot_dimension_numbers<[1], [0], [0], [1], [0, 0, 1, 1], [], []>, transpose_lhs_hint = false} : vector<512x2048xf32>, vector<2048x64xf32>, vector<512x64xf32> -> vector<512x64xf32>
    %slice3A_104 = vector.extract_strided_slice %get3A_1 {offsets = [0, 192], sizes = [512, 64], strides = [1, 1]} : vector<512x768xf32> to vector<512x64xf32>
    %ge3A_105 = arith.constant 0 : i32
    %ge3A_106 = arith.cmpi sge, %arg0, %ge3A_105 : i32
    %convert_element_type3A_107 = arith.extui %ge3A_106 : i1 to i32
    %cond3A_108 = arith.constant 0 : i32
    %cond3A_109 = arith.cmpi ne, %convert_element_type3A_107, %cond3A_108 : i32
    scf.if %cond3A_109 {
      %get3A_421 = arith.constant 0 : index
      %get3A_422 = arith.constant 64 : index
      %get3A_423 = vector.load %arg2[%get3A_421, %get3A_422] : memref<2048x256xf32, #tpu.memory_space<vmem>>, vector<512x64xf32>
      %dot_general3A_424 = arith.constant dense<0.000000e+00> : vector<512x512xf32>
      %dot_general3A_425 = tpu.matmul %slice3A_104, %get3A_423, %dot_general3A_424 {dimension_numbers = #tpu.dot_dimension_numbers<[1], [1], [0], [0], [0, 0, 1, 0], [], []>, transpose_lhs_hint = false} : vector<512x64xf32>, vector<512x64xf32>, vector<512x512xf32> -> vector<512x512xf32>
      %iota3A_426 = tpu.iota {dimensions = array<i32: 1>} : vector<512x512xi32>
      %add3A_427 = arith.constant 0 : i32
      %add3A_428 = vector.broadcast %add3A_427 : i32 to vector<512x512xi32>
      %add3A_429 = arith.addi %add3A_428, %iota3A_426 : vector<512x512xi32>
      %ge3A_430 = arith.cmpi sge, %add3A_3, %add3A_429 : vector<512x512xi32>
      %mul3A_431 = arith.constant 1.250000e-01 : f32
      %mul3A_432 = vector.broadcast %mul3A_431 : f32 to vector<512x512xf32>
      %mul3A_433 = arith.mulf %dot_general3A_425, %mul3A_432 : vector<512x512xf32>
      %jit3A = arith.constant -1.000000e+30 : f32
      %broadcast_in_dim3A_434 = vector.broadcast %jit3A : f32 to vector<512x512xf32>
      %select_n3A = arith.select %ge3A_430, %mul3A_433, %broadcast_in_dim3A_434 : vector<512x512xi1>, vector<512x512xf32>
      %swap3A_435 = arith.constant 0 : index
      %swap3A_436 = arith.constant 0 : index
      %swap3A_437 = vector.load %arg5[%swap3A_435, %swap3A_436] : memref<512x2048xf32, #tpu.memory_space<vmem>>, vector<512x512xf32>
      tpu.vector_store %arg5[%swap3A_435, %swap3A_436], %select_n3A {strides = array<i32>} : memref<512x2048xf32, #tpu.memory_space<vmem>>, vector<512x512xf32>,
    } else {
    }
    %ge3A_110 = arith.constant 1 : i32
    %ge3A_111 = arith.cmpi sge, %arg0, %ge3A_110 : i32
    %convert_element_type3A_112 = arith.extui %ge3A_111 : i1 to i32
    %cond3A_113 = arith.constant 0 : i32
    %cond3A_114 = arith.cmpi ne, %convert_element_type3A_112, %cond3A_113 : i32
    scf.if %cond3A_114 {
      %get3A_421 = arith.constant 512 : index
      %get3A_422 = arith.constant 64 : index
      %get3A_423 = vector.load %arg2[%get3A_421, %get3A_422] : memref<2048x256xf32, #tpu.memory_space<vmem>>, vector<512x64xf32>
      %dot_general3A_424 = arith.constant dense<0.000000e+00> : vector<512x512xf32>
      %dot_general3A_425 = tpu.matmul %slice3A_104, %get3A_423, %dot_general3A_424 {dimension_numbers = #tpu.dot_dimension_numbers<[1], [1], [0], [0], [0, 0, 1, 0], [], []>, transpose_lhs_hint = false} : vector<512x64xf32>, vector<512x64xf32>, vector<512x512xf32> -> vector<512x512xf32>
      %iota3A_426 = tpu.iota {dimensions = array<i32: 1>} : vector<512x512xi32>
      %add3A_427 = arith.constant 512 : i32
      %add3A_428 = vector.broadcast %add3A_427 : i32 to vector<512x512xi32>
      %add3A_429 = arith.addi %add3A_428, %iota3A_426 : vector<512x512xi32>
      %ge3A_430 = arith.cmpi sge, %add3A_3, %add3A_429 : vector<512x512xi32>
      %mul3A_431 = arith.constant 1.250000e-01 : f32
      %mul3A_432 = vector.broadcast %mul3A_431 : f32 to vector<512x512xf32>
      %mul3A_433 = arith.mulf %dot_general3A_425, %mul3A_432 : vector<512x512xf32>
      %jit3A = arith.constant -1.000000e+30 : f32
      %broadcast_in_dim3A_434 = vector.broadcast %jit3A : f32 to vector<512x512xf32>
      %select_n3A = arith.select %ge3A_430, %mul3A_433, %broadcast_in_dim3A_434 : vector<512x512xi1>, vector<512x512xf32>
      %swap3A_435 = arith.constant 0 : index
      %swap3A_436 = arith.constant 512 : index
      %swap3A_437 = vector.load %arg5[%swap3A_435, %swap3A_436] : memref<512x2048xf32, #tpu.memory_space<vmem>>, vector<512x512xf32>
      tpu.vector_store %arg5[%swap3A_435, %swap3A_436], %select_n3A {strides = array<i32>} : memref<512x2048xf32, #tpu.memory_space<vmem>>, vector<512x512xf32>,
    } else {
    }
    %ge3A_115 = arith.constant 2 : i32
    %ge3A_116 = arith.cmpi sge, %arg0, %ge3A_115 : i32
    %convert_element_type3A_117 = arith.extui %ge3A_116 : i1 to i32
    %cond3A_118 = arith.constant 0 : i32
    %cond3A_119 = arith.cmpi ne, %convert_element_type3A_117, %cond3A_118 : i32
    scf.if %cond3A_119 {
      %get3A_421 = arith.constant 1024 : index
      %get3A_422 = arith.constant 64 : index
      %get3A_423 = vector.load %arg2[%get3A_421, %get3A_422] : memref<2048x256xf32, #tpu.memory_space<vmem>>, vector<512x64xf32>
      %dot_general3A_424 = arith.constant dense<0.000000e+00> : vector<512x512xf32>
      %dot_general3A_425 = tpu.matmul %slice3A_104, %get3A_423, %dot_general3A_424 {dimension_numbers = #tpu.dot_dimension_numbers<[1], [1], [0], [0], [0, 0, 1, 0], [], []>, transpose_lhs_hint = false} : vector<512x64xf32>, vector<512x64xf32>, vector<512x512xf32> -> vector<512x512xf32>
      %iota3A_426 = tpu.iota {dimensions = array<i32: 1>} : vector<512x512xi32>
      %add3A_427 = arith.constant 1024 : i32
      %add3A_428 = vector.broadcast %add3A_427 : i32 to vector<512x512xi32>
      %add3A_429 = arith.addi %add3A_428, %iota3A_426 : vector<512x512xi32>
      %ge3A_430 = arith.cmpi sge, %add3A_3, %add3A_429 : vector<512x512xi32>
      %mul3A_431 = arith.constant 1.250000e-01 : f32
      %mul3A_432 = vector.broadcast %mul3A_431 : f32 to vector<512x512xf32>
      %mul3A_433 = arith.mulf %dot_general3A_425, %mul3A_432 : vector<512x512xf32>
      %jit3A = arith.constant -1.000000e+30 : f32
      %broadcast_in_dim3A_434 = vector.broadcast %jit3A : f32 to vector<512x512xf32>
      %select_n3A = arith.select %ge3A_430, %mul3A_433, %broadcast_in_dim3A_434 : vector<512x512xi1>, vector<512x512xf32>
      %swap3A_435 = arith.constant 0 : index
      %swap3A_436 = arith.constant 1024 : index
      %swap3A_437 = vector.load %arg5[%swap3A_435, %swap3A_436] : memref<512x2048xf32, #tpu.memory_space<vmem>>, vector<512x512xf32>
      tpu.vector_store %arg5[%swap3A_435, %swap3A_436], %select_n3A {strides = array<i32>} : memref<512x2048xf32, #tpu.memory_space<vmem>>, vector<512x512xf32>,
    } else {
    }
    %ge3A_120 = arith.constant 3 : i32
    %ge3A_121 = arith.cmpi sge, %arg0, %ge3A_120 : i32
    %convert_element_type3A_122 = arith.extui %ge3A_121 : i1 to i32
    %cond3A_123 = arith.constant 0 : i32
    %cond3A_124 = arith.cmpi ne, %convert_element_type3A_122, %cond3A_123 : i32
    scf.if %cond3A_124 {
      %get3A_421 = arith.constant 1536 : index
      %get3A_422 = arith.constant 64 : index
      %get3A_423 = vector.load %arg2[%get3A_421, %get3A_422] : memref<2048x256xf32, #tpu.memory_space<vmem>>, vector<512x64xf32>
      %dot_general3A_424 = arith.constant dense<0.000000e+00> : vector<512x512xf32>
      %dot_general3A_425 = tpu.matmul %slice3A_104, %get3A_423, %dot_general3A_424 {dimension_numbers = #tpu.dot_dimension_numbers<[1], [1], [0], [0], [0, 0, 1, 0], [], []>, transpose_lhs_hint = false} : vector<512x64xf32>, vector<512x64xf32>, vector<512x512xf32> -> vector<512x512xf32>
      %iota3A_426 = tpu.iota {dimensions = array<i32: 1>} : vector<512x512xi32>
      %add3A_427 = arith.constant 1536 : i32
      %add3A_428 = vector.broadcast %add3A_427 : i32 to vector<512x512xi32>
      %add3A_429 = arith.addi %add3A_428, %iota3A_426 : vector<512x512xi32>
      %ge3A_430 = arith.cmpi sge, %add3A_3, %add3A_429 : vector<512x512xi32>
      %mul3A_431 = arith.constant 1.250000e-01 : f32
      %mul3A_432 = vector.broadcast %mul3A_431 : f32 to vector<512x512xf32>
      %mul3A_433 = arith.mulf %dot_general3A_425, %mul3A_432 : vector<512x512xf32>
      %jit3A = arith.constant -1.000000e+30 : f32
      %broadcast_in_dim3A_434 = vector.broadcast %jit3A : f32 to vector<512x512xf32>
      %select_n3A = arith.select %ge3A_430, %mul3A_433, %broadcast_in_dim3A_434 : vector<512x512xi1>, vector<512x512xf32>
      %swap3A_435 = arith.constant 0 : index
      %swap3A_436 = arith.constant 1536 : index
      %swap3A_437 = vector.load %arg5[%swap3A_435, %swap3A_436] : memref<512x2048xf32, #tpu.memory_space<vmem>>, vector<512x512xf32>
      tpu.vector_store %arg5[%swap3A_435, %swap3A_436], %select_n3A {strides = array<i32>} : memref<512x2048xf32, #tpu.memory_space<vmem>>, vector<512x512xf32>,
    } else {
    }
    %get3A_125 = arith.constant 0 : index
    %get3A_126 = arith.constant 0 : index
    %get3A_127 = vector.load %arg5[%get3A_125, %get3A_126] : memref<512x2048xf32, #tpu.memory_space<vmem>>, vector<512x2048xf32>
    %exp3A_128 = math.exp %get3A_127 : vector<512x2048xf32>
    %reduce_sum3A_129 = arith.constant dense<0.000000e+00> : vector<512xf32>
    %reduce_sum3A_130 = vector.multi_reduction <add>, %exp3A_128, %reduce_sum3A_129 [1] : vector<512x2048xf32> to vector<512xf32>
    %broadcast_in_dim3A_131 = vector.shape_cast %reduce_sum3A_130 : vector<512xf32> to vector<512x1xf32>
    %div3A_132 = vector.broadcast %broadcast_in_dim3A_131 : vector<512x1xf32> to vector<512x2048xf32>
    %div3A_133 = arith.divf %exp3A_128, %div3A_132 : vector<512x2048xf32>
    %get3A_134 = arith.constant 0 : index
    %get3A_135 = arith.constant 64 : index
    %get3A_136 = vector.load %arg3[%get3A_134, %get3A_135] : memref<2048x256xf32, #tpu.memory_space<vmem>>, vector<2048x64xf32>
    %dot_general3A_137 = arith.constant dense<0.000000e+00> : vector<512x64xf32>
    %dot_general3A_138 = tpu.matmul %div3A_133, %get3A_136, %dot_general3A_137 {dimension_numbers = #tpu.dot_dimension_numbers<[1], [0], [0], [1], [0, 0, 1, 1], [], []>, transpose_lhs_hint = false} : vector<512x2048xf32>, vector<2048x64xf32>, vector<512x64xf32> -> vector<512x64xf32>
    %slice3A_139 = vector.extract_strided_slice %get3A_1 {offsets = [0, 256], sizes = [512, 64], strides = [1, 1]} : vector<512x768xf32> to vector<512x64xf32>
    %ge3A_140 = arith.constant 0 : i32
    %ge3A_141 = arith.cmpi sge, %arg0, %ge3A_140 : i32
    %convert_element_type3A_142 = arith.extui %ge3A_141 : i1 to i32
    %cond3A_143 = arith.constant 0 : i32
    %cond3A_144 = arith.cmpi ne, %convert_element_type3A_142, %cond3A_143 : i32
    scf.if %cond3A_144 {
      %get3A_421 = arith.constant 0 : index
      %get3A_422 = arith.constant 64 : index
      %get3A_423 = vector.load %arg2[%get3A_421, %get3A_422] : memref<2048x256xf32, #tpu.memory_space<vmem>>, vector<512x64xf32>
      %dot_general3A_424 = arith.constant dense<0.000000e+00> : vector<512x512xf32>
      %dot_general3A_425 = tpu.matmul %slice3A_139, %get3A_423, %dot_general3A_424 {dimension_numbers = #tpu.dot_dimension_numbers<[1], [1], [0], [0], [0, 0, 1, 0], [], []>, transpose_lhs_hint = false} : vector<512x64xf32>, vector<512x64xf32>, vector<512x512xf32> -> vector<512x512xf32>
      %iota3A_426 = tpu.iota {dimensions = array<i32: 1>} : vector<512x512xi32>
      %add3A_427 = arith.constant 0 : i32
      %add3A_428 = vector.broadcast %add3A_427 : i32 to vector<512x512xi32>
      %add3A_429 = arith.addi %add3A_428, %iota3A_426 : vector<512x512xi32>
      %ge3A_430 = arith.cmpi sge, %add3A_3, %add3A_429 : vector<512x512xi32>
      %mul3A_431 = arith.constant 1.250000e-01 : f32
      %mul3A_432 = vector.broadcast %mul3A_431 : f32 to vector<512x512xf32>
      %mul3A_433 = arith.mulf %dot_general3A_425, %mul3A_432 : vector<512x512xf32>
      %jit3A = arith.constant -1.000000e+30 : f32
      %broadcast_in_dim3A_434 = vector.broadcast %jit3A : f32 to vector<512x512xf32>
      %select_n3A = arith.select %ge3A_430, %mul3A_433, %broadcast_in_dim3A_434 : vector<512x512xi1>, vector<512x512xf32>
      %swap3A_435 = arith.constant 0 : index
      %swap3A_436 = arith.constant 0 : index
      %swap3A_437 = vector.load %arg5[%swap3A_435, %swap3A_436] : memref<512x2048xf32, #tpu.memory_space<vmem>>, vector<512x512xf32>
      tpu.vector_store %arg5[%swap3A_435, %swap3A_436], %select_n3A {strides = array<i32>} : memref<512x2048xf32, #tpu.memory_space<vmem>>, vector<512x512xf32>,
    } else {
    }
    %ge3A_145 = arith.constant 1 : i32
    %ge3A_146 = arith.cmpi sge, %arg0, %ge3A_145 : i32
    %convert_element_type3A_147 = arith.extui %ge3A_146 : i1 to i32
    %cond3A_148 = arith.constant 0 : i32
    %cond3A_149 = arith.cmpi ne, %convert_element_type3A_147, %cond3A_148 : i32
    scf.if %cond3A_149 {
      %get3A_421 = arith.constant 512 : index
      %get3A_422 = arith.constant 64 : index
      %get3A_423 = vector.load %arg2[%get3A_421, %get3A_422] : memref<2048x256xf32, #tpu.memory_space<vmem>>, vector<512x64xf32>
      %dot_general3A_424 = arith.constant dense<0.000000e+00> : vector<512x512xf32>
      %dot_general3A_425 = tpu.matmul %slice3A_139, %get3A_423, %dot_general3A_424 {dimension_numbers = #tpu.dot_dimension_numbers<[1], [1], [0], [0], [0, 0, 1, 0], [], []>, transpose_lhs_hint = false} : vector<512x64xf32>, vector<512x64xf32>, vector<512x512xf32> -> vector<512x512xf32>
      %iota3A_426 = tpu.iota {dimensions = array<i32: 1>} : vector<512x512xi32>
      %add3A_427 = arith.constant 512 : i32
      %add3A_428 = vector.broadcast %add3A_427 : i32 to vector<512x512xi32>
      %add3A_429 = arith.addi %add3A_428, %iota3A_426 : vector<512x512xi32>
      %ge3A_430 = arith.cmpi sge, %add3A_3, %add3A_429 : vector<512x512xi32>
      %mul3A_431 = arith.constant 1.250000e-01 : f32
      %mul3A_432 = vector.broadcast %mul3A_431 : f32 to vector<512x512xf32>
      %mul3A_433 = arith.mulf %dot_general3A_425, %mul3A_432 : vector<512x512xf32>
      %jit3A = arith.constant -1.000000e+30 : f32
      %broadcast_in_dim3A_434 = vector.broadcast %jit3A : f32 to vector<512x512xf32>
      %select_n3A = arith.select %ge3A_430, %mul3A_433, %broadcast_in_dim3A_434 : vector<512x512xi1>, vector<512x512xf32>
      %swap3A_435 = arith.constant 0 : index
      %swap3A_436 = arith.constant 512 : index
      %swap3A_437 = vector.load %arg5[%swap3A_435, %swap3A_436] : memref<512x2048xf32, #tpu.memory_space<vmem>>, vector<512x512xf32>
      tpu.vector_store %arg5[%swap3A_435, %swap3A_436], %select_n3A {strides = array<i32>} : memref<512x2048xf32, #tpu.memory_space<vmem>>, vector<512x512xf32>,
    } else {
    }
    %ge3A_150 = arith.constant 2 : i32
    %ge3A_151 = arith.cmpi sge, %arg0, %ge3A_150 : i32
    %convert_element_type3A_152 = arith.extui %ge3A_151 : i1 to i32
    %cond3A_153 = arith.constant 0 : i32
    %cond3A_154 = arith.cmpi ne, %convert_element_type3A_152, %cond3A_153 : i32
    scf.if %cond3A_154 {
      %get3A_421 = arith.constant 1024 : index
      %get3A_422 = arith.constant 64 : index
      %get3A_423 = vector.load %arg2[%get3A_421, %get3A_422] : memref<2048x256xf32, #tpu.memory_space<vmem>>, vector<512x64xf32>
      %dot_general3A_424 = arith.constant dense<0.000000e+00> : vector<512x512xf32>
      %dot_general3A_425 = tpu.matmul %slice3A_139, %get3A_423, %dot_general3A_424 {dimension_numbers = #tpu.dot_dimension_numbers<[1], [1], [0], [0], [0, 0, 1, 0], [], []>, transpose_lhs_hint = false} : vector<512x64xf32>, vector<512x64xf32>, vector<512x512xf32> -> vector<512x512xf32>
      %iota3A_426 = tpu.iota {dimensions = array<i32: 1>} : vector<512x512xi32>
      %add3A_427 = arith.constant 1024 : i32
      %add3A_428 = vector.broadcast %add3A_427 : i32 to vector<512x512xi32>
      %add3A_429 = arith.addi %add3A_428, %iota3A_426 : vector<512x512xi32>
      %ge3A_430 = arith.cmpi sge, %add3A_3, %add3A_429 : vector<512x512xi32>
      %mul3A_431 = arith.constant 1.250000e-01 : f32
      %mul3A_432 = vector.broadcast %mul3A_431 : f32 to vector<512x512xf32>
      %mul3A_433 = arith.mulf %dot_general3A_425, %mul3A_432 : vector<512x512xf32>
      %jit3A = arith.constant -1.000000e+30 : f32
      %broadcast_in_dim3A_434 = vector.broadcast %jit3A : f32 to vector<512x512xf32>
      %select_n3A = arith.select %ge3A_430, %mul3A_433, %broadcast_in_dim3A_434 : vector<512x512xi1>, vector<512x512xf32>
      %swap3A_435 = arith.constant 0 : index
      %swap3A_436 = arith.constant 1024 : index
      %swap3A_437 = vector.load %arg5[%swap3A_435, %swap3A_436] : memref<512x2048xf32, #tpu.memory_space<vmem>>, vector<512x512xf32>
      tpu.vector_store %arg5[%swap3A_435, %swap3A_436], %select_n3A {strides = array<i32>} : memref<512x2048xf32, #tpu.memory_space<vmem>>, vector<512x512xf32>,
    } else {
    }
    %ge3A_155 = arith.constant 3 : i32
    %ge3A_156 = arith.cmpi sge, %arg0, %ge3A_155 : i32
    %convert_element_type3A_157 = arith.extui %ge3A_156 : i1 to i32
    %cond3A_158 = arith.constant 0 : i32
    %cond3A_159 = arith.cmpi ne, %convert_element_type3A_157, %cond3A_158 : i32
    scf.if %cond3A_159 {
      %get3A_421 = arith.constant 1536 : index
      %get3A_422 = arith.constant 64 : index
      %get3A_423 = vector.load %arg2[%get3A_421, %get3A_422] : memref<2048x256xf32, #tpu.memory_space<vmem>>, vector<512x64xf32>
      %dot_general3A_424 = arith.constant dense<0.000000e+00> : vector<512x512xf32>
      %dot_general3A_425 = tpu.matmul %slice3A_139, %get3A_423, %dot_general3A_424 {dimension_numbers = #tpu.dot_dimension_numbers<[1], [1], [0], [0], [0, 0, 1, 0], [], []>, transpose_lhs_hint = false} : vector<512x64xf32>, vector<512x64xf32>, vector<512x512xf32> -> vector<512x512xf32>
      %iota3A_426 = tpu.iota {dimensions = array<i32: 1>} : vector<512x512xi32>
      %add3A_427 = arith.constant 1536 : i32
      %add3A_428 = vector.broadcast %add3A_427 : i32 to vector<512x512xi32>
      %add3A_429 = arith.addi %add3A_428, %iota3A_426 : vector<512x512xi32>
      %ge3A_430 = arith.cmpi sge, %add3A_3, %add3A_429 : vector<512x512xi32>
      %mul3A_431 = arith.constant 1.250000e-01 : f32
      %mul3A_432 = vector.broadcast %mul3A_431 : f32 to vector<512x512xf32>
      %mul3A_433 = arith.mulf %dot_general3A_425, %mul3A_432 : vector<512x512xf32>
      %jit3A = arith.constant -1.000000e+30 : f32
      %broadcast_in_dim3A_434 = vector.broadcast %jit3A : f32 to vector<512x512xf32>
      %select_n3A = arith.select %ge3A_430, %mul3A_433, %broadcast_in_dim3A_434 : vector<512x512xi1>, vector<512x512xf32>
      %swap3A_435 = arith.constant 0 : index
      %swap3A_436 = arith.constant 1536 : index
      %swap3A_437 = vector.load %arg5[%swap3A_435, %swap3A_436] : memref<512x2048xf32, #tpu.memory_space<vmem>>, vector<512x512xf32>
      tpu.vector_store %arg5[%swap3A_435, %swap3A_436], %select_n3A {strides = array<i32>} : memref<512x2048xf32, #tpu.memory_space<vmem>>, vector<512x512xf32>,
    } else {
    }
    %get3A_160 = arith.constant 0 : index
    %get3A_161 = arith.constant 0 : index
    %get3A_162 = vector.load %arg5[%get3A_160, %get3A_161] : memref<512x2048xf32, #tpu.memory_space<vmem>>, vector<512x2048xf32>
    %exp3A_163 = math.exp %get3A_162 : vector<512x2048xf32>
    %reduce_sum3A_164 = arith.constant dense<0.000000e+00> : vector<512xf32>
    %reduce_sum3A_165 = vector.multi_reduction <add>, %exp3A_163, %reduce_sum3A_164 [1] : vector<512x2048xf32> to vector<512xf32>
    %broadcast_in_dim3A_166 = vector.shape_cast %reduce_sum3A_165 : vector<512xf32> to vector<512x1xf32>
    %div3A_167 = vector.broadcast %broadcast_in_dim3A_166 : vector<512x1xf32> to vector<512x2048xf32>
    %div3A_168 = arith.divf %exp3A_163, %div3A_167 : vector<512x2048xf32>
    %get3A_169 = arith.constant 0 : index
    %get3A_170 = arith.constant 64 : index
    %get3A_171 = vector.load %arg3[%get3A_169, %get3A_170] : memref<2048x256xf32, #tpu.memory_space<vmem>>, vector<2048x64xf32>
    %dot_general3A_172 = arith.constant dense<0.000000e+00> : vector<512x64xf32>
    %dot_general3A_173 = tpu.matmul %div3A_168, %get3A_171, %dot_general3A_172 {dimension_numbers = #tpu.dot_dimension_numbers<[1], [0], [0], [1], [0, 0, 1, 1], [], []>, transpose_lhs_hint = false} : vector<512x2048xf32>, vector<2048x64xf32>, vector<512x64xf32> -> vector<512x64xf32>
    %slice3A_174 = vector.extract_strided_slice %get3A_1 {offsets = [0, 320], sizes = [512, 64], strides = [1, 1]} : vector<512x768xf32> to vector<512x64xf32>
    %ge3A_175 = arith.constant 0 : i32
    %ge3A_176 = arith.cmpi sge, %arg0, %ge3A_175 : i32
    %convert_element_type3A_177 = arith.extui %ge3A_176 : i1 to i32
    %cond3A_178 = arith.constant 0 : i32
    %cond3A_179 = arith.cmpi ne, %convert_element_type3A_177, %cond3A_178 : i32
    scf.if %cond3A_179 {
      %get3A_421 = arith.constant 0 : index
      %get3A_422 = arith.constant 64 : index
      %get3A_423 = vector.load %arg2[%get3A_421, %get3A_422] : memref<2048x256xf32, #tpu.memory_space<vmem>>, vector<512x64xf32>
      %dot_general3A_424 = arith.constant dense<0.000000e+00> : vector<512x512xf32>
      %dot_general3A_425 = tpu.matmul %slice3A_174, %get3A_423, %dot_general3A_424 {dimension_numbers = #tpu.dot_dimension_numbers<[1], [1], [0], [0], [0, 0, 1, 0], [], []>, transpose_lhs_hint = false} : vector<512x64xf32>, vector<512x64xf32>, vector<512x512xf32> -> vector<512x512xf32>
      %iota3A_426 = tpu.iota {dimensions = array<i32: 1>} : vector<512x512xi32>
      %add3A_427 = arith.constant 0 : i32
      %add3A_428 = vector.broadcast %add3A_427 : i32 to vector<512x512xi32>
      %add3A_429 = arith.addi %add3A_428, %iota3A_426 : vector<512x512xi32>
      %ge3A_430 = arith.cmpi sge, %add3A_3, %add3A_429 : vector<512x512xi32>
      %mul3A_431 = arith.constant 1.250000e-01 : f32
      %mul3A_432 = vector.broadcast %mul3A_431 : f32 to vector<512x512xf32>
      %mul3A_433 = arith.mulf %dot_general3A_425, %mul3A_432 : vector<512x512xf32>
      %jit3A = arith.constant -1.000000e+30 : f32
      %broadcast_in_dim3A_434 = vector.broadcast %jit3A : f32 to vector<512x512xf32>
      %select_n3A = arith.select %ge3A_430, %mul3A_433, %broadcast_in_dim3A_434 : vector<512x512xi1>, vector<512x512xf32>
      %swap3A_435 = arith.constant 0 : index
      %swap3A_436 = arith.constant 0 : index
      %swap3A_437 = vector.load %arg5[%swap3A_435, %swap3A_436] : memref<512x2048xf32, #tpu.memory_space<vmem>>, vector<512x512xf32>
      tpu.vector_store %arg5[%swap3A_435, %swap3A_436], %select_n3A {strides = array<i32>} : memref<512x2048xf32, #tpu.memory_space<vmem>>, vector<512x512xf32>,
    } else {
    }
    %ge3A_180 = arith.constant 1 : i32
    %ge3A_181 = arith.cmpi sge, %arg0, %ge3A_180 : i32
    %convert_element_type3A_182 = arith.extui %ge3A_181 : i1 to i32
    %cond3A_183 = arith.constant 0 : i32
    %cond3A_184 = arith.cmpi ne, %convert_element_type3A_182, %cond3A_183 : i32
    scf.if %cond3A_184 {
      %get3A_421 = arith.constant 512 : index
      %get3A_422 = arith.constant 64 : index
      %get3A_423 = vector.load %arg2[%get3A_421, %get3A_422] : memref<2048x256xf32, #tpu.memory_space<vmem>>, vector<512x64xf32>
      %dot_general3A_424 = arith.constant dense<0.000000e+00> : vector<512x512xf32>
      %dot_general3A_425 = tpu.matmul %slice3A_174, %get3A_423, %dot_general3A_424 {dimension_numbers = #tpu.dot_dimension_numbers<[1], [1], [0], [0], [0, 0, 1, 0], [], []>, transpose_lhs_hint = false} : vector<512x64xf32>, vector<512x64xf32>, vector<512x512xf32> -> vector<512x512xf32>
      %iota3A_426 = tpu.iota {dimensions = array<i32: 1>} : vector<512x512xi32>
      %add3A_427 = arith.constant 512 : i32
      %add3A_428 = vector.broadcast %add3A_427 : i32 to vector<512x512xi32>
      %add3A_429 = arith.addi %add3A_428, %iota3A_426 : vector<512x512xi32>
      %ge3A_430 = arith.cmpi sge, %add3A_3, %add3A_429 : vector<512x512xi32>
      %mul3A_431 = arith.constant 1.250000e-01 : f32
      %mul3A_432 = vector.broadcast %mul3A_431 : f32 to vector<512x512xf32>
      %mul3A_433 = arith.mulf %dot_general3A_425, %mul3A_432 : vector<512x512xf32>
      %jit3A = arith.constant -1.000000e+30 : f32
      %broadcast_in_dim3A_434 = vector.broadcast %jit3A : f32 to vector<512x512xf32>
      %select_n3A = arith.select %ge3A_430, %mul3A_433, %broadcast_in_dim3A_434 : vector<512x512xi1>, vector<512x512xf32>
      %swap3A_435 = arith.constant 0 : index
      %swap3A_436 = arith.constant 512 : index
      %swap3A_437 = vector.load %arg5[%swap3A_435, %swap3A_436] : memref<512x2048xf32, #tpu.memory_space<vmem>>, vector<512x512xf32>
      tpu.vector_store %arg5[%swap3A_435, %swap3A_436], %select_n3A {strides = array<i32>} : memref<512x2048xf32, #tpu.memory_space<vmem>>, vector<512x512xf32>,
    } else {
    }
    %ge3A_185 = arith.constant 2 : i32
    %ge3A_186 = arith.cmpi sge, %arg0, %ge3A_185 : i32
    %convert_element_type3A_187 = arith.extui %ge3A_186 : i1 to i32
    %cond3A_188 = arith.constant 0 : i32
    %cond3A_189 = arith.cmpi ne, %convert_element_type3A_187, %cond3A_188 : i32
    scf.if %cond3A_189 {
      %get3A_421 = arith.constant 1024 : index
      %get3A_422 = arith.constant 64 : index
      %get3A_423 = vector.load %arg2[%get3A_421, %get3A_422] : memref<2048x256xf32, #tpu.memory_space<vmem>>, vector<512x64xf32>
      %dot_general3A_424 = arith.constant dense<0.000000e+00> : vector<512x512xf32>
      %dot_general3A_425 = tpu.matmul %slice3A_174, %get3A_423, %dot_general3A_424 {dimension_numbers = #tpu.dot_dimension_numbers<[1], [1], [0], [0], [0, 0, 1, 0], [], []>, transpose_lhs_hint = false} : vector<512x64xf32>, vector<512x64xf32>, vector<512x512xf32> -> vector<512x512xf32>
      %iota3A_426 = tpu.iota {dimensions = array<i32: 1>} : vector<512x512xi32>
      %add3A_427 = arith.constant 1024 : i32
      %add3A_428 = vector.broadcast %add3A_427 : i32 to vector<512x512xi32>
      %add3A_429 = arith.addi %add3A_428, %iota3A_426 : vector<512x512xi32>
      %ge3A_430 = arith.cmpi sge, %add3A_3, %add3A_429 : vector<512x512xi32>
      %mul3A_431 = arith.constant 1.250000e-01 : f32
      %mul3A_432 = vector.broadcast %mul3A_431 : f32 to vector<512x512xf32>
      %mul3A_433 = arith.mulf %dot_general3A_425, %mul3A_432 : vector<512x512xf32>
      %jit3A = arith.constant -1.000000e+30 : f32
      %broadcast_in_dim3A_434 = vector.broadcast %jit3A : f32 to vector<512x512xf32>
      %select_n3A = arith.select %ge3A_430, %mul3A_433, %broadcast_in_dim3A_434 : vector<512x512xi1>, vector<512x512xf32>
      %swap3A_435 = arith.constant 0 : index
      %swap3A_436 = arith.constant 1024 : index
      %swap3A_437 = vector.load %arg5[%swap3A_435, %swap3A_436] : memref<512x2048xf32, #tpu.memory_space<vmem>>, vector<512x512xf32>
      tpu.vector_store %arg5[%swap3A_435, %swap3A_436], %select_n3A {strides = array<i32>} : memref<512x2048xf32, #tpu.memory_space<vmem>>, vector<512x512xf32>,
    } else {
    }
    %ge3A_190 = arith.constant 3 : i32
    %ge3A_191 = arith.cmpi sge, %arg0, %ge3A_190 : i32
    %convert_element_type3A_192 = arith.extui %ge3A_191 : i1 to i32
    %cond3A_193 = arith.constant 0 : i32
    %cond3A_194 = arith.cmpi ne, %convert_element_type3A_192, %cond3A_193 : i32
    scf.if %cond3A_194 {
      %get3A_421 = arith.constant 1536 : index
      %get3A_422 = arith.constant 64 : index
      %get3A_423 = vector.load %arg2[%get3A_421, %get3A_422] : memref<2048x256xf32, #tpu.memory_space<vmem>>, vector<512x64xf32>
      %dot_general3A_424 = arith.constant dense<0.000000e+00> : vector<512x512xf32>
      %dot_general3A_425 = tpu.matmul %slice3A_174, %get3A_423, %dot_general3A_424 {dimension_numbers = #tpu.dot_dimension_numbers<[1], [1], [0], [0], [0, 0, 1, 0], [], []>, transpose_lhs_hint = false} : vector<512x64xf32>, vector<512x64xf32>, vector<512x512xf32> -> vector<512x512xf32>
      %iota3A_426 = tpu.iota {dimensions = array<i32: 1>} : vector<512x512xi32>
      %add3A_427 = arith.constant 1536 : i32
      %add3A_428 = vector.broadcast %add3A_427 : i32 to vector<512x512xi32>
      %add3A_429 = arith.addi %add3A_428, %iota3A_426 : vector<512x512xi32>
      %ge3A_430 = arith.cmpi sge, %add3A_3, %add3A_429 : vector<512x512xi32>
      %mul3A_431 = arith.constant 1.250000e-01 : f32
      %mul3A_432 = vector.broadcast %mul3A_431 : f32 to vector<512x512xf32>
      %mul3A_433 = arith.mulf %dot_general3A_425, %mul3A_432 : vector<512x512xf32>
      %jit3A = arith.constant -1.000000e+30 : f32
      %broadcast_in_dim3A_434 = vector.broadcast %jit3A : f32 to vector<512x512xf32>
      %select_n3A = arith.select %ge3A_430, %mul3A_433, %broadcast_in_dim3A_434 : vector<512x512xi1>, vector<512x512xf32>
      %swap3A_435 = arith.constant 0 : index
      %swap3A_436 = arith.constant 1536 : index
      %swap3A_437 = vector.load %arg5[%swap3A_435, %swap3A_436] : memref<512x2048xf32, #tpu.memory_space<vmem>>, vector<512x512xf32>
      tpu.vector_store %arg5[%swap3A_435, %swap3A_436], %select_n3A {strides = array<i32>} : memref<512x2048xf32, #tpu.memory_space<vmem>>, vector<512x512xf32>,
    } else {
    }
    %get3A_195 = arith.constant 0 : index
    %get3A_196 = arith.constant 0 : index
    %get3A_197 = vector.load %arg5[%get3A_195, %get3A_196] : memref<512x2048xf32, #tpu.memory_space<vmem>>, vector<512x2048xf32>
    %exp3A_198 = math.exp %get3A_197 : vector<512x2048xf32>
    %reduce_sum3A_199 = arith.constant dense<0.000000e+00> : vector<512xf32>
    %reduce_sum3A_200 = vector.multi_reduction <add>, %exp3A_198, %reduce_sum3A_199 [1] : vector<512x2048xf32> to vector<512xf32>
    %broadcast_in_dim3A_201 = vector.shape_cast %reduce_sum3A_200 : vector<512xf32> to vector<512x1xf32>
    %div3A_202 = vector.broadcast %broadcast_in_dim3A_201 : vector<512x1xf32> to vector<512x2048xf32>
    %div3A_203 = arith.divf %exp3A_198, %div3A_202 : vector<512x2048xf32>
    %get3A_204 = arith.constant 0 : index
    %get3A_205 = arith.constant 64 : index
    %get3A_206 = vector.load %arg3[%get3A_204, %get3A_205] : memref<2048x256xf32, #tpu.memory_space<vmem>>, vector<2048x64xf32>
    %dot_general3A_207 = arith.constant dense<0.000000e+00> : vector<512x64xf32>
    %dot_general3A_208 = tpu.matmul %div3A_203, %get3A_206, %dot_general3A_207 {dimension_numbers = #tpu.dot_dimension_numbers<[1], [0], [0], [1], [0, 0, 1, 1], [], []>, transpose_lhs_hint = false} : vector<512x2048xf32>, vector<2048x64xf32>, vector<512x64xf32> -> vector<512x64xf32>
    %slice3A_209 = vector.extract_strided_slice %get3A_1 {offsets = [0, 384], sizes = [512, 64], strides = [1, 1]} : vector<512x768xf32> to vector<512x64xf32>
    %ge3A_210 = arith.constant 0 : i32
    %ge3A_211 = arith.cmpi sge, %arg0, %ge3A_210 : i32
    %convert_element_type3A_212 = arith.extui %ge3A_211 : i1 to i32
    %cond3A_213 = arith.constant 0 : i32
    %cond3A_214 = arith.cmpi ne, %convert_element_type3A_212, %cond3A_213 : i32
    scf.if %cond3A_214 {
      %get3A_421 = arith.constant 0 : index
      %get3A_422 = arith.constant 128 : index
      %get3A_423 = vector.load %arg2[%get3A_421, %get3A_422] : memref<2048x256xf32, #tpu.memory_space<vmem>>, vector<512x64xf32>
      %dot_general3A_424 = arith.constant dense<0.000000e+00> : vector<512x512xf32>
      %dot_general3A_425 = tpu.matmul %slice3A_209, %get3A_423, %dot_general3A_424 {dimension_numbers = #tpu.dot_dimension_numbers<[1], [1], [0], [0], [0, 0, 1, 0], [], []>, transpose_lhs_hint = false} : vector<512x64xf32>, vector<512x64xf32>, vector<512x512xf32> -> vector<512x512xf32>
      %iota3A_426 = tpu.iota {dimensions = array<i32: 1>} : vector<512x512xi32>
      %add3A_427 = arith.constant 0 : i32
      %add3A_428 = vector.broadcast %add3A_427 : i32 to vector<512x512xi32>
      %add3A_429 = arith.addi %add3A_428, %iota3A_426 : vector<512x512xi32>
      %ge3A_430 = arith.cmpi sge, %add3A_3, %add3A_429 : vector<512x512xi32>
      %mul3A_431 = arith.constant 1.250000e-01 : f32
      %mul3A_432 = vector.broadcast %mul3A_431 : f32 to vector<512x512xf32>
      %mul3A_433 = arith.mulf %dot_general3A_425, %mul3A_432 : vector<512x512xf32>
      %jit3A = arith.constant -1.000000e+30 : f32
      %broadcast_in_dim3A_434 = vector.broadcast %jit3A : f32 to vector<512x512xf32>
      %select_n3A = arith.select %ge3A_430, %mul3A_433, %broadcast_in_dim3A_434 : vector<512x512xi1>, vector<512x512xf32>
      %swap3A_435 = arith.constant 0 : index
      %swap3A_436 = arith.constant 0 : index
      %swap3A_437 = vector.load %arg5[%swap3A_435, %swap3A_436] : memref<512x2048xf32, #tpu.memory_space<vmem>>, vector<512x512xf32>
      tpu.vector_store %arg5[%swap3A_435, %swap3A_436], %select_n3A {strides = array<i32>} : memref<512x2048xf32, #tpu.memory_space<vmem>>, vector<512x512xf32>,
    } else {
    }
    %ge3A_215 = arith.constant 1 : i32
    %ge3A_216 = arith.cmpi sge, %arg0, %ge3A_215 : i32
    %convert_element_type3A_217 = arith.extui %ge3A_216 : i1 to i32
    %cond3A_218 = arith.constant 0 : i32
    %cond3A_219 = arith.cmpi ne, %convert_element_type3A_217, %cond3A_218 : i32
    scf.if %cond3A_219 {
      %get3A_421 = arith.constant 512 : index
      %get3A_422 = arith.constant 128 : index
      %get3A_423 = vector.load %arg2[%get3A_421, %get3A_422] : memref<2048x256xf32, #tpu.memory_space<vmem>>, vector<512x64xf32>
      %dot_general3A_424 = arith.constant dense<0.000000e+00> : vector<512x512xf32>
      %dot_general3A_425 = tpu.matmul %slice3A_209, %get3A_423, %dot_general3A_424 {dimension_numbers = #tpu.dot_dimension_numbers<[1], [1], [0], [0], [0, 0, 1, 0], [], []>, transpose_lhs_hint = false} : vector<512x64xf32>, vector<512x64xf32>, vector<512x512xf32> -> vector<512x512xf32>
      %iota3A_426 = tpu.iota {dimensions = array<i32: 1>} : vector<512x512xi32>
      %add3A_427 = arith.constant 512 : i32
      %add3A_428 = vector.broadcast %add3A_427 : i32 to vector<512x512xi32>
      %add3A_429 = arith.addi %add3A_428, %iota3A_426 : vector<512x512xi32>
      %ge3A_430 = arith.cmpi sge, %add3A_3, %add3A_429 : vector<512x512xi32>
      %mul3A_431 = arith.constant 1.250000e-01 : f32
      %mul3A_432 = vector.broadcast %mul3A_431 : f32 to vector<512x512xf32>
      %mul3A_433 = arith.mulf %dot_general3A_425, %mul3A_432 : vector<512x512xf32>
      %jit3A = arith.constant -1.000000e+30 : f32
      %broadcast_in_dim3A_434 = vector.broadcast %jit3A : f32 to vector<512x512xf32>
      %select_n3A = arith.select %ge3A_430, %mul3A_433, %broadcast_in_dim3A_434 : vector<512x512xi1>, vector<512x512xf32>
      %swap3A_435 = arith.constant 0 : index
      %swap3A_436 = arith.constant 512 : index
      %swap3A_437 = vector.load %arg5[%swap3A_435, %swap3A_436] : memref<512x2048xf32, #tpu.memory_space<vmem>>, vector<512x512xf32>
      tpu.vector_store %arg5[%swap3A_435, %swap3A_436], %select_n3A {strides = array<i32>} : memref<512x2048xf32, #tpu.memory_space<vmem>>, vector<512x512xf32>,
    } else {
    }
    %ge3A_220 = arith.constant 2 : i32
    %ge3A_221 = arith.cmpi sge, %arg0, %ge3A_220 : i32
    %convert_element_type3A_222 = arith.extui %ge3A_221 : i1 to i32
    %cond3A_223 = arith.constant 0 : i32
    %cond3A_224 = arith.cmpi ne, %convert_element_type3A_222, %cond3A_223 : i32
    scf.if %cond3A_224 {
      %get3A_421 = arith.constant 1024 : index
      %get3A_422 = arith.constant 128 : index
      %get3A_423 = vector.load %arg2[%get3A_421, %get3A_422] : memref<2048x256xf32, #tpu.memory_space<vmem>>, vector<512x64xf32>
      %dot_general3A_424 = arith.constant dense<0.000000e+00> : vector<512x512xf32>
      %dot_general3A_425 = tpu.matmul %slice3A_209, %get3A_423, %dot_general3A_424 {dimension_numbers = #tpu.dot_dimension_numbers<[1], [1], [0], [0], [0, 0, 1, 0], [], []>, transpose_lhs_hint = false} : vector<512x64xf32>, vector<512x64xf32>, vector<512x512xf32> -> vector<512x512xf32>
      %iota3A_426 = tpu.iota {dimensions = array<i32: 1>} : vector<512x512xi32>
      %add3A_427 = arith.constant 1024 : i32
      %add3A_428 = vector.broadcast %add3A_427 : i32 to vector<512x512xi32>
      %add3A_429 = arith.addi %add3A_428, %iota3A_426 : vector<512x512xi32>
      %ge3A_430 = arith.cmpi sge, %add3A_3, %add3A_429 : vector<512x512xi32>
      %mul3A_431 = arith.constant 1.250000e-01 : f32
      %mul3A_432 = vector.broadcast %mul3A_431 : f32 to vector<512x512xf32>
      %mul3A_433 = arith.mulf %dot_general3A_425, %mul3A_432 : vector<512x512xf32>
      %jit3A = arith.constant -1.000000e+30 : f32
      %broadcast_in_dim3A_434 = vector.broadcast %jit3A : f32 to vector<512x512xf32>
      %select_n3A = arith.select %ge3A_430, %mul3A_433, %broadcast_in_dim3A_434 : vector<512x512xi1>, vector<512x512xf32>
      %swap3A_435 = arith.constant 0 : index
      %swap3A_436 = arith.constant 1024 : index
      %swap3A_437 = vector.load %arg5[%swap3A_435, %swap3A_436] : memref<512x2048xf32, #tpu.memory_space<vmem>>, vector<512x512xf32>
      tpu.vector_store %arg5[%swap3A_435, %swap3A_436], %select_n3A {strides = array<i32>} : memref<512x2048xf32, #tpu.memory_space<vmem>>, vector<512x512xf32>,
    } else {
    }
    %ge3A_225 = arith.constant 3 : i32
    %ge3A_226 = arith.cmpi sge, %arg0, %ge3A_225 : i32
    %convert_element_type3A_227 = arith.extui %ge3A_226 : i1 to i32
    %cond3A_228 = arith.constant 0 : i32
    %cond3A_229 = arith.cmpi ne, %convert_element_type3A_227, %cond3A_228 : i32
    scf.if %cond3A_229 {
      %get3A_421 = arith.constant 1536 : index
      %get3A_422 = arith.constant 128 : index
      %get3A_423 = vector.load %arg2[%get3A_421, %get3A_422] : memref<2048x256xf32, #tpu.memory_space<vmem>>, vector<512x64xf32>
      %dot_general3A_424 = arith.constant dense<0.000000e+00> : vector<512x512xf32>
      %dot_general3A_425 = tpu.matmul %slice3A_209, %get3A_423, %dot_general3A_424 {dimension_numbers = #tpu.dot_dimension_numbers<[1], [1], [0], [0], [0, 0, 1, 0], [], []>, transpose_lhs_hint = false} : vector<512x64xf32>, vector<512x64xf32>, vector<512x512xf32> -> vector<512x512xf32>
      %iota3A_426 = tpu.iota {dimensions = array<i32: 1>} : vector<512x512xi32>
      %add3A_427 = arith.constant 1536 : i32
      %add3A_428 = vector.broadcast %add3A_427 : i32 to vector<512x512xi32>
      %add3A_429 = arith.addi %add3A_428, %iota3A_426 : vector<512x512xi32>
      %ge3A_430 = arith.cmpi sge, %add3A_3, %add3A_429 : vector<512x512xi32>
      %mul3A_431 = arith.constant 1.250000e-01 : f32
      %mul3A_432 = vector.broadcast %mul3A_431 : f32 to vector<512x512xf32>
      %mul3A_433 = arith.mulf %dot_general3A_425, %mul3A_432 : vector<512x512xf32>
      %jit3A = arith.constant -1.000000e+30 : f32
      %broadcast_in_dim3A_434 = vector.broadcast %jit3A : f32 to vector<512x512xf32>
      %select_n3A = arith.select %ge3A_430, %mul3A_433, %broadcast_in_dim3A_434 : vector<512x512xi1>, vector<512x512xf32>
      %swap3A_435 = arith.constant 0 : index
      %swap3A_436 = arith.constant 1536 : index
      %swap3A_437 = vector.load %arg5[%swap3A_435, %swap3A_436] : memref<512x2048xf32, #tpu.memory_space<vmem>>, vector<512x512xf32>
      tpu.vector_store %arg5[%swap3A_435, %swap3A_436], %select_n3A {strides = array<i32>} : memref<512x2048xf32, #tpu.memory_space<vmem>>, vector<512x512xf32>,
    } else {
    }
    %get3A_230 = arith.constant 0 : index
    %get3A_231 = arith.constant 0 : index
    %get3A_232 = vector.load %arg5[%get3A_230, %get3A_231] : memref<512x2048xf32, #tpu.memory_space<vmem>>, vector<512x2048xf32>
    %exp3A_233 = math.exp %get3A_232 : vector<512x2048xf32>
    %reduce_sum3A_234 = arith.constant dense<0.000000e+00> : vector<512xf32>
    %reduce_sum3A_235 = vector.multi_reduction <add>, %exp3A_233, %reduce_sum3A_234 [1] : vector<512x2048xf32> to vector<512xf32>
    %broadcast_in_dim3A_236 = vector.shape_cast %reduce_sum3A_235 : vector<512xf32> to vector<512x1xf32>
    %div3A_237 = vector.broadcast %broadcast_in_dim3A_236 : vector<512x1xf32> to vector<512x2048xf32>
    %div3A_238 = arith.divf %exp3A_233, %div3A_237 : vector<512x2048xf32>
    %get3A_239 = arith.constant 0 : index
    %get3A_240 = arith.constant 128 : index
    %get3A_241 = vector.load %arg3[%get3A_239, %get3A_240] : memref<2048x256xf32, #tpu.memory_space<vmem>>, vector<2048x64xf32>
    %dot_general3A_242 = arith.constant dense<0.000000e+00> : vector<512x64xf32>
    %dot_general3A_243 = tpu.matmul %div3A_238, %get3A_241, %dot_general3A_242 {dimension_numbers = #tpu.dot_dimension_numbers<[1], [0], [0], [1], [0, 0, 1, 1], [], []>, transpose_lhs_hint = false} : vector<512x2048xf32>, vector<2048x64xf32>, vector<512x64xf32> -> vector<512x64xf32>
    %slice3A_244 = vector.extract_strided_slice %get3A_1 {offsets = [0, 448], sizes = [512, 64], strides = [1, 1]} : vector<512x768xf32> to vector<512x64xf32>
    %ge3A_245 = arith.constant 0 : i32
    %ge3A_246 = arith.cmpi sge, %arg0, %ge3A_245 : i32
    %convert_element_type3A_247 = arith.extui %ge3A_246 : i1 to i32
    %cond3A_248 = arith.constant 0 : i32
    %cond3A_249 = arith.cmpi ne, %convert_element_type3A_247, %cond3A_248 : i32
    scf.if %cond3A_249 {
      %get3A_421 = arith.constant 0 : index
      %get3A_422 = arith.constant 128 : index
      %get3A_423 = vector.load %arg2[%get3A_421, %get3A_422] : memref<2048x256xf32, #tpu.memory_space<vmem>>, vector<512x64xf32>
      %dot_general3A_424 = arith.constant dense<0.000000e+00> : vector<512x512xf32>
      %dot_general3A_425 = tpu.matmul %slice3A_244, %get3A_423, %dot_general3A_424 {dimension_numbers = #tpu.dot_dimension_numbers<[1], [1], [0], [0], [0, 0, 1, 0], [], []>, transpose_lhs_hint = false} : vector<512x64xf32>, vector<512x64xf32>, vector<512x512xf32> -> vector<512x512xf32>
      %iota3A_426 = tpu.iota {dimensions = array<i32: 1>} : vector<512x512xi32>
      %add3A_427 = arith.constant 0 : i32
      %add3A_428 = vector.broadcast %add3A_427 : i32 to vector<512x512xi32>
      %add3A_429 = arith.addi %add3A_428, %iota3A_426 : vector<512x512xi32>
      %ge3A_430 = arith.cmpi sge, %add3A_3, %add3A_429 : vector<512x512xi32>
      %mul3A_431 = arith.constant 1.250000e-01 : f32
      %mul3A_432 = vector.broadcast %mul3A_431 : f32 to vector<512x512xf32>
      %mul3A_433 = arith.mulf %dot_general3A_425, %mul3A_432 : vector<512x512xf32>
      %jit3A = arith.constant -1.000000e+30 : f32
      %broadcast_in_dim3A_434 = vector.broadcast %jit3A : f32 to vector<512x512xf32>
      %select_n3A = arith.select %ge3A_430, %mul3A_433, %broadcast_in_dim3A_434 : vector<512x512xi1>, vector<512x512xf32>
      %swap3A_435 = arith.constant 0 : index
      %swap3A_436 = arith.constant 0 : index
      %swap3A_437 = vector.load %arg5[%swap3A_435, %swap3A_436] : memref<512x2048xf32, #tpu.memory_space<vmem>>, vector<512x512xf32>
      tpu.vector_store %arg5[%swap3A_435, %swap3A_436], %select_n3A {strides = array<i32>} : memref<512x2048xf32, #tpu.memory_space<vmem>>, vector<512x512xf32>,
    } else {
    }
    %ge3A_250 = arith.constant 1 : i32
    %ge3A_251 = arith.cmpi sge, %arg0, %ge3A_250 : i32
    %convert_element_type3A_252 = arith.extui %ge3A_251 : i1 to i32
    %cond3A_253 = arith.constant 0 : i32
    %cond3A_254 = arith.cmpi ne, %convert_element_type3A_252, %cond3A_253 : i32
    scf.if %cond3A_254 {
      %get3A_421 = arith.constant 512 : index
      %get3A_422 = arith.constant 128 : index
      %get3A_423 = vector.load %arg2[%get3A_421, %get3A_422] : memref<2048x256xf32, #tpu.memory_space<vmem>>, vector<512x64xf32>
      %dot_general3A_424 = arith.constant dense<0.000000e+00> : vector<512x512xf32>
      %dot_general3A_425 = tpu.matmul %slice3A_244, %get3A_423, %dot_general3A_424 {dimension_numbers = #tpu.dot_dimension_numbers<[1], [1], [0], [0], [0, 0, 1, 0], [], []>, transpose_lhs_hint = false} : vector<512x64xf32>, vector<512x64xf32>, vector<512x512xf32> -> vector<512x512xf32>
      %iota3A_426 = tpu.iota {dimensions = array<i32: 1>} : vector<512x512xi32>
      %add3A_427 = arith.constant 512 : i32
      %add3A_428 = vector.broadcast %add3A_427 : i32 to vector<512x512xi32>
      %add3A_429 = arith.addi %add3A_428, %iota3A_426 : vector<512x512xi32>
      %ge3A_430 = arith.cmpi sge, %add3A_3, %add3A_429 : vector<512x512xi32>
      %mul3A_431 = arith.constant 1.250000e-01 : f32
      %mul3A_432 = vector.broadcast %mul3A_431 : f32 to vector<512x512xf32>
      %mul3A_433 = arith.mulf %dot_general3A_425, %mul3A_432 : vector<512x512xf32>
      %jit3A = arith.constant -1.000000e+30 : f32
      %broadcast_in_dim3A_434 = vector.broadcast %jit3A : f32 to vector<512x512xf32>
      %select_n3A = arith.select %ge3A_430, %mul3A_433, %broadcast_in_dim3A_434 : vector<512x512xi1>, vector<512x512xf32>
      %swap3A_435 = arith.constant 0 : index
      %swap3A_436 = arith.constant 512 : index
      %swap3A_437 = vector.load %arg5[%swap3A_435, %swap3A_436] : memref<512x2048xf32, #tpu.memory_space<vmem>>, vector<512x512xf32>
      tpu.vector_store %arg5[%swap3A_435, %swap3A_436], %select_n3A {strides = array<i32>} : memref<512x2048xf32, #tpu.memory_space<vmem>>, vector<512x512xf32>,
    } else {
    }
    %ge3A_255 = arith.constant 2 : i32
    %ge3A_256 = arith.cmpi sge, %arg0, %ge3A_255 : i32
    %convert_element_type3A_257 = arith.extui %ge3A_256 : i1 to i32
    %cond3A_258 = arith.constant 0 : i32
    %cond3A_259 = arith.cmpi ne, %convert_element_type3A_257, %cond3A_258 : i32
    scf.if %cond3A_259 {
      %get3A_421 = arith.constant 1024 : index
      %get3A_422 = arith.constant 128 : index
      %get3A_423 = vector.load %arg2[%get3A_421, %get3A_422] : memref<2048x256xf32, #tpu.memory_space<vmem>>, vector<512x64xf32>
      %dot_general3A_424 = arith.constant dense<0.000000e+00> : vector<512x512xf32>
      %dot_general3A_425 = tpu.matmul %slice3A_244, %get3A_423, %dot_general3A_424 {dimension_numbers = #tpu.dot_dimension_numbers<[1], [1], [0], [0], [0, 0, 1, 0], [], []>, transpose_lhs_hint = false} : vector<512x64xf32>, vector<512x64xf32>, vector<512x512xf32> -> vector<512x512xf32>
      %iota3A_426 = tpu.iota {dimensions = array<i32: 1>} : vector<512x512xi32>
      %add3A_427 = arith.constant 1024 : i32
      %add3A_428 = vector.broadcast %add3A_427 : i32 to vector<512x512xi32>
      %add3A_429 = arith.addi %add3A_428, %iota3A_426 : vector<512x512xi32>
      %ge3A_430 = arith.cmpi sge, %add3A_3, %add3A_429 : vector<512x512xi32>
      %mul3A_431 = arith.constant 1.250000e-01 : f32
      %mul3A_432 = vector.broadcast %mul3A_431 : f32 to vector<512x512xf32>
      %mul3A_433 = arith.mulf %dot_general3A_425, %mul3A_432 : vector<512x512xf32>
      %jit3A = arith.constant -1.000000e+30 : f32
      %broadcast_in_dim3A_434 = vector.broadcast %jit3A : f32 to vector<512x512xf32>
      %select_n3A = arith.select %ge3A_430, %mul3A_433, %broadcast_in_dim3A_434 : vector<512x512xi1>, vector<512x512xf32>
      %swap3A_435 = arith.constant 0 : index
      %swap3A_436 = arith.constant 1024 : index
      %swap3A_437 = vector.load %arg5[%swap3A_435, %swap3A_436] : memref<512x2048xf32, #tpu.memory_space<vmem>>, vector<512x512xf32>
      tpu.vector_store %arg5[%swap3A_435, %swap3A_436], %select_n3A {strides = array<i32>} : memref<512x2048xf32, #tpu.memory_space<vmem>>, vector<512x512xf32>,
    } else {
    }
    %ge3A_260 = arith.constant 3 : i32
    %ge3A_261 = arith.cmpi sge, %arg0, %ge3A_260 : i32
    %convert_element_type3A_262 = arith.extui %ge3A_261 : i1 to i32
    %cond3A_263 = arith.constant 0 : i32
    %cond3A_264 = arith.cmpi ne, %convert_element_type3A_262, %cond3A_263 : i32
    scf.if %cond3A_264 {
      %get3A_421 = arith.constant 1536 : index
      %get3A_422 = arith.constant 128 : index
      %get3A_423 = vector.load %arg2[%get3A_421, %get3A_422] : memref<2048x256xf32, #tpu.memory_space<vmem>>, vector<512x64xf32>
      %dot_general3A_424 = arith.constant dense<0.000000e+00> : vector<512x512xf32>
      %dot_general3A_425 = tpu.matmul %slice3A_244, %get3A_423, %dot_general3A_424 {dimension_numbers = #tpu.dot_dimension_numbers<[1], [1], [0], [0], [0, 0, 1, 0], [], []>, transpose_lhs_hint = false} : vector<512x64xf32>, vector<512x64xf32>, vector<512x512xf32> -> vector<512x512xf32>
      %iota3A_426 = tpu.iota {dimensions = array<i32: 1>} : vector<512x512xi32>
      %add3A_427 = arith.constant 1536 : i32
      %add3A_428 = vector.broadcast %add3A_427 : i32 to vector<512x512xi32>
      %add3A_429 = arith.addi %add3A_428, %iota3A_426 : vector<512x512xi32>
      %ge3A_430 = arith.cmpi sge, %add3A_3, %add3A_429 : vector<512x512xi32>
      %mul3A_431 = arith.constant 1.250000e-01 : f32
      %mul3A_432 = vector.broadcast %mul3A_431 : f32 to vector<512x512xf32>
      %mul3A_433 = arith.mulf %dot_general3A_425, %mul3A_432 : vector<512x512xf32>
      %jit3A = arith.constant -1.000000e+30 : f32
      %broadcast_in_dim3A_434 = vector.broadcast %jit3A : f32 to vector<512x512xf32>
      %select_n3A = arith.select %ge3A_430, %mul3A_433, %broadcast_in_dim3A_434 : vector<512x512xi1>, vector<512x512xf32>
      %swap3A_435 = arith.constant 0 : index
      %swap3A_436 = arith.constant 1536 : index
      %swap3A_437 = vector.load %arg5[%swap3A_435, %swap3A_436] : memref<512x2048xf32, #tpu.memory_space<vmem>>, vector<512x512xf32>
      tpu.vector_store %arg5[%swap3A_435, %swap3A_436], %select_n3A {strides = array<i32>} : memref<512x2048xf32, #tpu.memory_space<vmem>>, vector<512x512xf32>,
    } else {
    }
    %get3A_265 = arith.constant 0 : index
    %get3A_266 = arith.constant 0 : index
    %get3A_267 = vector.load %arg5[%get3A_265, %get3A_266] : memref<512x2048xf32, #tpu.memory_space<vmem>>, vector<512x2048xf32>
    %exp3A_268 = math.exp %get3A_267 : vector<512x2048xf32>
    %reduce_sum3A_269 = arith.constant dense<0.000000e+00> : vector<512xf32>
    %reduce_sum3A_270 = vector.multi_reduction <add>, %exp3A_268, %reduce_sum3A_269 [1] : vector<512x2048xf32> to vector<512xf32>
    %broadcast_in_dim3A_271 = vector.shape_cast %reduce_sum3A_270 : vector<512xf32> to vector<512x1xf32>
    %div3A_272 = vector.broadcast %broadcast_in_dim3A_271 : vector<512x1xf32> to vector<512x2048xf32>
    %div3A_273 = arith.divf %exp3A_268, %div3A_272 : vector<512x2048xf32>
    %get3A_274 = arith.constant 0 : index
    %get3A_275 = arith.constant 128 : index
    %get3A_276 = vector.load %arg3[%get3A_274, %get3A_275] : memref<2048x256xf32, #tpu.memory_space<vmem>>, vector<2048x64xf32>
    %dot_general3A_277 = arith.constant dense<0.000000e+00> : vector<512x64xf32>
    %dot_general3A_278 = tpu.matmul %div3A_273, %get3A_276, %dot_general3A_277 {dimension_numbers = #tpu.dot_dimension_numbers<[1], [0], [0], [1], [0, 0, 1, 1], [], []>, transpose_lhs_hint = false} : vector<512x2048xf32>, vector<2048x64xf32>, vector<512x64xf32> -> vector<512x64xf32>
    %slice3A_279 = vector.extract_strided_slice %get3A_1 {offsets = [0, 512], sizes = [512, 64], strides = [1, 1]} : vector<512x768xf32> to vector<512x64xf32>
    %ge3A_280 = arith.constant 0 : i32
    %ge3A_281 = arith.cmpi sge, %arg0, %ge3A_280 : i32
    %convert_element_type3A_282 = arith.extui %ge3A_281 : i1 to i32
    %cond3A_283 = arith.constant 0 : i32
    %cond3A_284 = arith.cmpi ne, %convert_element_type3A_282, %cond3A_283 : i32
    scf.if %cond3A_284 {
      %get3A_421 = arith.constant 0 : index
      %get3A_422 = arith.constant 128 : index
      %get3A_423 = vector.load %arg2[%get3A_421, %get3A_422] : memref<2048x256xf32, #tpu.memory_space<vmem>>, vector<512x64xf32>
      %dot_general3A_424 = arith.constant dense<0.000000e+00> : vector<512x512xf32>
      %dot_general3A_425 = tpu.matmul %slice3A_279, %get3A_423, %dot_general3A_424 {dimension_numbers = #tpu.dot_dimension_numbers<[1], [1], [0], [0], [0, 0, 1, 0], [], []>, transpose_lhs_hint = false} : vector<512x64xf32>, vector<512x64xf32>, vector<512x512xf32> -> vector<512x512xf32>
      %iota3A_426 = tpu.iota {dimensions = array<i32: 1>} : vector<512x512xi32>
      %add3A_427 = arith.constant 0 : i32
      %add3A_428 = vector.broadcast %add3A_427 : i32 to vector<512x512xi32>
      %add3A_429 = arith.addi %add3A_428, %iota3A_426 : vector<512x512xi32>
      %ge3A_430 = arith.cmpi sge, %add3A_3, %add3A_429 : vector<512x512xi32>
      %mul3A_431 = arith.constant 1.250000e-01 : f32
      %mul3A_432 = vector.broadcast %mul3A_431 : f32 to vector<512x512xf32>
      %mul3A_433 = arith.mulf %dot_general3A_425, %mul3A_432 : vector<512x512xf32>
      %jit3A = arith.constant -1.000000e+30 : f32
      %broadcast_in_dim3A_434 = vector.broadcast %jit3A : f32 to vector<512x512xf32>
      %select_n3A = arith.select %ge3A_430, %mul3A_433, %broadcast_in_dim3A_434 : vector<512x512xi1>, vector<512x512xf32>
      %swap3A_435 = arith.constant 0 : index
      %swap3A_436 = arith.constant 0 : index
      %swap3A_437 = vector.load %arg5[%swap3A_435, %swap3A_436] : memref<512x2048xf32, #tpu.memory_space<vmem>>, vector<512x512xf32>
      tpu.vector_store %arg5[%swap3A_435, %swap3A_436], %select_n3A {strides = array<i32>} : memref<512x2048xf32, #tpu.memory_space<vmem>>, vector<512x512xf32>,
    } else {
    }
    %ge3A_285 = arith.constant 1 : i32
    %ge3A_286 = arith.cmpi sge, %arg0, %ge3A_285 : i32
    %convert_element_type3A_287 = arith.extui %ge3A_286 : i1 to i32
    %cond3A_288 = arith.constant 0 : i32
    %cond3A_289 = arith.cmpi ne, %convert_element_type3A_287, %cond3A_288 : i32
    scf.if %cond3A_289 {
      %get3A_421 = arith.constant 512 : index
      %get3A_422 = arith.constant 128 : index
      %get3A_423 = vector.load %arg2[%get3A_421, %get3A_422] : memref<2048x256xf32, #tpu.memory_space<vmem>>, vector<512x64xf32>
      %dot_general3A_424 = arith.constant dense<0.000000e+00> : vector<512x512xf32>
      %dot_general3A_425 = tpu.matmul %slice3A_279, %get3A_423, %dot_general3A_424 {dimension_numbers = #tpu.dot_dimension_numbers<[1], [1], [0], [0], [0, 0, 1, 0], [], []>, transpose_lhs_hint = false} : vector<512x64xf32>, vector<512x64xf32>, vector<512x512xf32> -> vector<512x512xf32>
      %iota3A_426 = tpu.iota {dimensions = array<i32: 1>} : vector<512x512xi32>
      %add3A_427 = arith.constant 512 : i32
      %add3A_428 = vector.broadcast %add3A_427 : i32 to vector<512x512xi32>
      %add3A_429 = arith.addi %add3A_428, %iota3A_426 : vector<512x512xi32>
      %ge3A_430 = arith.cmpi sge, %add3A_3, %add3A_429 : vector<512x512xi32>
      %mul3A_431 = arith.constant 1.250000e-01 : f32
      %mul3A_432 = vector.broadcast %mul3A_431 : f32 to vector<512x512xf32>
      %mul3A_433 = arith.mulf %dot_general3A_425, %mul3A_432 : vector<512x512xf32>
      %jit3A = arith.constant -1.000000e+30 : f32
      %broadcast_in_dim3A_434 = vector.broadcast %jit3A : f32 to vector<512x512xf32>
      %select_n3A = arith.select %ge3A_430, %mul3A_433, %broadcast_in_dim3A_434 : vector<512x512xi1>, vector<512x512xf32>
      %swap3A_435 = arith.constant 0 : index
      %swap3A_436 = arith.constant 512 : index
      %swap3A_437 = vector.load %arg5[%swap3A_435, %swap3A_436] : memref<512x2048xf32, #tpu.memory_space<vmem>>, vector<512x512xf32>
      tpu.vector_store %arg5[%swap3A_435, %swap3A_436], %select_n3A {strides = array<i32>} : memref<512x2048xf32, #tpu.memory_space<vmem>>, vector<512x512xf32>,
    } else {
    }
    %ge3A_290 = arith.constant 2 : i32
    %ge3A_291 = arith.cmpi sge, %arg0, %ge3A_290 : i32
    %convert_element_type3A_292 = arith.extui %ge3A_291 : i1 to i32
    %cond3A_293 = arith.constant 0 : i32
    %cond3A_294 = arith.cmpi ne, %convert_element_type3A_292, %cond3A_293 : i32
    scf.if %cond3A_294 {
      %get3A_421 = arith.constant 1024 : index
      %get3A_422 = arith.constant 128 : index
      %get3A_423 = vector.load %arg2[%get3A_421, %get3A_422] : memref<2048x256xf32, #tpu.memory_space<vmem>>, vector<512x64xf32>
      %dot_general3A_424 = arith.constant dense<0.000000e+00> : vector<512x512xf32>
      %dot_general3A_425 = tpu.matmul %slice3A_279, %get3A_423, %dot_general3A_424 {dimension_numbers = #tpu.dot_dimension_numbers<[1], [1], [0], [0], [0, 0, 1, 0], [], []>, transpose_lhs_hint = false} : vector<512x64xf32>, vector<512x64xf32>, vector<512x512xf32> -> vector<512x512xf32>
      %iota3A_426 = tpu.iota {dimensions = array<i32: 1>} : vector<512x512xi32>
      %add3A_427 = arith.constant 1024 : i32
      %add3A_428 = vector.broadcast %add3A_427 : i32 to vector<512x512xi32>
      %add3A_429 = arith.addi %add3A_428, %iota3A_426 : vector<512x512xi32>
      %ge3A_430 = arith.cmpi sge, %add3A_3, %add3A_429 : vector<512x512xi32>
      %mul3A_431 = arith.constant 1.250000e-01 : f32
      %mul3A_432 = vector.broadcast %mul3A_431 : f32 to vector<512x512xf32>
      %mul3A_433 = arith.mulf %dot_general3A_425, %mul3A_432 : vector<512x512xf32>
      %jit3A = arith.constant -1.000000e+30 : f32
      %broadcast_in_dim3A_434 = vector.broadcast %jit3A : f32 to vector<512x512xf32>
      %select_n3A = arith.select %ge3A_430, %mul3A_433, %broadcast_in_dim3A_434 : vector<512x512xi1>, vector<512x512xf32>
      %swap3A_435 = arith.constant 0 : index
      %swap3A_436 = arith.constant 1024 : index
      %swap3A_437 = vector.load %arg5[%swap3A_435, %swap3A_436] : memref<512x2048xf32, #tpu.memory_space<vmem>>, vector<512x512xf32>
      tpu.vector_store %arg5[%swap3A_435, %swap3A_436], %select_n3A {strides = array<i32>} : memref<512x2048xf32, #tpu.memory_space<vmem>>, vector<512x512xf32>,
    } else {
    }
    %ge3A_295 = arith.constant 3 : i32
    %ge3A_296 = arith.cmpi sge, %arg0, %ge3A_295 : i32
    %convert_element_type3A_297 = arith.extui %ge3A_296 : i1 to i32
    %cond3A_298 = arith.constant 0 : i32
    %cond3A_299 = arith.cmpi ne, %convert_element_type3A_297, %cond3A_298 : i32
    scf.if %cond3A_299 {
      %get3A_421 = arith.constant 1536 : index
      %get3A_422 = arith.constant 128 : index
      %get3A_423 = vector.load %arg2[%get3A_421, %get3A_422] : memref<2048x256xf32, #tpu.memory_space<vmem>>, vector<512x64xf32>
      %dot_general3A_424 = arith.constant dense<0.000000e+00> : vector<512x512xf32>
      %dot_general3A_425 = tpu.matmul %slice3A_279, %get3A_423, %dot_general3A_424 {dimension_numbers = #tpu.dot_dimension_numbers<[1], [1], [0], [0], [0, 0, 1, 0], [], []>, transpose_lhs_hint = false} : vector<512x64xf32>, vector<512x64xf32>, vector<512x512xf32> -> vector<512x512xf32>
      %iota3A_426 = tpu.iota {dimensions = array<i32: 1>} : vector<512x512xi32>
      %add3A_427 = arith.constant 1536 : i32
      %add3A_428 = vector.broadcast %add3A_427 : i32 to vector<512x512xi32>
      %add3A_429 = arith.addi %add3A_428, %iota3A_426 : vector<512x512xi32>
      %ge3A_430 = arith.cmpi sge, %add3A_3, %add3A_429 : vector<512x512xi32>
      %mul3A_431 = arith.constant 1.250000e-01 : f32
      %mul3A_432 = vector.broadcast %mul3A_431 : f32 to vector<512x512xf32>
      %mul3A_433 = arith.mulf %dot_general3A_425, %mul3A_432 : vector<512x512xf32>
      %jit3A = arith.constant -1.000000e+30 : f32
      %broadcast_in_dim3A_434 = vector.broadcast %jit3A : f32 to vector<512x512xf32>
      %select_n3A = arith.select %ge3A_430, %mul3A_433, %broadcast_in_dim3A_434 : vector<512x512xi1>, vector<512x512xf32>
      %swap3A_435 = arith.constant 0 : index
      %swap3A_436 = arith.constant 1536 : index
      %swap3A_437 = vector.load %arg5[%swap3A_435, %swap3A_436] : memref<512x2048xf32, #tpu.memory_space<vmem>>, vector<512x512xf32>
      tpu.vector_store %arg5[%swap3A_435, %swap3A_436], %select_n3A {strides = array<i32>} : memref<512x2048xf32, #tpu.memory_space<vmem>>, vector<512x512xf32>,
    } else {
    }
    %get3A_300 = arith.constant 0 : index
    %get3A_301 = arith.constant 0 : index
    %get3A_302 = vector.load %arg5[%get3A_300, %get3A_301] : memref<512x2048xf32, #tpu.memory_space<vmem>>, vector<512x2048xf32>
    %exp3A_303 = math.exp %get3A_302 : vector<512x2048xf32>
    %reduce_sum3A_304 = arith.constant dense<0.000000e+00> : vector<512xf32>
    %reduce_sum3A_305 = vector.multi_reduction <add>, %exp3A_303, %reduce_sum3A_304 [1] : vector<512x2048xf32> to vector<512xf32>
    %broadcast_in_dim3A_306 = vector.shape_cast %reduce_sum3A_305 : vector<512xf32> to vector<512x1xf32>
    %div3A_307 = vector.broadcast %broadcast_in_dim3A_306 : vector<512x1xf32> to vector<512x2048xf32>
    %div3A_308 = arith.divf %exp3A_303, %div3A_307 : vector<512x2048xf32>
    %get3A_309 = arith.constant 0 : index
    %get3A_310 = arith.constant 128 : index
    %get3A_311 = vector.load %arg3[%get3A_309, %get3A_310] : memref<2048x256xf32, #tpu.memory_space<vmem>>, vector<2048x64xf32>
    %dot_general3A_312 = arith.constant dense<0.000000e+00> : vector<512x64xf32>
    %dot_general3A_313 = tpu.matmul %div3A_308, %get3A_311, %dot_general3A_312 {dimension_numbers = #tpu.dot_dimension_numbers<[1], [0], [0], [1], [0, 0, 1, 1], [], []>, transpose_lhs_hint = false} : vector<512x2048xf32>, vector<2048x64xf32>, vector<512x64xf32> -> vector<512x64xf32>
    %slice3A_314 = vector.extract_strided_slice %get3A_1 {offsets = [0, 576], sizes = [512, 64], strides = [1, 1]} : vector<512x768xf32> to vector<512x64xf32>
    %ge3A_315 = arith.constant 0 : i32
    %ge3A_316 = arith.cmpi sge, %arg0, %ge3A_315 : i32
    %convert_element_type3A_317 = arith.extui %ge3A_316 : i1 to i32
    %cond3A_318 = arith.constant 0 : i32
    %cond3A_319 = arith.cmpi ne, %convert_element_type3A_317, %cond3A_318 : i32
    scf.if %cond3A_319 {
      %get3A_421 = arith.constant 0 : index
      %get3A_422 = arith.constant 192 : index
      %get3A_423 = vector.load %arg2[%get3A_421, %get3A_422] : memref<2048x256xf32, #tpu.memory_space<vmem>>, vector<512x64xf32>
      %dot_general3A_424 = arith.constant dense<0.000000e+00> : vector<512x512xf32>
      %dot_general3A_425 = tpu.matmul %slice3A_314, %get3A_423, %dot_general3A_424 {dimension_numbers = #tpu.dot_dimension_numbers<[1], [1], [0], [0], [0, 0, 1, 0], [], []>, transpose_lhs_hint = false} : vector<512x64xf32>, vector<512x64xf32>, vector<512x512xf32> -> vector<512x512xf32>
      %iota3A_426 = tpu.iota {dimensions = array<i32: 1>} : vector<512x512xi32>
      %add3A_427 = arith.constant 0 : i32
      %add3A_428 = vector.broadcast %add3A_427 : i32 to vector<512x512xi32>
      %add3A_429 = arith.addi %add3A_428, %iota3A_426 : vector<512x512xi32>
      %ge3A_430 = arith.cmpi sge, %add3A_3, %add3A_429 : vector<512x512xi32>
      %mul3A_431 = arith.constant 1.250000e-01 : f32
      %mul3A_432 = vector.broadcast %mul3A_431 : f32 to vector<512x512xf32>
      %mul3A_433 = arith.mulf %dot_general3A_425, %mul3A_432 : vector<512x512xf32>
      %jit3A = arith.constant -1.000000e+30 : f32
      %broadcast_in_dim3A_434 = vector.broadcast %jit3A : f32 to vector<512x512xf32>
      %select_n3A = arith.select %ge3A_430, %mul3A_433, %broadcast_in_dim3A_434 : vector<512x512xi1>, vector<512x512xf32>
      %swap3A_435 = arith.constant 0 : index
      %swap3A_436 = arith.constant 0 : index
      %swap3A_437 = vector.load %arg5[%swap3A_435, %swap3A_436] : memref<512x2048xf32, #tpu.memory_space<vmem>>, vector<512x512xf32>
      tpu.vector_store %arg5[%swap3A_435, %swap3A_436], %select_n3A {strides = array<i32>} : memref<512x2048xf32, #tpu.memory_space<vmem>>, vector<512x512xf32>,
    } else {
    }
    %ge3A_320 = arith.constant 1 : i32
    %ge3A_321 = arith.cmpi sge, %arg0, %ge3A_320 : i32
    %convert_element_type3A_322 = arith.extui %ge3A_321 : i1 to i32
    %cond3A_323 = arith.constant 0 : i32
    %cond3A_324 = arith.cmpi ne, %convert_element_type3A_322, %cond3A_323 : i32
    scf.if %cond3A_324 {
      %get3A_421 = arith.constant 512 : index
      %get3A_422 = arith.constant 192 : index
      %get3A_423 = vector.load %arg2[%get3A_421, %get3A_422] : memref<2048x256xf32, #tpu.memory_space<vmem>>, vector<512x64xf32>
      %dot_general3A_424 = arith.constant dense<0.000000e+00> : vector<512x512xf32>
      %dot_general3A_425 = tpu.matmul %slice3A_314, %get3A_423, %dot_general3A_424 {dimension_numbers = #tpu.dot_dimension_numbers<[1], [1], [0], [0], [0, 0, 1, 0], [], []>, transpose_lhs_hint = false} : vector<512x64xf32>, vector<512x64xf32>, vector<512x512xf32> -> vector<512x512xf32>
      %iota3A_426 = tpu.iota {dimensions = array<i32: 1>} : vector<512x512xi32>
      %add3A_427 = arith.constant 512 : i32
      %add3A_428 = vector.broadcast %add3A_427 : i32 to vector<512x512xi32>
      %add3A_429 = arith.addi %add3A_428, %iota3A_426 : vector<512x512xi32>
      %ge3A_430 = arith.cmpi sge, %add3A_3, %add3A_429 : vector<512x512xi32>
      %mul3A_431 = arith.constant 1.250000e-01 : f32
      %mul3A_432 = vector.broadcast %mul3A_431 : f32 to vector<512x512xf32>
      %mul3A_433 = arith.mulf %dot_general3A_425, %mul3A_432 : vector<512x512xf32>
      %jit3A = arith.constant -1.000000e+30 : f32
      %broadcast_in_dim3A_434 = vector.broadcast %jit3A : f32 to vector<512x512xf32>
      %select_n3A = arith.select %ge3A_430, %mul3A_433, %broadcast_in_dim3A_434 : vector<512x512xi1>, vector<512x512xf32>
      %swap3A_435 = arith.constant 0 : index
      %swap3A_436 = arith.constant 512 : index
      %swap3A_437 = vector.load %arg5[%swap3A_435, %swap3A_436] : memref<512x2048xf32, #tpu.memory_space<vmem>>, vector<512x512xf32>
      tpu.vector_store %arg5[%swap3A_435, %swap3A_436], %select_n3A {strides = array<i32>} : memref<512x2048xf32, #tpu.memory_space<vmem>>, vector<512x512xf32>,
    } else {
    }
    %ge3A_325 = arith.constant 2 : i32
    %ge3A_326 = arith.cmpi sge, %arg0, %ge3A_325 : i32
    %convert_element_type3A_327 = arith.extui %ge3A_326 : i1 to i32
    %cond3A_328 = arith.constant 0 : i32
    %cond3A_329 = arith.cmpi ne, %convert_element_type3A_327, %cond3A_328 : i32
    scf.if %cond3A_329 {
      %get3A_421 = arith.constant 1024 : index
      %get3A_422 = arith.constant 192 : index
      %get3A_423 = vector.load %arg2[%get3A_421, %get3A_422] : memref<2048x256xf32, #tpu.memory_space<vmem>>, vector<512x64xf32>
      %dot_general3A_424 = arith.constant dense<0.000000e+00> : vector<512x512xf32>
      %dot_general3A_425 = tpu.matmul %slice3A_314, %get3A_423, %dot_general3A_424 {dimension_numbers = #tpu.dot_dimension_numbers<[1], [1], [0], [0], [0, 0, 1, 0], [], []>, transpose_lhs_hint = false} : vector<512x64xf32>, vector<512x64xf32>, vector<512x512xf32> -> vector<512x512xf32>
      %iota3A_426 = tpu.iota {dimensions = array<i32: 1>} : vector<512x512xi32>
      %add3A_427 = arith.constant 1024 : i32
      %add3A_428 = vector.broadcast %add3A_427 : i32 to vector<512x512xi32>
      %add3A_429 = arith.addi %add3A_428, %iota3A_426 : vector<512x512xi32>
      %ge3A_430 = arith.cmpi sge, %add3A_3, %add3A_429 : vector<512x512xi32>
      %mul3A_431 = arith.constant 1.250000e-01 : f32
      %mul3A_432 = vector.broadcast %mul3A_431 : f32 to vector<512x512xf32>
      %mul3A_433 = arith.mulf %dot_general3A_425, %mul3A_432 : vector<512x512xf32>
      %jit3A = arith.constant -1.000000e+30 : f32
      %broadcast_in_dim3A_434 = vector.broadcast %jit3A : f32 to vector<512x512xf32>
      %select_n3A = arith.select %ge3A_430, %mul3A_433, %broadcast_in_dim3A_434 : vector<512x512xi1>, vector<512x512xf32>
      %swap3A_435 = arith.constant 0 : index
      %swap3A_436 = arith.constant 1024 : index
      %swap3A_437 = vector.load %arg5[%swap3A_435, %swap3A_436] : memref<512x2048xf32, #tpu.memory_space<vmem>>, vector<512x512xf32>
      tpu.vector_store %arg5[%swap3A_435, %swap3A_436], %select_n3A {strides = array<i32>} : memref<512x2048xf32, #tpu.memory_space<vmem>>, vector<512x512xf32>,
    } else {
    }
    %ge3A_330 = arith.constant 3 : i32
    %ge3A_331 = arith.cmpi sge, %arg0, %ge3A_330 : i32
    %convert_element_type3A_332 = arith.extui %ge3A_331 : i1 to i32
    %cond3A_333 = arith.constant 0 : i32
    %cond3A_334 = arith.cmpi ne, %convert_element_type3A_332, %cond3A_333 : i32
    scf.if %cond3A_334 {
      %get3A_421 = arith.constant 1536 : index
      %get3A_422 = arith.constant 192 : index
      %get3A_423 = vector.load %arg2[%get3A_421, %get3A_422] : memref<2048x256xf32, #tpu.memory_space<vmem>>, vector<512x64xf32>
      %dot_general3A_424 = arith.constant dense<0.000000e+00> : vector<512x512xf32>
      %dot_general3A_425 = tpu.matmul %slice3A_314, %get3A_423, %dot_general3A_424 {dimension_numbers = #tpu.dot_dimension_numbers<[1], [1], [0], [0], [0, 0, 1, 0], [], []>, transpose_lhs_hint = false} : vector<512x64xf32>, vector<512x64xf32>, vector<512x512xf32> -> vector<512x512xf32>
      %iota3A_426 = tpu.iota {dimensions = array<i32: 1>} : vector<512x512xi32>
      %add3A_427 = arith.constant 1536 : i32
      %add3A_428 = vector.broadcast %add3A_427 : i32 to vector<512x512xi32>
      %add3A_429 = arith.addi %add3A_428, %iota3A_426 : vector<512x512xi32>
      %ge3A_430 = arith.cmpi sge, %add3A_3, %add3A_429 : vector<512x512xi32>
      %mul3A_431 = arith.constant 1.250000e-01 : f32
      %mul3A_432 = vector.broadcast %mul3A_431 : f32 to vector<512x512xf32>
      %mul3A_433 = arith.mulf %dot_general3A_425, %mul3A_432 : vector<512x512xf32>
      %jit3A = arith.constant -1.000000e+30 : f32
      %broadcast_in_dim3A_434 = vector.broadcast %jit3A : f32 to vector<512x512xf32>
      %select_n3A = arith.select %ge3A_430, %mul3A_433, %broadcast_in_dim3A_434 : vector<512x512xi1>, vector<512x512xf32>
      %swap3A_435 = arith.constant 0 : index
      %swap3A_436 = arith.constant 1536 : index
      %swap3A_437 = vector.load %arg5[%swap3A_435, %swap3A_436] : memref<512x2048xf32, #tpu.memory_space<vmem>>, vector<512x512xf32>
      tpu.vector_store %arg5[%swap3A_435, %swap3A_436], %select_n3A {strides = array<i32>} : memref<512x2048xf32, #tpu.memory_space<vmem>>, vector<512x512xf32>,
    } else {
    }
    %get3A_335 = arith.constant 0 : index
    %get3A_336 = arith.constant 0 : index
    %get3A_337 = vector.load %arg5[%get3A_335, %get3A_336] : memref<512x2048xf32, #tpu.memory_space<vmem>>, vector<512x2048xf32>
    %exp3A_338 = math.exp %get3A_337 : vector<512x2048xf32>
    %reduce_sum3A_339 = arith.constant dense<0.000000e+00> : vector<512xf32>
    %reduce_sum3A_340 = vector.multi_reduction <add>, %exp3A_338, %reduce_sum3A_339 [1] : vector<512x2048xf32> to vector<512xf32>
    %broadcast_in_dim3A_341 = vector.shape_cast %reduce_sum3A_340 : vector<512xf32> to vector<512x1xf32>
    %div3A_342 = vector.broadcast %broadcast_in_dim3A_341 : vector<512x1xf32> to vector<512x2048xf32>
    %div3A_343 = arith.divf %exp3A_338, %div3A_342 : vector<512x2048xf32>
    %get3A_344 = arith.constant 0 : index
    %get3A_345 = arith.constant 192 : index
    %get3A_346 = vector.load %arg3[%get3A_344, %get3A_345] : memref<2048x256xf32, #tpu.memory_space<vmem>>, vector<2048x64xf32>
    %dot_general3A_347 = arith.constant dense<0.000000e+00> : vector<512x64xf32>
    %dot_general3A_348 = tpu.matmul %div3A_343, %get3A_346, %dot_general3A_347 {dimension_numbers = #tpu.dot_dimension_numbers<[1], [0], [0], [1], [0, 0, 1, 1], [], []>, transpose_lhs_hint = false} : vector<512x2048xf32>, vector<2048x64xf32>, vector<512x64xf32> -> vector<512x64xf32>
    %slice3A_349 = vector.extract_strided_slice %get3A_1 {offsets = [0, 640], sizes = [512, 64], strides = [1, 1]} : vector<512x768xf32> to vector<512x64xf32>
    %ge3A_350 = arith.constant 0 : i32
    %ge3A_351 = arith.cmpi sge, %arg0, %ge3A_350 : i32
    %convert_element_type3A_352 = arith.extui %ge3A_351 : i1 to i32
    %cond3A_353 = arith.constant 0 : i32
    %cond3A_354 = arith.cmpi ne, %convert_element_type3A_352, %cond3A_353 : i32
    scf.if %cond3A_354 {
      %get3A_421 = arith.constant 0 : index
      %get3A_422 = arith.constant 192 : index
      %get3A_423 = vector.load %arg2[%get3A_421, %get3A_422] : memref<2048x256xf32, #tpu.memory_space<vmem>>, vector<512x64xf32>
      %dot_general3A_424 = arith.constant dense<0.000000e+00> : vector<512x512xf32>
      %dot_general3A_425 = tpu.matmul %slice3A_349, %get3A_423, %dot_general3A_424 {dimension_numbers = #tpu.dot_dimension_numbers<[1], [1], [0], [0], [0, 0, 1, 0], [], []>, transpose_lhs_hint = false} : vector<512x64xf32>, vector<512x64xf32>, vector<512x512xf32> -> vector<512x512xf32>
      %iota3A_426 = tpu.iota {dimensions = array<i32: 1>} : vector<512x512xi32>
      %add3A_427 = arith.constant 0 : i32
      %add3A_428 = vector.broadcast %add3A_427 : i32 to vector<512x512xi32>
      %add3A_429 = arith.addi %add3A_428, %iota3A_426 : vector<512x512xi32>
      %ge3A_430 = arith.cmpi sge, %add3A_3, %add3A_429 : vector<512x512xi32>
      %mul3A_431 = arith.constant 1.250000e-01 : f32
      %mul3A_432 = vector.broadcast %mul3A_431 : f32 to vector<512x512xf32>
      %mul3A_433 = arith.mulf %dot_general3A_425, %mul3A_432 : vector<512x512xf32>
      %jit3A = arith.constant -1.000000e+30 : f32
      %broadcast_in_dim3A_434 = vector.broadcast %jit3A : f32 to vector<512x512xf32>
      %select_n3A = arith.select %ge3A_430, %mul3A_433, %broadcast_in_dim3A_434 : vector<512x512xi1>, vector<512x512xf32>
      %swap3A_435 = arith.constant 0 : index
      %swap3A_436 = arith.constant 0 : index
      %swap3A_437 = vector.load %arg5[%swap3A_435, %swap3A_436] : memref<512x2048xf32, #tpu.memory_space<vmem>>, vector<512x512xf32>
      tpu.vector_store %arg5[%swap3A_435, %swap3A_436], %select_n3A {strides = array<i32>} : memref<512x2048xf32, #tpu.memory_space<vmem>>, vector<512x512xf32>,
    } else {
    }
    %ge3A_355 = arith.constant 1 : i32
    %ge3A_356 = arith.cmpi sge, %arg0, %ge3A_355 : i32
    %convert_element_type3A_357 = arith.extui %ge3A_356 : i1 to i32
    %cond3A_358 = arith.constant 0 : i32
    %cond3A_359 = arith.cmpi ne, %convert_element_type3A_357, %cond3A_358 : i32
    scf.if %cond3A_359 {
      %get3A_421 = arith.constant 512 : index
      %get3A_422 = arith.constant 192 : index
      %get3A_423 = vector.load %arg2[%get3A_421, %get3A_422] : memref<2048x256xf32, #tpu.memory_space<vmem>>, vector<512x64xf32>
      %dot_general3A_424 = arith.constant dense<0.000000e+00> : vector<512x512xf32>
      %dot_general3A_425 = tpu.matmul %slice3A_349, %get3A_423, %dot_general3A_424 {dimension_numbers = #tpu.dot_dimension_numbers<[1], [1], [0], [0], [0, 0, 1, 0], [], []>, transpose_lhs_hint = false} : vector<512x64xf32>, vector<512x64xf32>, vector<512x512xf32> -> vector<512x512xf32>
      %iota3A_426 = tpu.iota {dimensions = array<i32: 1>} : vector<512x512xi32>
      %add3A_427 = arith.constant 512 : i32
      %add3A_428 = vector.broadcast %add3A_427 : i32 to vector<512x512xi32>
      %add3A_429 = arith.addi %add3A_428, %iota3A_426 : vector<512x512xi32>
      %ge3A_430 = arith.cmpi sge, %add3A_3, %add3A_429 : vector<512x512xi32>
      %mul3A_431 = arith.constant 1.250000e-01 : f32
      %mul3A_432 = vector.broadcast %mul3A_431 : f32 to vector<512x512xf32>
      %mul3A_433 = arith.mulf %dot_general3A_425, %mul3A_432 : vector<512x512xf32>
      %jit3A = arith.constant -1.000000e+30 : f32
      %broadcast_in_dim3A_434 = vector.broadcast %jit3A : f32 to vector<512x512xf32>
      %select_n3A = arith.select %ge3A_430, %mul3A_433, %broadcast_in_dim3A_434 : vector<512x512xi1>, vector<512x512xf32>
      %swap3A_435 = arith.constant 0 : index
      %swap3A_436 = arith.constant 512 : index
      %swap3A_437 = vector.load %arg5[%swap3A_435, %swap3A_436] : memref<512x2048xf32, #tpu.memory_space<vmem>>, vector<512x512xf32>
      tpu.vector_store %arg5[%swap3A_435, %swap3A_436], %select_n3A {strides = array<i32>} : memref<512x2048xf32, #tpu.memory_space<vmem>>, vector<512x512xf32>,
    } else {
    }
    %ge3A_360 = arith.constant 2 : i32
    %ge3A_361 = arith.cmpi sge, %arg0, %ge3A_360 : i32
    %convert_element_type3A_362 = arith.extui %ge3A_361 : i1 to i32
    %cond3A_363 = arith.constant 0 : i32
    %cond3A_364 = arith.cmpi ne, %convert_element_type3A_362, %cond3A_363 : i32
    scf.if %cond3A_364 {
      %get3A_421 = arith.constant 1024 : index
      %get3A_422 = arith.constant 192 : index
      %get3A_423 = vector.load %arg2[%get3A_421, %get3A_422] : memref<2048x256xf32, #tpu.memory_space<vmem>>, vector<512x64xf32>
      %dot_general3A_424 = arith.constant dense<0.000000e+00> : vector<512x512xf32>
      %dot_general3A_425 = tpu.matmul %slice3A_349, %get3A_423, %dot_general3A_424 {dimension_numbers = #tpu.dot_dimension_numbers<[1], [1], [0], [0], [0, 0, 1, 0], [], []>, transpose_lhs_hint = false} : vector<512x64xf32>, vector<512x64xf32>, vector<512x512xf32> -> vector<512x512xf32>
      %iota3A_426 = tpu.iota {dimensions = array<i32: 1>} : vector<512x512xi32>
      %add3A_427 = arith.constant 1024 : i32
      %add3A_428 = vector.broadcast %add3A_427 : i32 to vector<512x512xi32>
      %add3A_429 = arith.addi %add3A_428, %iota3A_426 : vector<512x512xi32>
      %ge3A_430 = arith.cmpi sge, %add3A_3, %add3A_429 : vector<512x512xi32>
      %mul3A_431 = arith.constant 1.250000e-01 : f32
      %mul3A_432 = vector.broadcast %mul3A_431 : f32 to vector<512x512xf32>
      %mul3A_433 = arith.mulf %dot_general3A_425, %mul3A_432 : vector<512x512xf32>
      %jit3A = arith.constant -1.000000e+30 : f32
      %broadcast_in_dim3A_434 = vector.broadcast %jit3A : f32 to vector<512x512xf32>
      %select_n3A = arith.select %ge3A_430, %mul3A_433, %broadcast_in_dim3A_434 : vector<512x512xi1>, vector<512x512xf32>
      %swap3A_435 = arith.constant 0 : index
      %swap3A_436 = arith.constant 1024 : index
      %swap3A_437 = vector.load %arg5[%swap3A_435, %swap3A_436] : memref<512x2048xf32, #tpu.memory_space<vmem>>, vector<512x512xf32>
      tpu.vector_store %arg5[%swap3A_435, %swap3A_436], %select_n3A {strides = array<i32>} : memref<512x2048xf32, #tpu.memory_space<vmem>>, vector<512x512xf32>,
    } else {
    }
    %ge3A_365 = arith.constant 3 : i32
    %ge3A_366 = arith.cmpi sge, %arg0, %ge3A_365 : i32
    %convert_element_type3A_367 = arith.extui %ge3A_366 : i1 to i32
    %cond3A_368 = arith.constant 0 : i32
    %cond3A_369 = arith.cmpi ne, %convert_element_type3A_367, %cond3A_368 : i32
    scf.if %cond3A_369 {
      %get3A_421 = arith.constant 1536 : index
      %get3A_422 = arith.constant 192 : index
      %get3A_423 = vector.load %arg2[%get3A_421, %get3A_422] : memref<2048x256xf32, #tpu.memory_space<vmem>>, vector<512x64xf32>
      %dot_general3A_424 = arith.constant dense<0.000000e+00> : vector<512x512xf32>
      %dot_general3A_425 = tpu.matmul %slice3A_349, %get3A_423, %dot_general3A_424 {dimension_numbers = #tpu.dot_dimension_numbers<[1], [1], [0], [0], [0, 0, 1, 0], [], []>, transpose_lhs_hint = false} : vector<512x64xf32>, vector<512x64xf32>, vector<512x512xf32> -> vector<512x512xf32>
      %iota3A_426 = tpu.iota {dimensions = array<i32: 1>} : vector<512x512xi32>
      %add3A_427 = arith.constant 1536 : i32
      %add3A_428 = vector.broadcast %add3A_427 : i32 to vector<512x512xi32>
      %add3A_429 = arith.addi %add3A_428, %iota3A_426 : vector<512x512xi32>
      %ge3A_430 = arith.cmpi sge, %add3A_3, %add3A_429 : vector<512x512xi32>
      %mul3A_431 = arith.constant 1.250000e-01 : f32
      %mul3A_432 = vector.broadcast %mul3A_431 : f32 to vector<512x512xf32>
      %mul3A_433 = arith.mulf %dot_general3A_425, %mul3A_432 : vector<512x512xf32>
      %jit3A = arith.constant -1.000000e+30 : f32
      %broadcast_in_dim3A_434 = vector.broadcast %jit3A : f32 to vector<512x512xf32>
      %select_n3A = arith.select %ge3A_430, %mul3A_433, %broadcast_in_dim3A_434 : vector<512x512xi1>, vector<512x512xf32>
      %swap3A_435 = arith.constant 0 : index
      %swap3A_436 = arith.constant 1536 : index
      %swap3A_437 = vector.load %arg5[%swap3A_435, %swap3A_436] : memref<512x2048xf32, #tpu.memory_space<vmem>>, vector<512x512xf32>
      tpu.vector_store %arg5[%swap3A_435, %swap3A_436], %select_n3A {strides = array<i32>} : memref<512x2048xf32, #tpu.memory_space<vmem>>, vector<512x512xf32>,
    } else {
    }
    %get3A_370 = arith.constant 0 : index
    %get3A_371 = arith.constant 0 : index
    %get3A_372 = vector.load %arg5[%get3A_370, %get3A_371] : memref<512x2048xf32, #tpu.memory_space<vmem>>, vector<512x2048xf32>
    %exp3A_373 = math.exp %get3A_372 : vector<512x2048xf32>
    %reduce_sum3A_374 = arith.constant dense<0.000000e+00> : vector<512xf32>
    %reduce_sum3A_375 = vector.multi_reduction <add>, %exp3A_373, %reduce_sum3A_374 [1] : vector<512x2048xf32> to vector<512xf32>
    %broadcast_in_dim3A_376 = vector.shape_cast %reduce_sum3A_375 : vector<512xf32> to vector<512x1xf32>
    %div3A_377 = vector.broadcast %broadcast_in_dim3A_376 : vector<512x1xf32> to vector<512x2048xf32>
    %div3A_378 = arith.divf %exp3A_373, %div3A_377 : vector<512x2048xf32>
    %get3A_379 = arith.constant 0 : index
    %get3A_380 = arith.constant 192 : index
    %get3A_381 = vector.load %arg3[%get3A_379, %get3A_380] : memref<2048x256xf32, #tpu.memory_space<vmem>>, vector<2048x64xf32>
    %dot_general3A_382 = arith.constant dense<0.000000e+00> : vector<512x64xf32>
    %dot_general3A_383 = tpu.matmul %div3A_378, %get3A_381, %dot_general3A_382 {dimension_numbers = #tpu.dot_dimension_numbers<[1], [0], [0], [1], [0, 0, 1, 1], [], []>, transpose_lhs_hint = false} : vector<512x2048xf32>, vector<2048x64xf32>, vector<512x64xf32> -> vector<512x64xf32>
    %slice3A_384 = vector.extract_strided_slice %get3A_1 {offsets = [0, 704], sizes = [512, 64], strides = [1, 1]} : vector<512x768xf32> to vector<512x64xf32>
    %ge3A_385 = arith.constant 0 : i32
    %ge3A_386 = arith.cmpi sge, %arg0, %ge3A_385 : i32
    %convert_element_type3A_387 = arith.extui %ge3A_386 : i1 to i32
    %cond3A_388 = arith.constant 0 : i32
    %cond3A_389 = arith.cmpi ne, %convert_element_type3A_387, %cond3A_388 : i32
    scf.if %cond3A_389 {
      %get3A_421 = arith.constant 0 : index
      %get3A_422 = arith.constant 192 : index
      %get3A_423 = vector.load %arg2[%get3A_421, %get3A_422] : memref<2048x256xf32, #tpu.memory_space<vmem>>, vector<512x64xf32>
      %dot_general3A_424 = arith.constant dense<0.000000e+00> : vector<512x512xf32>
      %dot_general3A_425 = tpu.matmul %slice3A_384, %get3A_423, %dot_general3A_424 {dimension_numbers = #tpu.dot_dimension_numbers<[1], [1], [0], [0], [0, 0, 1, 0], [], []>, transpose_lhs_hint = false} : vector<512x64xf32>, vector<512x64xf32>, vector<512x512xf32> -> vector<512x512xf32>
      %iota3A_426 = tpu.iota {dimensions = array<i32: 1>} : vector<512x512xi32>
      %add3A_427 = arith.constant 0 : i32
      %add3A_428 = vector.broadcast %add3A_427 : i32 to vector<512x512xi32>
      %add3A_429 = arith.addi %add3A_428, %iota3A_426 : vector<512x512xi32>
      %ge3A_430 = arith.cmpi sge, %add3A_3, %add3A_429 : vector<512x512xi32>
      %mul3A_431 = arith.constant 1.250000e-01 : f32
      %mul3A_432 = vector.broadcast %mul3A_431 : f32 to vector<512x512xf32>
      %mul3A_433 = arith.mulf %dot_general3A_425, %mul3A_432 : vector<512x512xf32>
      %jit3A = arith.constant -1.000000e+30 : f32
      %broadcast_in_dim3A_434 = vector.broadcast %jit3A : f32 to vector<512x512xf32>
      %select_n3A = arith.select %ge3A_430, %mul3A_433, %broadcast_in_dim3A_434 : vector<512x512xi1>, vector<512x512xf32>
      %swap3A_435 = arith.constant 0 : index
      %swap3A_436 = arith.constant 0 : index
      %swap3A_437 = vector.load %arg5[%swap3A_435, %swap3A_436] : memref<512x2048xf32, #tpu.memory_space<vmem>>, vector<512x512xf32>
      tpu.vector_store %arg5[%swap3A_435, %swap3A_436], %select_n3A {strides = array<i32>} : memref<512x2048xf32, #tpu.memory_space<vmem>>, vector<512x512xf32>,
    } else {
    }
    %ge3A_390 = arith.constant 1 : i32
    %ge3A_391 = arith.cmpi sge, %arg0, %ge3A_390 : i32
    %convert_element_type3A_392 = arith.extui %ge3A_391 : i1 to i32
    %cond3A_393 = arith.constant 0 : i32
    %cond3A_394 = arith.cmpi ne, %convert_element_type3A_392, %cond3A_393 : i32
    scf.if %cond3A_394 {
      %get3A_421 = arith.constant 512 : index
      %get3A_422 = arith.constant 192 : index
      %get3A_423 = vector.load %arg2[%get3A_421, %get3A_422] : memref<2048x256xf32, #tpu.memory_space<vmem>>, vector<512x64xf32>
      %dot_general3A_424 = arith.constant dense<0.000000e+00> : vector<512x512xf32>
      %dot_general3A_425 = tpu.matmul %slice3A_384, %get3A_423, %dot_general3A_424 {dimension_numbers = #tpu.dot_dimension_numbers<[1], [1], [0], [0], [0, 0, 1, 0], [], []>, transpose_lhs_hint = false} : vector<512x64xf32>, vector<512x64xf32>, vector<512x512xf32> -> vector<512x512xf32>
      %iota3A_426 = tpu.iota {dimensions = array<i32: 1>} : vector<512x512xi32>
      %add3A_427 = arith.constant 512 : i32
      %add3A_428 = vector.broadcast %add3A_427 : i32 to vector<512x512xi32>
      %add3A_429 = arith.addi %add3A_428, %iota3A_426 : vector<512x512xi32>
      %ge3A_430 = arith.cmpi sge, %add3A_3, %add3A_429 : vector<512x512xi32>
      %mul3A_431 = arith.constant 1.250000e-01 : f32
      %mul3A_432 = vector.broadcast %mul3A_431 : f32 to vector<512x512xf32>
      %mul3A_433 = arith.mulf %dot_general3A_425, %mul3A_432 : vector<512x512xf32>
      %jit3A = arith.constant -1.000000e+30 : f32
      %broadcast_in_dim3A_434 = vector.broadcast %jit3A : f32 to vector<512x512xf32>
      %select_n3A = arith.select %ge3A_430, %mul3A_433, %broadcast_in_dim3A_434 : vector<512x512xi1>, vector<512x512xf32>
      %swap3A_435 = arith.constant 0 : index
      %swap3A_436 = arith.constant 512 : index
      %swap3A_437 = vector.load %arg5[%swap3A_435, %swap3A_436] : memref<512x2048xf32, #tpu.memory_space<vmem>>, vector<512x512xf32>
      tpu.vector_store %arg5[%swap3A_435, %swap3A_436], %select_n3A {strides = array<i32>} : memref<512x2048xf32, #tpu.memory_space<vmem>>, vector<512x512xf32>,
    } else {
    }
    %ge3A_395 = arith.constant 2 : i32
    %ge3A_396 = arith.cmpi sge, %arg0, %ge3A_395 : i32
    %convert_element_type3A_397 = arith.extui %ge3A_396 : i1 to i32
    %cond3A_398 = arith.constant 0 : i32
    %cond3A_399 = arith.cmpi ne, %convert_element_type3A_397, %cond3A_398 : i32
    scf.if %cond3A_399 {
      %get3A_421 = arith.constant 1024 : index
      %get3A_422 = arith.constant 192 : index
      %get3A_423 = vector.load %arg2[%get3A_421, %get3A_422] : memref<2048x256xf32, #tpu.memory_space<vmem>>, vector<512x64xf32>
      %dot_general3A_424 = arith.constant dense<0.000000e+00> : vector<512x512xf32>
      %dot_general3A_425 = tpu.matmul %slice3A_384, %get3A_423, %dot_general3A_424 {dimension_numbers = #tpu.dot_dimension_numbers<[1], [1], [0], [0], [0, 0, 1, 0], [], []>, transpose_lhs_hint = false} : vector<512x64xf32>, vector<512x64xf32>, vector<512x512xf32> -> vector<512x512xf32>
      %iota3A_426 = tpu.iota {dimensions = array<i32: 1>} : vector<512x512xi32>
      %add3A_427 = arith.constant 1024 : i32
      %add3A_428 = vector.broadcast %add3A_427 : i32 to vector<512x512xi32>
      %add3A_429 = arith.addi %add3A_428, %iota3A_426 : vector<512x512xi32>
      %ge3A_430 = arith.cmpi sge, %add3A_3, %add3A_429 : vector<512x512xi32>
      %mul3A_431 = arith.constant 1.250000e-01 : f32
      %mul3A_432 = vector.broadcast %mul3A_431 : f32 to vector<512x512xf32>
      %mul3A_433 = arith.mulf %dot_general3A_425, %mul3A_432 : vector<512x512xf32>
      %jit3A = arith.constant -1.000000e+30 : f32
      %broadcast_in_dim3A_434 = vector.broadcast %jit3A : f32 to vector<512x512xf32>
      %select_n3A = arith.select %ge3A_430, %mul3A_433, %broadcast_in_dim3A_434 : vector<512x512xi1>, vector<512x512xf32>
      %swap3A_435 = arith.constant 0 : index
      %swap3A_436 = arith.constant 1024 : index
      %swap3A_437 = vector.load %arg5[%swap3A_435, %swap3A_436] : memref<512x2048xf32, #tpu.memory_space<vmem>>, vector<512x512xf32>
      tpu.vector_store %arg5[%swap3A_435, %swap3A_436], %select_n3A {strides = array<i32>} : memref<512x2048xf32, #tpu.memory_space<vmem>>, vector<512x512xf32>,
    } else {
    }
    %ge3A_400 = arith.constant 3 : i32
    %ge3A_401 = arith.cmpi sge, %arg0, %ge3A_400 : i32
    %convert_element_type3A_402 = arith.extui %ge3A_401 : i1 to i32
    %cond3A_403 = arith.constant 0 : i32
    %cond3A_404 = arith.cmpi ne, %convert_element_type3A_402, %cond3A_403 : i32
    scf.if %cond3A_404 {
      %get3A_421 = arith.constant 1536 : index
      %get3A_422 = arith.constant 192 : index
      %get3A_423 = vector.load %arg2[%get3A_421, %get3A_422] : memref<2048x256xf32, #tpu.memory_space<vmem>>, vector<512x64xf32>
      %dot_general3A_424 = arith.constant dense<0.000000e+00> : vector<512x512xf32>
      %dot_general3A_425 = tpu.matmul %slice3A_384, %get3A_423, %dot_general3A_424 {dimension_numbers = #tpu.dot_dimension_numbers<[1], [1], [0], [0], [0, 0, 1, 0], [], []>, transpose_lhs_hint = false} : vector<512x64xf32>, vector<512x64xf32>, vector<512x512xf32> -> vector<512x512xf32>
      %iota3A_426 = tpu.iota {dimensions = array<i32: 1>} : vector<512x512xi32>
      %add3A_427 = arith.constant 1536 : i32
      %add3A_428 = vector.broadcast %add3A_427 : i32 to vector<512x512xi32>
      %add3A_429 = arith.addi %add3A_428, %iota3A_426 : vector<512x512xi32>
      %ge3A_430 = arith.cmpi sge, %add3A_3, %add3A_429 : vector<512x512xi32>
      %mul3A_431 = arith.constant 1.250000e-01 : f32
      %mul3A_432 = vector.broadcast %mul3A_431 : f32 to vector<512x512xf32>
      %mul3A_433 = arith.mulf %dot_general3A_425, %mul3A_432 : vector<512x512xf32>
      %jit3A = arith.constant -1.000000e+30 : f32
      %broadcast_in_dim3A_434 = vector.broadcast %jit3A : f32 to vector<512x512xf32>
      %select_n3A = arith.select %ge3A_430, %mul3A_433, %broadcast_in_dim3A_434 : vector<512x512xi1>, vector<512x512xf32>
      %swap3A_435 = arith.constant 0 : index
      %swap3A_436 = arith.constant 1536 : index
      %swap3A_437 = vector.load %arg5[%swap3A_435, %swap3A_436] : memref<512x2048xf32, #tpu.memory_space<vmem>>, vector<512x512xf32>
      tpu.vector_store %arg5[%swap3A_435, %swap3A_436], %select_n3A {strides = array<i32>} : memref<512x2048xf32, #tpu.memory_space<vmem>>, vector<512x512xf32>,
    } else {
    }
    %get3A_405 = arith.constant 0 : index
    %get3A_406 = arith.constant 0 : index
    %get3A_407 = vector.load %arg5[%get3A_405, %get3A_406] : memref<512x2048xf32, #tpu.memory_space<vmem>>, vector<512x2048xf32>
    %exp3A_408 = math.exp %get3A_407 : vector<512x2048xf32>
    %reduce_sum3A_409 = arith.constant dense<0.000000e+00> : vector<512xf32>
    %reduce_sum3A_410 = vector.multi_reduction <add>, %exp3A_408, %reduce_sum3A_409 [1] : vector<512x2048xf32> to vector<512xf32>
    %broadcast_in_dim3A_411 = vector.shape_cast %reduce_sum3A_410 : vector<512xf32> to vector<512x1xf32>
    %div3A_412 = vector.broadcast %broadcast_in_dim3A_411 : vector<512x1xf32> to vector<512x2048xf32>
    %div3A_413 = arith.divf %exp3A_408, %div3A_412 : vector<512x2048xf32>
    %get3A_414 = arith.constant 0 : index
    %get3A_415 = arith.constant 192 : index
    %get3A_416 = vector.load %arg3[%get3A_414, %get3A_415] : memref<2048x256xf32, #tpu.memory_space<vmem>>, vector<2048x64xf32>
    %dot_general3A_417 = arith.constant dense<0.000000e+00> : vector<512x64xf32>
    %dot_general3A_418 = tpu.matmul %div3A_413, %get3A_416, %dot_general3A_417 {dimension_numbers = #tpu.dot_dimension_numbers<[1], [0], [0], [1], [0, 0, 1, 1], [], []>, transpose_lhs_hint = false} : vector<512x2048xf32>, vector<2048x64xf32>, vector<512x64xf32> -> vector<512x64xf32>
    %concatenate3A = tpu.concatenate %dot_general3A_33, %dot_general3A_68, %dot_general3A_103, %dot_general3A_138, %dot_general3A_173, %dot_general3A_208, %dot_general3A_243, %dot_general3A_278, %dot_general3A_313, %dot_general3A_348, %dot_general3A_383, %dot_general3A_418 in 1 : vector<512x64xf32>, vector<512x64xf32>, vector<512x64xf32>, vector<512x64xf32>, vector<512x64xf32>, vector<512x64xf32>, vector<512x64xf32>, vector<512x64xf32>, vector<512x64xf32>, vector<512x64xf32>, vector<512x64xf32>, vector<512x64xf32> -> vector<512x768xf32>
    %swap3A = arith.constant 0 : index
    %swap3A_419 = arith.constant 0 : index
    %swap3A_420 = vector.load %arg4[%swap3A, %swap3A_419] : memref<512x768xf32, #tpu.memory_space<vmem>>, vector<512x768xf32>
    tpu.vector_store %arg4[%swap3A, %swap3A_419], %concatenate3A {strides = array<i32>} : memref<512x768xf32, #tpu.memory_space<vmem>>, vector<512x768xf32>,
    return
  }
  func.func @transform_0(%arg0: i32) -> (i32, i32) {
    %c0_i32 = arith.constant 0 : i32
    %c0_i32_0 = arith.constant 0 : i32
    return %arg0, %c0_i32 : i32, i32
  }
  func.func @transform_1(%arg0: i32) -> (i32, i32) {
    %c0_i32 = arith.constant 0 : i32
    %c3_i32 = arith.constant 3 : i32
    %c0_i32_0 = arith.constant 0 : i32
    return %c0_i32, %c3_i32 : i32, i32
  }
  func.func @transform_2(%arg0: i32) -> (i32, i32) {
    %c0_i32 = arith.constant 0 : i32
    %c4_i32 = arith.constant 4 : i32
    %c0_i32_0 = arith.constant 0 : i32
    return %c0_i32, %c4_i32 : i32, i32
  }
  func.func @transform_3(%arg0: i32) -> (i32, i32) {
    %c0_i32 = arith.constant 0 : i32
    %c0_i32_0 = arith.constant 0 : i32
    return %arg0, %c0_i32 : i32, i32
  }
}

module attributes {stable_mosaic.version = 14 : i64} {
  func.func @_routing_kernel(%arg0: memref<2048x8xf32, #tpu.memory_space<vmem>>, %arg1: memref<8x4096xi32, #tpu.memory_space<vmem>>, %arg2: memref<2048x2xf32, #tpu.memory_space<vmem>>, %arg3: memref<8x32xi32, #tpu.memory_space<vmem>>) attributes {dimension_semantics = [], scalar_prefetch = 0 : i64, scratch_operands = 0 : i64, tpu.core_type = #tpu.core_type<tc>} {
    %get3A = arith.constant 0 : index
    %get3A_0 = arith.constant 0 : index
    %get3A_1 = vector.load %arg0[%get3A, %get3A_0] : memref<2048x8xf32, #tpu.memory_space<vmem>>, vector<2048x8xf32>
    %iota3A = tpu.iota {dimensions = array<i32: 1>} : vector<2048x8xi32>
    %reduce_max3A = arith.constant dense<0xFF800000> : vector<2048xf32>
    %reduce_max3A_2 = vector.multi_reduction <maximumf>, %get3A_1, %reduce_max3A [1] : vector<2048x8xf32> to vector<2048xf32>
    %broadcast_in_dim3A = vector.shape_cast %reduce_max3A_2 : vector<2048xf32> to vector<2048x1xf32>
    %eq3A = vector.broadcast %broadcast_in_dim3A : vector<2048x1xf32> to vector<2048x8xf32>
    %eq3A_3 = arith.cmpf oeq, %get3A_1, %eq3A : vector<2048x8xf32>
    %jit3A = arith.constant 8 : i32
    %broadcast_in_dim3A_4 = vector.broadcast %jit3A : i32 to vector<2048x8xi32>
    %select_n3A = arith.select %eq3A_3, %iota3A, %broadcast_in_dim3A_4 : vector<2048x8xi1>, vector<2048x8xi32>
    %reduce_min3A = arith.constant dense<2147483647> : vector<2048xi32>
    %reduce_min3A_5 = vector.multi_reduction <minsi>, %select_n3A, %reduce_min3A [1] : vector<2048x8xi32> to vector<2048xi32>
    %broadcast_in_dim3A_6 = vector.shape_cast %reduce_min3A_5 : vector<2048xi32> to vector<2048x1xi32>
    %eq3A_7 = vector.broadcast %broadcast_in_dim3A_6 : vector<2048x1xi32> to vector<2048x8xi32>
    %eq3A_8 = arith.cmpi eq, %iota3A, %eq3A_7 : vector<2048x8xi32>
    %jit3A_9 = arith.constant -1.000000e+00 : f32
    %broadcast_in_dim3A_10 = vector.broadcast %jit3A_9 : f32 to vector<2048x8xf32>
    %select_n3A_11 = arith.select %eq3A_8, %broadcast_in_dim3A_10, %get3A_1 : vector<2048x8xi1>, vector<2048x8xf32>
    %reduce_max3A_12 = arith.constant dense<0xFF800000> : vector<2048xf32>
    %reduce_max3A_13 = vector.multi_reduction <maximumf>, %select_n3A_11, %reduce_max3A_12 [1] : vector<2048x8xf32> to vector<2048xf32>
    %broadcast_in_dim3A_14 = vector.shape_cast %reduce_max3A_13 : vector<2048xf32> to vector<2048x1xf32>
    %eq3A_15 = vector.broadcast %broadcast_in_dim3A_14 : vector<2048x1xf32> to vector<2048x8xf32>
    %eq3A_16 = arith.cmpf oeq, %select_n3A_11, %eq3A_15 : vector<2048x8xf32>
    %jit3A_17 = arith.constant 8 : i32
    %broadcast_in_dim3A_18 = vector.broadcast %jit3A_17 : i32 to vector<2048x8xi32>
    %select_n3A_19 = arith.select %eq3A_16, %iota3A, %broadcast_in_dim3A_18 : vector<2048x8xi1>, vector<2048x8xi32>
    %reduce_min3A_20 = arith.constant dense<2147483647> : vector<2048xi32>
    %reduce_min3A_21 = vector.multi_reduction <minsi>, %select_n3A_19, %reduce_min3A_20 [1] : vector<2048x8xi32> to vector<2048xi32>
    %broadcast_in_dim3A_22 = vector.shape_cast %reduce_min3A_21 : vector<2048xi32> to vector<2048x1xi32>
    %add3A = arith.addf %broadcast_in_dim3A, %broadcast_in_dim3A_14 : vector<2048x1xf32>
    %div3A = arith.divf %broadcast_in_dim3A, %add3A : vector<2048x1xf32>
    %div3A_23 = arith.divf %broadcast_in_dim3A_14, %add3A : vector<2048x1xf32>
    %concatenate3A = tpu.concatenate %div3A, %div3A_23 in 1 : vector<2048x1xf32>, vector<2048x1xf32> -> vector<2048x2xf32>
    %swap3A = arith.constant 0 : index
    %swap3A_24 = arith.constant 0 : index
    %swap3A_25 = vector.load %arg2[%swap3A, %swap3A_24] : memref<2048x2xf32, #tpu.memory_space<vmem>>, vector<2048x2xf32>
    tpu.vector_store %arg2[%swap3A, %swap3A_24], %concatenate3A {strides = array<i32>} : memref<2048x2xf32, #tpu.memory_space<vmem>>, vector<2048x2xf32>,
    %eq3A_26 = vector.broadcast %broadcast_in_dim3A_6 : vector<2048x1xi32> to vector<2048x8xi32>
    %eq3A_27 = arith.cmpi eq, %iota3A, %eq3A_26 : vector<2048x8xi32>
    %convert_element_type3A = arith.extui %eq3A_27 : vector<2048x8xi1> to vector<2048x8xi32>
    %convert_element_type3A_28 = arith.sitofp %convert_element_type3A : vector<2048x8xi32> to vector<2048x8xf32>
    %eq3A_29 = vector.broadcast %broadcast_in_dim3A_22 : vector<2048x1xi32> to vector<2048x8xi32>
    %eq3A_30 = arith.cmpi eq, %iota3A, %eq3A_29 : vector<2048x8xi32>
    %convert_element_type3A_31 = arith.extui %eq3A_30 : vector<2048x8xi1> to vector<2048x8xi32>
    %convert_element_type3A_32 = arith.sitofp %convert_element_type3A_31 : vector<2048x8xi32> to vector<2048x8xf32>
    %concatenate3A_33 = tpu.concatenate %convert_element_type3A_28, %convert_element_type3A_32 in 0 : vector<2048x8xf32>, vector<2048x8xf32> -> vector<4096x8xf32>
    %iota3A_34 = tpu.iota {dimensions = array<i32: 0>} : vector<512x512xi32>
    %iota3A_35 = tpu.iota {dimensions = array<i32: 1>} : vector<512x512xi32>
    %lt3A = arith.cmpi slt, %iota3A_35, %iota3A_34 : vector<512x512xi32>
    %convert_element_type3A_36 = arith.extui %lt3A : vector<512x512xi1> to vector<512x512xi32>
    %convert_element_type3A_37 = arith.sitofp %convert_element_type3A_36 : vector<512x512xi32> to vector<512x512xf32>
    %broadcast_in_dim3A_38 = arith.constant 0.000000e+00 : f32
    %broadcast_in_dim3A_39 = vector.broadcast %broadcast_in_dim3A_38 : f32 to vector<1x8xf32>
    %slice3A = vector.extract_strided_slice %concatenate3A_33 {offsets = [0, 0], sizes = [512, 8], strides = [1, 1]} : vector<4096x8xf32> to vector<512x8xf32>
    %dot_general3A = arith.constant dense<0.000000e+00> : vector<512x8xf32>
    %dot_general3A_40 = tpu.matmul %convert_element_type3A_37, %slice3A, %dot_general3A {dimension_numbers = #tpu.dot_dimension_numbers<[1], [0], [0], [1], [0, 0, 1, 1], [], []>, transpose_lhs_hint = false} : vector<512x512xf32>, vector<512x8xf32>, vector<512x8xf32> -> vector<512x8xf32>
    %add3A_41 = vector.broadcast %broadcast_in_dim3A_39 : vector<1x8xf32> to vector<512x8xf32>
    %add3A_42 = arith.addf %dot_general3A_40, %add3A_41 : vector<512x8xf32>
    %reduce_sum3A = arith.constant dense<0.000000e+00> : vector<8xf32>
    %reduce_sum3A_43 = vector.multi_reduction <add>, %slice3A, %reduce_sum3A [0] : vector<512x8xf32> to vector<8xf32>
    %broadcast_in_dim3A_44 = vector.shape_cast %reduce_sum3A_43 : vector<8xf32> to vector<1x8xf32>
    %add3A_45 = arith.addf %broadcast_in_dim3A_39, %broadcast_in_dim3A_44 : vector<1x8xf32>
    %slice3A_46 = vector.extract_strided_slice %concatenate3A_33 {offsets = [512, 0], sizes = [512, 8], strides = [1, 1]} : vector<4096x8xf32> to vector<512x8xf32>
    %dot_general3A_47 = arith.constant dense<0.000000e+00> : vector<512x8xf32>
    %dot_general3A_48 = tpu.matmul %convert_element_type3A_37, %slice3A_46, %dot_general3A_47 {dimension_numbers = #tpu.dot_dimension_numbers<[1], [0], [0], [1], [0, 0, 1, 1], [], []>, transpose_lhs_hint = false} : vector<512x512xf32>, vector<512x8xf32>, vector<512x8xf32> -> vector<512x8xf32>
    %add3A_49 = vector.broadcast %add3A_45 : vector<1x8xf32> to vector<512x8xf32>
    %add3A_50 = arith.addf %dot_general3A_48, %add3A_49 : vector<512x8xf32>
    %reduce_sum3A_51 = arith.constant dense<0.000000e+00> : vector<8xf32>
    %reduce_sum3A_52 = vector.multi_reduction <add>, %slice3A_46, %reduce_sum3A_51 [0] : vector<512x8xf32> to vector<8xf32>
    %broadcast_in_dim3A_53 = vector.shape_cast %reduce_sum3A_52 : vector<8xf32> to vector<1x8xf32>
    %add3A_54 = arith.addf %add3A_45, %broadcast_in_dim3A_53 : vector<1x8xf32>
    %slice3A_55 = vector.extract_strided_slice %concatenate3A_33 {offsets = [1024, 0], sizes = [512, 8], strides = [1, 1]} : vector<4096x8xf32> to vector<512x8xf32>
    %dot_general3A_56 = arith.constant dense<0.000000e+00> : vector<512x8xf32>
    %dot_general3A_57 = tpu.matmul %convert_element_type3A_37, %slice3A_55, %dot_general3A_56 {dimension_numbers = #tpu.dot_dimension_numbers<[1], [0], [0], [1], [0, 0, 1, 1], [], []>, transpose_lhs_hint = false} : vector<512x512xf32>, vector<512x8xf32>, vector<512x8xf32> -> vector<512x8xf32>
    %add3A_58 = vector.broadcast %add3A_54 : vector<1x8xf32> to vector<512x8xf32>
    %add3A_59 = arith.addf %dot_general3A_57, %add3A_58 : vector<512x8xf32>
    %reduce_sum3A_60 = arith.constant dense<0.000000e+00> : vector<8xf32>
    %reduce_sum3A_61 = vector.multi_reduction <add>, %slice3A_55, %reduce_sum3A_60 [0] : vector<512x8xf32> to vector<8xf32>
    %broadcast_in_dim3A_62 = vector.shape_cast %reduce_sum3A_61 : vector<8xf32> to vector<1x8xf32>
    %add3A_63 = arith.addf %add3A_54, %broadcast_in_dim3A_62 : vector<1x8xf32>
    %slice3A_64 = vector.extract_strided_slice %concatenate3A_33 {offsets = [1536, 0], sizes = [512, 8], strides = [1, 1]} : vector<4096x8xf32> to vector<512x8xf32>
    %dot_general3A_65 = arith.constant dense<0.000000e+00> : vector<512x8xf32>
    %dot_general3A_66 = tpu.matmul %convert_element_type3A_37, %slice3A_64, %dot_general3A_65 {dimension_numbers = #tpu.dot_dimension_numbers<[1], [0], [0], [1], [0, 0, 1, 1], [], []>, transpose_lhs_hint = false} : vector<512x512xf32>, vector<512x8xf32>, vector<512x8xf32> -> vector<512x8xf32>
    %add3A_67 = vector.broadcast %add3A_63 : vector<1x8xf32> to vector<512x8xf32>
    %add3A_68 = arith.addf %dot_general3A_66, %add3A_67 : vector<512x8xf32>
    %reduce_sum3A_69 = arith.constant dense<0.000000e+00> : vector<8xf32>
    %reduce_sum3A_70 = vector.multi_reduction <add>, %slice3A_64, %reduce_sum3A_69 [0] : vector<512x8xf32> to vector<8xf32>
    %broadcast_in_dim3A_71 = vector.shape_cast %reduce_sum3A_70 : vector<8xf32> to vector<1x8xf32>
    %add3A_72 = arith.addf %add3A_63, %broadcast_in_dim3A_71 : vector<1x8xf32>
    %slice3A_73 = vector.extract_strided_slice %concatenate3A_33 {offsets = [2048, 0], sizes = [512, 8], strides = [1, 1]} : vector<4096x8xf32> to vector<512x8xf32>
    %dot_general3A_74 = arith.constant dense<0.000000e+00> : vector<512x8xf32>
    %dot_general3A_75 = tpu.matmul %convert_element_type3A_37, %slice3A_73, %dot_general3A_74 {dimension_numbers = #tpu.dot_dimension_numbers<[1], [0], [0], [1], [0, 0, 1, 1], [], []>, transpose_lhs_hint = false} : vector<512x512xf32>, vector<512x8xf32>, vector<512x8xf32> -> vector<512x8xf32>
    %add3A_76 = vector.broadcast %add3A_72 : vector<1x8xf32> to vector<512x8xf32>
    %add3A_77 = arith.addf %dot_general3A_75, %add3A_76 : vector<512x8xf32>
    %reduce_sum3A_78 = arith.constant dense<0.000000e+00> : vector<8xf32>
    %reduce_sum3A_79 = vector.multi_reduction <add>, %slice3A_73, %reduce_sum3A_78 [0] : vector<512x8xf32> to vector<8xf32>
    %broadcast_in_dim3A_80 = vector.shape_cast %reduce_sum3A_79 : vector<8xf32> to vector<1x8xf32>
    %add3A_81 = arith.addf %add3A_72, %broadcast_in_dim3A_80 : vector<1x8xf32>
    %slice3A_82 = vector.extract_strided_slice %concatenate3A_33 {offsets = [2560, 0], sizes = [512, 8], strides = [1, 1]} : vector<4096x8xf32> to vector<512x8xf32>
    %dot_general3A_83 = arith.constant dense<0.000000e+00> : vector<512x8xf32>
    %dot_general3A_84 = tpu.matmul %convert_element_type3A_37, %slice3A_82, %dot_general3A_83 {dimension_numbers = #tpu.dot_dimension_numbers<[1], [0], [0], [1], [0, 0, 1, 1], [], []>, transpose_lhs_hint = false} : vector<512x512xf32>, vector<512x8xf32>, vector<512x8xf32> -> vector<512x8xf32>
    %add3A_85 = vector.broadcast %add3A_81 : vector<1x8xf32> to vector<512x8xf32>
    %add3A_86 = arith.addf %dot_general3A_84, %add3A_85 : vector<512x8xf32>
    %reduce_sum3A_87 = arith.constant dense<0.000000e+00> : vector<8xf32>
    %reduce_sum3A_88 = vector.multi_reduction <add>, %slice3A_82, %reduce_sum3A_87 [0] : vector<512x8xf32> to vector<8xf32>
    %broadcast_in_dim3A_89 = vector.shape_cast %reduce_sum3A_88 : vector<8xf32> to vector<1x8xf32>
    %add3A_90 = arith.addf %add3A_81, %broadcast_in_dim3A_89 : vector<1x8xf32>
    %slice3A_91 = vector.extract_strided_slice %concatenate3A_33 {offsets = [3072, 0], sizes = [512, 8], strides = [1, 1]} : vector<4096x8xf32> to vector<512x8xf32>
    %dot_general3A_92 = arith.constant dense<0.000000e+00> : vector<512x8xf32>
    %dot_general3A_93 = tpu.matmul %convert_element_type3A_37, %slice3A_91, %dot_general3A_92 {dimension_numbers = #tpu.dot_dimension_numbers<[1], [0], [0], [1], [0, 0, 1, 1], [], []>, transpose_lhs_hint = false} : vector<512x512xf32>, vector<512x8xf32>, vector<512x8xf32> -> vector<512x8xf32>
    %add3A_94 = vector.broadcast %add3A_90 : vector<1x8xf32> to vector<512x8xf32>
    %add3A_95 = arith.addf %dot_general3A_93, %add3A_94 : vector<512x8xf32>
    %reduce_sum3A_96 = arith.constant dense<0.000000e+00> : vector<8xf32>
    %reduce_sum3A_97 = vector.multi_reduction <add>, %slice3A_91, %reduce_sum3A_96 [0] : vector<512x8xf32> to vector<8xf32>
    %broadcast_in_dim3A_98 = vector.shape_cast %reduce_sum3A_97 : vector<8xf32> to vector<1x8xf32>
    %add3A_99 = arith.addf %add3A_90, %broadcast_in_dim3A_98 : vector<1x8xf32>
    %slice3A_100 = vector.extract_strided_slice %concatenate3A_33 {offsets = [3584, 0], sizes = [512, 8], strides = [1, 1]} : vector<4096x8xf32> to vector<512x8xf32>
    %dot_general3A_101 = arith.constant dense<0.000000e+00> : vector<512x8xf32>
    %dot_general3A_102 = tpu.matmul %convert_element_type3A_37, %slice3A_100, %dot_general3A_101 {dimension_numbers = #tpu.dot_dimension_numbers<[1], [0], [0], [1], [0, 0, 1, 1], [], []>, transpose_lhs_hint = false} : vector<512x512xf32>, vector<512x8xf32>, vector<512x8xf32> -> vector<512x8xf32>
    %add3A_103 = vector.broadcast %add3A_99 : vector<1x8xf32> to vector<512x8xf32>
    %add3A_104 = arith.addf %dot_general3A_102, %add3A_103 : vector<512x8xf32>
    %reduce_sum3A_105 = arith.constant dense<0.000000e+00> : vector<8xf32>
    %reduce_sum3A_106 = vector.multi_reduction <add>, %slice3A_100, %reduce_sum3A_105 [0] : vector<512x8xf32> to vector<8xf32>
    %broadcast_in_dim3A_107 = vector.shape_cast %reduce_sum3A_106 : vector<8xf32> to vector<1x8xf32>
    %add3A_108 = arith.addf %add3A_99, %broadcast_in_dim3A_107 : vector<1x8xf32>
    %concatenate3A_109 = tpu.concatenate %add3A_42, %add3A_50, %add3A_59, %add3A_68, %add3A_77, %add3A_86, %add3A_95, %add3A_104 in 0 : vector<512x8xf32>, vector<512x8xf32>, vector<512x8xf32>, vector<512x8xf32>, vector<512x8xf32>, vector<512x8xf32>, vector<512x8xf32>, vector<512x8xf32> -> vector<4096x8xf32>
    %div3A_110 = arith.constant 2.560000e+02 : f32
    %div3A_111 = vector.broadcast %div3A_110 : f32 to vector<1x8xf32>
    %div3A_112 = arith.divf %add3A_108, %div3A_111 : vector<1x8xf32>
    %ceil3A = math.ceil %div3A_112 : vector<1x8xf32>
    %iota3A_113 = tpu.iota {dimensions = array<i32: 0>} : vector<8x8xi32>
    %iota3A_114 = tpu.iota {dimensions = array<i32: 1>} : vector<8x8xi32>
    %lt3A_115 = arith.cmpi slt, %iota3A_113, %iota3A_114 : vector<8x8xi32>
    %convert_element_type3A_116 = arith.extui %lt3A_115 : vector<8x8xi1> to vector<8x8xi32>
    %convert_element_type3A_117 = arith.sitofp %convert_element_type3A_116 : vector<8x8xi32> to vector<8x8xf32>
    %dot_general3A_118 = arith.constant dense<0.000000e+00> : vector<1x8xf32>
    %dot_general3A_119 = tpu.matmul %ceil3A, %convert_element_type3A_117, %dot_general3A_118 {dimension_numbers = #tpu.dot_dimension_numbers<[1], [0], [0], [1], [0, 0, 1, 1], [], []>, transpose_lhs_hint = false} : vector<1x8xf32>, vector<8x8xf32>, vector<1x8xf32> -> vector<1x8xf32>
    %mul3A = arith.constant 2.560000e+02 : f32
    %mul3A_120 = vector.broadcast %mul3A : f32 to vector<1x8xf32>
    %mul3A_121 = arith.mulf %dot_general3A_119, %mul3A_120 : vector<1x8xf32>
    %add3A_122 = vector.broadcast %mul3A_121 : vector<1x8xf32> to vector<4096x8xf32>
    %add3A_123 = arith.addf %add3A_122, %concatenate3A_109 : vector<4096x8xf32>
    %mul3A_124 = arith.mulf %concatenate3A_33, %add3A_123 : vector<4096x8xf32>
    %reduce_sum3A_125 = arith.constant dense<0.000000e+00> : vector<4096xf32>
    %reduce_sum3A_126 = vector.multi_reduction <add>, %mul3A_124, %reduce_sum3A_125 [1] : vector<4096x8xf32> to vector<4096xf32>
    %broadcast_in_dim3A_127 = vector.shape_cast %reduce_sum3A_126 : vector<4096xf32> to vector<4096x1xf32>
    %transpose3A = tpu.transpose %broadcast_in_dim3A_127, [1, 0] : vector<4096x1xf32> -> vector<1x4096xf32>
    %broadcast_in_dim3A_128 = vector.shape_cast %transpose3A : vector<1x4096xf32> to vector<1x4096xf32>
    %broadcast_in_dim3A_129 = vector.broadcast %broadcast_in_dim3A_128 : vector<1x4096xf32> to vector<8x4096xf32>
    %convert_element_type3A_130 = arith.fptosi %broadcast_in_dim3A_129 : vector<8x4096xf32> to vector<8x4096xi32>
    %swap3A_131 = arith.constant 0 : index
    %swap3A_132 = arith.constant 0 : index
    %swap3A_133 = vector.load %arg1[%swap3A_131, %swap3A_132] : memref<8x4096xi32, #tpu.memory_space<vmem>>, vector<8x4096xi32>
    tpu.vector_store %arg1[%swap3A_131, %swap3A_132], %convert_element_type3A_130 {strides = array<i32>} : memref<8x4096xi32, #tpu.memory_space<vmem>>, vector<8x4096xi32>,
    %broadcast_in_dim3A_134 = arith.constant 1.000000e+00 : f32
    %broadcast_in_dim3A_135 = vector.broadcast %broadcast_in_dim3A_134 : f32 to vector<1x32xf32>
    %dot_general3A_136 = arith.constant dense<0.000000e+00> : vector<8x32xf32>
    %dot_general3A_137 = tpu.matmul %dot_general3A_119, %broadcast_in_dim3A_135, %dot_general3A_136 {dimension_numbers = #tpu.dot_dimension_numbers<[0], [0], [1], [1], [0, 1, 1, 1], [], []>, transpose_lhs_hint = false} : vector<1x8xf32>, vector<1x32xf32>, vector<8x32xf32> -> vector<8x32xf32>
    %iota3A_138 = tpu.iota {dimensions = array<i32: 1>} : vector<8x32xi32>
    %convert_element_type3A_139 = arith.sitofp %iota3A_138 : vector<8x32xi32> to vector<8x32xf32>
    %le3A = arith.cmpf ole, %dot_general3A_137, %convert_element_type3A_139 : vector<8x32xf32>
    %convert_element_type3A_140 = arith.extui %le3A : vector<8x32xi1> to vector<8x32xi32>
    %convert_element_type3A_141 = arith.sitofp %convert_element_type3A_140 : vector<8x32xi32> to vector<8x32xf32>
    %broadcast_in_dim3A_142 = arith.constant 1.000000e+00 : f32
    %broadcast_in_dim3A_143 = vector.broadcast %broadcast_in_dim3A_142 : f32 to vector<1x8xf32>
    %dot_general3A_144 = arith.constant dense<0.000000e+00> : vector<1x32xf32>
    %dot_general3A_145 = tpu.matmul %broadcast_in_dim3A_143, %convert_element_type3A_141, %dot_general3A_144 {dimension_numbers = #tpu.dot_dimension_numbers<[1], [0], [0], [1], [0, 0, 1, 1], [], []>, transpose_lhs_hint = false} : vector<1x8xf32>, vector<8x32xf32>, vector<1x32xf32> -> vector<1x32xf32>
    %sub3A = arith.constant 1.000000e+00 : f32
    %sub3A_146 = vector.broadcast %sub3A : f32 to vector<1x32xf32>
    %sub3A_147 = arith.subf %dot_general3A_145, %sub3A_146 : vector<1x32xf32>
    %jit3A_148 = arith.constant 0.000000e+00 : f32
    %jit3A_149 = arith.constant 7.000000e+00 : f32
    %max3A = vector.broadcast %jit3A_148 : f32 to vector<1x32xf32>
    %max3A_150 = arith.maximumf %max3A, %sub3A_147 : vector<1x32xf32>
    %min3A = vector.broadcast %jit3A_149 : f32 to vector<1x32xf32>
    %min3A_151 = arith.minimumf %min3A, %max3A_150 : vector<1x32xf32>
    %broadcast_in_dim3A_152 = vector.shape_cast %min3A_151 : vector<1x32xf32> to vector<1x32xf32>
    %broadcast_in_dim3A_153 = vector.broadcast %broadcast_in_dim3A_152 : vector<1x32xf32> to vector<8x32xf32>
    %convert_element_type3A_154 = arith.fptosi %broadcast_in_dim3A_153 : vector<8x32xf32> to vector<8x32xi32>
    %swap3A_155 = arith.constant 0 : index
    %swap3A_156 = arith.constant 0 : index
    %swap3A_157 = vector.load %arg3[%swap3A_155, %swap3A_156] : memref<8x32xi32, #tpu.memory_space<vmem>>, vector<8x32xi32>
    tpu.vector_store %arg3[%swap3A_155, %swap3A_156], %convert_element_type3A_154 {strides = array<i32>} : memref<8x32xi32, #tpu.memory_space<vmem>>, vector<8x32xi32>,
    return
  }
}

module attributes {stable_mosaic.version = 14 : i64} {
  func.func @_expert_kernel(%arg0: i32, %arg1: memref<8x32xi32, #tpu.memory_space<smem>>, %arg2: memref<256x768xf32, #tpu.memory_space<vmem>>, %arg3: memref<1x768x1536xf32, #tpu.memory_space<vmem>>, %arg4: memref<1x1536x768xf32, #tpu.memory_space<vmem>>, %arg5: memref<1x768x1536xf32, #tpu.memory_space<vmem>>, %arg6: memref<256x768xf32, #tpu.memory_space<vmem>>) attributes {dimension_semantics = [#tpu.dimension_semantics<arbitrary>], iteration_bounds = array<i64: 24>, scalar_prefetch = 1 : i64, scratch_operands = 0 : i64, tpu.core_type = #tpu.core_type<tc>, window_params = [{transform_indices = @transform_0, window_bounds = array<i64: 256, 768>}, {transform_indices = @transform_1, window_bounds = array<i64: 1, 768, 1536>}, {transform_indices = @transform_2, window_bounds = array<i64: 1, 1536, 768>}, {transform_indices = @transform_3, window_bounds = array<i64: 1, 768, 1536>}, {transform_indices = @transform_4, window_bounds = array<i64: 256, 768>}]} {
    %get3A = arith.constant 0 : index
    %get3A_0 = arith.constant 0 : index
    %get3A_1 = vector.load %arg2[%get3A, %get3A_0] : memref<256x768xf32, #tpu.memory_space<vmem>>, vector<256x768xf32>
    %convert_element_type3A = arith.truncf %get3A_1 : vector<256x768xf32> to vector<256x768xbf16>
    %get3A_2 = arith.constant 0 : index
    %get3A_3 = arith.constant 0 : index
    %get3A_4 = arith.constant 0 : index
    %get3A_5 = vector.load %arg3[%get3A_2, %get3A_3, %get3A_4] : memref<1x768x1536xf32, #tpu.memory_space<vmem>>, vector<1x768x1536xf32>
    %get3A_6 = vector.shape_cast %get3A_5 : vector<1x768x1536xf32> to vector<768x1536xf32>
    %convert_element_type3A_7 = arith.truncf %get3A_6 : vector<768x1536xf32> to vector<768x1536xbf16>
    %dot_general3A = arith.constant dense<0.000000e+00> : vector<256x1536xf32>
    %dot_general3A_8 = tpu.matmul %convert_element_type3A, %convert_element_type3A_7, %dot_general3A {dimension_numbers = #tpu.dot_dimension_numbers<[1], [0], [0], [1], [0, 0, 1, 1], [], []>, transpose_lhs_hint = false} : vector<256x768xbf16>, vector<768x1536xbf16>, vector<256x1536xf32> -> vector<256x1536xf32>
    %get3A_9 = arith.constant 0 : index
    %get3A_10 = arith.constant 0 : index
    %get3A_11 = arith.constant 0 : index
    %get3A_12 = vector.load %arg5[%get3A_9, %get3A_10, %get3A_11] : memref<1x768x1536xf32, #tpu.memory_space<vmem>>, vector<1x768x1536xf32>
    %get3A_13 = vector.shape_cast %get3A_12 : vector<1x768x1536xf32> to vector<768x1536xf32>
    %convert_element_type3A_14 = arith.truncf %get3A_13 : vector<768x1536xf32> to vector<768x1536xbf16>
    %dot_general3A_15 = arith.constant dense<0.000000e+00> : vector<256x1536xf32>
    %dot_general3A_16 = tpu.matmul %convert_element_type3A, %convert_element_type3A_14, %dot_general3A_15 {dimension_numbers = #tpu.dot_dimension_numbers<[1], [0], [0], [1], [0, 0, 1, 1], [], []>, transpose_lhs_hint = false} : vector<256x768xbf16>, vector<768x1536xbf16>, vector<256x1536xf32> -> vector<256x1536xf32>
    %logistic3A = arith.negf %dot_general3A_8 : vector<256x1536xf32>
    %logistic3A_17 = math.exp %logistic3A : vector<256x1536xf32>
    %logistic3A_18 = arith.constant 1.000000e+00 : f32
    %logistic3A_19 = vector.broadcast %logistic3A_18 : f32 to vector<256x1536xf32>
    %logistic3A_20 = arith.addf %logistic3A_19, %logistic3A_17 : vector<256x1536xf32>
    %logistic3A_21 = arith.divf %logistic3A_19, %logistic3A_20 : vector<256x1536xf32>
    %mul3A = arith.mulf %dot_general3A_8, %logistic3A_21 : vector<256x1536xf32>
    %mul3A_22 = arith.mulf %mul3A, %dot_general3A_16 : vector<256x1536xf32>
    %convert_element_type3A_23 = arith.truncf %mul3A_22 : vector<256x1536xf32> to vector<256x1536xbf16>
    %get3A_24 = arith.constant 0 : index
    %get3A_25 = arith.constant 0 : index
    %get3A_26 = arith.constant 0 : index
    %get3A_27 = vector.load %arg4[%get3A_24, %get3A_25, %get3A_26] : memref<1x1536x768xf32, #tpu.memory_space<vmem>>, vector<1x1536x768xf32>
    %get3A_28 = vector.shape_cast %get3A_27 : vector<1x1536x768xf32> to vector<1536x768xf32>
    %convert_element_type3A_29 = arith.truncf %get3A_28 : vector<1536x768xf32> to vector<1536x768xbf16>
    %dot_general3A_30 = arith.constant dense<0.000000e+00> : vector<256x768xf32>
    %dot_general3A_31 = tpu.matmul %convert_element_type3A_23, %convert_element_type3A_29, %dot_general3A_30 {dimension_numbers = #tpu.dot_dimension_numbers<[1], [0], [0], [1], [0, 0, 1, 1], [], []>, transpose_lhs_hint = false} : vector<256x1536xbf16>, vector<1536x768xbf16>, vector<256x768xf32> -> vector<256x768xf32>
    %swap3A = arith.constant 0 : index
    %swap3A_32 = arith.constant 0 : index
    %swap3A_33 = vector.load %arg6[%swap3A, %swap3A_32] : memref<256x768xf32, #tpu.memory_space<vmem>>, vector<256x768xf32>
    tpu.vector_store %arg6[%swap3A, %swap3A_32], %dot_general3A_31 {strides = array<i32>} : memref<256x768xf32, #tpu.memory_space<vmem>>, vector<256x768xf32>,
    return
  }
  func.func @transform_0(%arg0: i32, %arg1: memref<8x32xi32, #tpu.memory_space<smem>>) -> (i32, i32) {
    %c0_i32 = arith.constant 0 : i32
    %c0_i32_0 = arith.constant 0 : i32
    return %arg0, %c0_i32 : i32, i32
  }
  func.func @transform_1(%arg0: i32, %arg1: memref<8x32xi32, #tpu.memory_space<smem>>) -> (i32, i32, i32) {
    %get3A = arith.constant 0 : index
    %get3A_0 = arith.index_cast %arg0 : i32 to index
    %get3A_1 = memref.load %arg1[%get3A, %get3A_0] : memref<8x32xi32, #tpu.memory_space<smem>>
    %c0_i32 = arith.constant 0 : i32
    %c0_i32_2 = arith.constant 0 : i32
    %c0_i32_3 = arith.constant 0 : i32
    return %get3A_1, %c0_i32, %c0_i32_2 : i32, i32, i32
  }
  func.func @transform_2(%arg0: i32, %arg1: memref<8x32xi32, #tpu.memory_space<smem>>) -> (i32, i32, i32) {
    %get3A = arith.constant 0 : index
    %get3A_0 = arith.index_cast %arg0 : i32 to index
    %get3A_1 = memref.load %arg1[%get3A, %get3A_0] : memref<8x32xi32, #tpu.memory_space<smem>>
    %c0_i32 = arith.constant 0 : i32
    %c0_i32_2 = arith.constant 0 : i32
    %c0_i32_3 = arith.constant 0 : i32
    return %get3A_1, %c0_i32, %c0_i32_2 : i32, i32, i32
  }
  func.func @transform_3(%arg0: i32, %arg1: memref<8x32xi32, #tpu.memory_space<smem>>) -> (i32, i32, i32) {
    %get3A = arith.constant 0 : index
    %get3A_0 = arith.index_cast %arg0 : i32 to index
    %get3A_1 = memref.load %arg1[%get3A, %get3A_0] : memref<8x32xi32, #tpu.memory_space<smem>>
    %c0_i32 = arith.constant 0 : i32
    %c0_i32_2 = arith.constant 0 : i32
    %c0_i32_3 = arith.constant 0 : i32
    return %get3A_1, %c0_i32, %c0_i32_2 : i32, i32, i32
  }
  func.func @transform_4(%arg0: i32, %arg1: memref<8x32xi32, #tpu.memory_space<smem>>) -> (i32, i32) {
    %c0_i32 = arith.constant 0 : i32
    %c0_i32_0 = arith.constant 0 : i32
    return %arg0, %c0_i32 : i32, i32
  }
}

module attributes {stable_mosaic.version = 14 : i64} {
  func.func @_combine_kernel(%arg0: i32, %arg1: memref<256x768xf32, #tpu.memory_space<vmem>>, %arg2: memref<256x768xf32, #tpu.memory_space<vmem>>, %arg3: memref<256x2xf32, #tpu.memory_space<vmem>>, %arg4: memref<256x768xf32, #tpu.memory_space<vmem>>) attributes {dimension_semantics = [#tpu.dimension_semantics<arbitrary>], iteration_bounds = array<i64: 8>, scalar_prefetch = 0 : i64, scratch_operands = 0 : i64, tpu.core_type = #tpu.core_type<tc>, window_params = [{transform_indices = @transform_0, window_bounds = array<i64: 256, 768>}, {transform_indices = @transform_1, window_bounds = array<i64: 256, 768>}, {transform_indices = @transform_2, window_bounds = array<i64: 256, 2>}, {transform_indices = @transform_3, window_bounds = array<i64: 256, 768>}]} {
    %get3A = arith.constant 0 : index
    %get3A_0 = arith.constant 0 : index
    %get3A_1 = vector.load %arg3[%get3A, %get3A_0] : memref<256x2xf32, #tpu.memory_space<vmem>>, vector<256x2xf32>
    %get3A_2 = arith.constant 0 : index
    %get3A_3 = arith.constant 0 : index
    %get3A_4 = vector.load %arg1[%get3A_2, %get3A_3] : memref<256x768xf32, #tpu.memory_space<vmem>>, vector<256x768xf32>
    %slice3A = vector.extract_strided_slice %get3A_1 {offsets = [0, 0], sizes = [256, 1], strides = [1, 1]} : vector<256x2xf32> to vector<256x1xf32>
    %mul3A = vector.broadcast %slice3A : vector<256x1xf32> to vector<256x768xf32>
    %mul3A_5 = arith.mulf %get3A_4, %mul3A : vector<256x768xf32>
    %get3A_6 = arith.constant 0 : index
    %get3A_7 = arith.constant 0 : index
    %get3A_8 = vector.load %arg2[%get3A_6, %get3A_7] : memref<256x768xf32, #tpu.memory_space<vmem>>, vector<256x768xf32>
    %slice3A_9 = vector.extract_strided_slice %get3A_1 {offsets = [0, 1], sizes = [256, 1], strides = [1, 1]} : vector<256x2xf32> to vector<256x1xf32>
    %mul3A_10 = vector.broadcast %slice3A_9 : vector<256x1xf32> to vector<256x768xf32>
    %mul3A_11 = arith.mulf %get3A_8, %mul3A_10 : vector<256x768xf32>
    %add3A = arith.addf %mul3A_5, %mul3A_11 : vector<256x768xf32>
    %swap3A = arith.constant 0 : index
    %swap3A_12 = arith.constant 0 : index
    %swap3A_13 = vector.load %arg4[%swap3A, %swap3A_12] : memref<256x768xf32, #tpu.memory_space<vmem>>, vector<256x768xf32>
    tpu.vector_store %arg4[%swap3A, %swap3A_12], %add3A {strides = array<i32>} : memref<256x768xf32, #tpu.memory_space<vmem>>, vector<256x768xf32>,
    return
  }
  func.func @transform_0(%arg0: i32) -> (i32, i32) {
    %c0_i32 = arith.constant 0 : i32
    %c0_i32_0 = arith.constant 0 : i32
    return %arg0, %c0_i32 : i32, i32
  }
  func.func @transform_1(%arg0: i32) -> (i32, i32) {
    %c0_i32 = arith.constant 0 : i32
    %c0_i32_0 = arith.constant 0 : i32
    return %arg0, %c0_i32 : i32, i32
  }
  func.func @transform_2(%arg0: i32) -> (i32, i32) {
    %c0_i32 = arith.constant 0 : i32
    %c0_i32_0 = arith.constant 0 : i32
    return %arg0, %c0_i32 : i32, i32
  }
  func.func @transform_3(%arg0: i32) -> (i32, i32) {
    %c0_i32 = arith.constant 0 : i32
    %c0_i32_0 = arith.constant 0 : i32
    return %arg0, %c0_i32 : i32, i32
  }
}

</mosaic_0001>

<sc_bundles>
// kernel: kernel.10.cloned.1.call-start
scs
__scs_entry_jumppad:
0x0: {  	(pc) =	sbr.rel $0x88, $3  }
0x1: {  	(tag) =	ssettag $0x0;
	lr =	simm.s32 $0x1  }
0x2: {  	[smem:$0x3F97] =	sst lr;
	_ =	strace $0xD0000000  }
0x3: {  	_ = 	snop  }
0x4: {  	_ = 	snop  }
0x5: {  	_ = 	snop  }
0x6: {  	_ = 	snop  }
0x7: {  	_ = 	snop  }
__scs_overlays_trampoline_lowered:
0x8: {  	[smem:$0x3FA6] =	sst s0  }
0x9: {  	[smem:$0x3FA7] =	sst s1  }
0xa: {  	[smem:$0x3FA8] =	sst s2  }
0xb: {  	[smem:$0x3FA9] =	sst s3  }
0xc: {  	[smem:$0x3FAA] =	sst s4  }
0xd: {  	[smem:$0x3FAB] =	sst s5  }
0xe: {  	[smem:$0x3FAC] =	sst s6  }
0xf: {  	[smem:$0x3FAD] =	sst s7  }
0x10: {  	[smem:$0x3FAE] =	sst s8  }
0x11: {  	[smem:$0x3FAF] =	sst s9;
	s0 =	simm.s32 @!p0 $0x0  }
0x12: {  	s1 =	sld [smem:$0x3F95];
	s0 =	simm.s32 @p0 $0x1  }
0x13: {  	[smem:$0x3FB0] =	sst s0;
	s0 =	simm.s32 @!p1 $0x0  }
0x14: {  	s2 =	sld [smem:$0x3F94];
	s0 =	simm.s32 @p1 $0x1  }
0x15: {  	[smem:$0x3FB1] =	sst s0;
	s0 =	simm.s32 @!p2 $0x0  }
0x16: {  	s3 =	sld [smem:$0x3FDB];
	s0 =	simm.s32 @p2 $0x1  }
0x17: {  	s4 =	simm.s32 $0x1BF5;
	[smem:$0x3FB3] =	sst s0  }
0x18: {  	s0 =	sld [smem:$0x3F96];
	_ =	swait.ge [sflag:s4], $0x0  }
0x19: {  	s7 =	sld [smem:$0x3F97]  }
0x1a: {  	s8 =	sadd.s32 $0xFFFFE003, lr  }
0x1b: {  	s9 =	sadd.s32 $0xFFFFFEF7, lr;
	s5 =	simm.s32 $0xFFFFFFFF;
	p2 =	slt.u32 s8, $0xFFFFF086  }
0x1c: {  	p1 =	slt.u32 s9, $0xF7A;
	s5 =	simm.s32 @!p2 $0x0  }
0x1d: {  	s5 =	simm.s32 @p1 $0x1;
	p0 =	seq.s32 s7, s2  }
0x1e: {  	s7 =	smul.u32 @!p0 $0xF7A, s2;
	p2 =	seq.s32 @!p0 s5, $0x0  }
0x1f: {  	s9 =	smul.u32 $0xF7A, s1;
	s8 =	simm.s32 @!p0 $0x1BF5;
	p2 =	por !p2, p0  }
0x20: {  	[sflag:s8] =	ssyncset.s32 @!p0 $0xFFFFF086;
	s6 =	sadd.s32 @!p0 s3, s7;
	s7 =	simm.s32 @!p0 $0x108  }
0x21: {  	s3 =	sadd.s32 s3, s9;
	s6 =	sadd.s32 @!p0 $0x88, s6;
	s7 =	simm.s32 @p2 $0x1082  }
0x22: {  	[simem:s7], [sflag:s8] =	dma.local @!p0 [hbm:s6], $0xF7A  }
0x23: {  	s9 =	sor.u32 $0xD0000000, s2;
	s6 =	simm.s32 $0x108;
	_ =	swait.ge @!p0 [sflag:s8], $0x0  }
0x24: {  	s3 =	sadd.s32 $0x88, s3;
	s6 =	simm.s32 @!p1 $0x1082;
	[sflag:s4] =	ssyncset.s32 $0xFFFFF086  }
0x25: {  	[simem:s6], [sflag:s4] =	dma.local [hbm:s3], $0xF7A  }
0x26: {  	[smem:$0x3F97] =	sst s1;
	(tag) =	ssettag s2;
	_ =	strace s9  }
0x27: {  	s1 =	sld [smem:$0x3FA7]  }
0x28: {  	s2 =	sld [smem:$0x3FA8]  }
0x29: {  	s4 =	sld [smem:$0x3FAA]  }
0x2a: {  	p0 =	seq.s32 s5, $0x0;
	s5 =	sld [smem:$0x3FAB]  }
0x2b: {  	s6 =	sld [smem:$0x3FAC]  }
0x2c: {  	s7 =	sld [smem:$0x3FAD]  }
0x2d: {  	s3 =	simm.s32 $0x108;
	s8 =	sld [smem:$0x3FAE]  }
0x2e: {  	s3 =	simm.s32 @!p0 $0x1082;
	s9 =	sld [smem:$0x3FAF]  }
0x2f: {  	lr =	sadd.s32 s0, s3;
	s0 =	sld [smem:$0x3FA6]  }
0x30: {  	s3 =	sld [smem:$0x3FA9]  }
0x31: {  	[smem:$0x3FB2] =	sst s10  }
0x32: {  	s10 =	sld [smem:$0x3FB0];
	_ =	sdelay $0x3  }
0x33: {  	p0 =	seq.s32 s10, $0x1;
	s10 =	sld [smem:$0x3FB2];
	_ =	sdelay $0x3  }
0x34: {  	[smem:$0x3FB2] =	sst s10  }
0x35: {  	s10 =	sld [smem:$0x3FB1];
	_ =	sdelay $0x3  }
0x36: {  	p1 =	seq.s32 s10, $0x1;
	s10 =	sld [smem:$0x3FB2];
	_ =	sdelay $0x3  }
0x37: {  	[smem:$0x3FB2] =	sst s10  }
0x38: {  	s10 =	sld [smem:$0x3FB3]  }
0x39: {  	_ = 	snop;
	(pc) =	sbr.ind lr, $3  }
0x3a: {  	_ = 	snop  }
0x3b: {  	_ = 	snop  }
0x3c: {  	p2 =	seq.s32 s10, $0x1;
	s10 =	sld [smem:$0x3FB2]  }
0x3d: {  	_ =	shalt  }
0x3e: {  	_ =	shalt  }
0x3f: {  	_ =	shalt  }
0x40: {  	_ =	shalt  }
0x41: {  	_ =	shalt  }
0x42: {  	_ =	shalt  }
0x43: {  	_ =	shalt  }
0x44: {  	_ =	shalt  }
0x45: {  	_ =	shalt  }
0x46: {  	_ =	shalt  }
0x47: {  	_ =	shalt  }
0x48: {  	_ =	shalt  }
0x49: {  	_ =	shalt  }
0x4a: {  	_ =	shalt  }
0x4b: {  	_ =	shalt  }
0x4c: {  	_ =	shalt  }
0x4d: {  	_ =	shalt  }
0x4e: {  	_ =	shalt  }
0x4f: {  	_ =	shalt  }
0x50: {  	_ =	shalt  }
0x51: {  	_ =	shalt  }
0x52: {  	_ =	shalt  }
0x53: {  	_ =	shalt  }
0x54: {  	_ =	shalt  }
0x55: {  	_ =	shalt  }
0x56: {  	_ =	shalt  }
0x57: {  	_ =	shalt  }
0x58: {  	_ =	shalt  }
0x59: {  	_ =	shalt  }
0x5a: {  	_ =	shalt  }
0x5b: {  	_ =	shalt  }
0x5c: {  	_ =	shalt  }
0x5d: {  	_ =	shalt  }
0x5e: {  	_ =	shalt  }
0x5f: {  	_ =	shalt  }
0x60: {  	_ =	shalt  }
0x61: {  	_ =	shalt  }
0x62: {  	_ =	shalt  }
0x63: {  	_ =	shalt  }
0x64: {  	_ =	shalt  }
0x65: {  	_ =	shalt  }
0x66: {  	_ =	shalt  }
0x67: {  	_ =	shalt  }
0x68: {  	_ =	shalt  }
0x69: {  	_ =	shalt  }
0x6a: {  	_ =	shalt  }
0x6b: {  	_ =	shalt  }
0x6c: {  	_ =	shalt  }
0x6d: {  	_ =	shalt  }
0x6e: {  	_ =	shalt  }
0x6f: {  	_ =	shalt  }
0x70: {  	_ =	shalt  }
0x71: {  	_ =	shalt  }
0x72: {  	_ =	shalt  }
0x73: {  	_ =	shalt  }
0x74: {  	_ =	shalt  }
0x75: {  	_ =	shalt  }
0x76: {  	_ =	shalt  }
0x77: {  	_ =	shalt  }
0x78: {  	_ =	shalt  }
0x79: {  	_ =	shalt  }
0x7a: {  	_ =	shalt  }
0x7b: {  	_ =	shalt  }
0x7c: {  	_ =	shalt  }
0x7d: {  	_ =	shalt  }
0x7e: {  	_ =	shalt  }
0x7f: {  	_ =	shalt  }
0x80: {  	_ =	shalt  }
0x81: {  	_ =	shalt  }
0x82: {  	_ =	shalt  }
0x83: {  	_ =	shalt  }
0x84: {  	_ =	shalt  }
0x85: {  	_ =	shalt  }
0x86: {  	_ =	shalt  }
0x87: {  	_ =	shalt  }
.Lfunc_end0:
.L_simem_size_0:
called_computation_lowered:
.L_overlay_start_0:
0x88: {  	s2 =	sld [smem:$0x3FD9]  }
0x89: {  	s3 =	sld [smem:$0x3FFE];
	_ =	sdelay $0x1  }
0x8a: {  	s1 =	srdreg.scid  }
0x8b: {  	s0 =	sand.u32 $0x1, s1  }
0x8c: {  	s14 =	sshll.u32 s0, $0xA;
	s2 =	sadd.s32 s3, s2  }
0x8d: {  	s2 =	sadd.s32 s2, s14  }
0x8e: {  	[smem:$0x3FBE] =	sst s2  }
0x8f: {  	_ = 	snop  }
0x90: {  	s2 =	sld [smem:$0x3FD0];
	_ =	sdelay $0x2  }
0x91: {  	s15 =	simm.s32 $0xA;
	s4 =	simm.s32 $0x10  }
0x92: {  	[smem:s4], [sflag:s15] =	dma.local [hbm:s2], $0x1  }
0x93: {  	_ =	swait.eq [sflag:s15], $0x1  }
0x94: {  	[sflag:s15] =	ssyncset.done $0x0  }
0x95: {  	[sflag:s15] =	ssyncadd.s32 $0xFFFFFFFF  }
0x96: {  	s16 =	sld [smem:$0x10];
	(tm) =	ssettm $0x1  }
0x97: {  	s17 =	sld [smem:$0x3FFB];
	_ =	sdelay $0x3  }
0x98: {  	_ =	strace s17  }
0x99: {  	s3 =	sld [smem:$0x3FFC];
	_ =	sdelay $0x3  }
0x9a: {  	_ =	strace s3  }
0x9b: {  	s3 =	sld [smem:$0x3FFD];
	_ =	sdelay $0x3  }
0x9c: {  	_ =	strace s3  }
0x9d: {  	_ =	strace $0x8FFFFFFF  }
0x9e: {  	s18 =	sld [smem:$0x3FDB];
	_ =	sdelay $0x1  }
0x9f: {  	s19 =	simm.s32 $_scs_section_size  }
0xa0: {  	s5 =	simm.s32 $_size__tile_overlayer_lowered;
	s6 =	simm.s32 $_tile_overlayer_lowered  }
0xa1: {  	s22 =	simm.s32 $0x1BFF;
	s21 =	sshll.u32 s6, $0x1;
	s3 =	sadd.s32 s19, s18  }
0xa2: {  	s7 =	simm.s32 $0x0;
	s20 =	sshll.u32 s5, $0x1;
	s5 =	sadd.s32 s21, s3  }
0xa3: {  	[timem:s7], [sflag:s22] =	dma.local [hbm:s5], s20  }
0xa4: {  	_ =	swait.ge [sflag:s22], s20  }
0xa5: {  	s4 =	ssub.s32 $0x0, s20;
	[sflag:s22] =	ssyncset.done $0x0  }
0xa6: {  	[sflag:s22] =	ssyncadd.s32 s4;
	_ =	sdelay $0x1  }
0xa7: {  	s23 =	simm.s32 $0x1B8B  }
0xa8: {  	_ =	swait.ge [sflag:s23], $0x1  }
0xa9: {  	[sflag:s23] =	ssyncset.done $0x0  }
0xaa: {  	s25 =	simm.s32 $0x1B8E;
	s24 =	sld [smem:$0x3FFE];
	[sflag:s23] =	ssyncadd.s32 $0xFFFFFFFF  }
0xab: {  	s26 =	simm.s32 $execute0_lowered;
	[smem:$0x3FD2] =	sst s25  }
0xac: {  	s5 =	sshll.u32 s26, $0x1;
	_ =	strace $0x80000046;
	[dreg:$0x1] =	wrdreg $0xFFFFFFFF  }
0xad: {  	s28 =	simm.s32 $_size_execute0_lowered;
	s3 =	sadd.s32 s3, s5;
	[dreg:$0x0] =	wrdreg $0x0  }
0xae: {  	s5 =	sshll.u32 s28, $0x1;
	[dreg:$0x2] =	wrdreg s3  }
0xaf: {  	[dreg:$0x3] =	wrdreg s5  }
0xb0: {  	[dreg:$0x4] =	wrdreg $0xC0  }
0xb1: {  	_ =	task [dreg:s7], $0x5FFFF  }
0xb2: {  	[dreg:$0x1] =	wrdreg $0xFFFFFFFF  }
0xb3: {  	[dreg:$0x0] =	wrdreg $0x60  }
0xb4: {  	[dreg:$0x2] =	wrdreg s16  }
0xb5: {  	[dreg:$0x3] =	wrdreg s24  }
0xb6: {  	[dreg:$0x4] =	wrdreg $0x9  }
0xb7: {  	_ =	task.clear_ibuf [dreg:s7], $0x5FFFF;
	_ =	strace $0x90000046  }
0xb8: {  	s29 =	simm.s32 $0x9;
	_ =	strace $0x80000048  }
0xb9: {  	_ =	swait.ge [sflag:s29], $0x1  }
0xba: {  	[sflag:s29] =	ssyncadd.s32 $0xFFFFFFFF  }
0xbb: {  	_ =	strace $0x90000048  }
0xbc: {  	_ =	sfence  }
0xbd: {  	s30 =	sld [smem:$0x0];
	_ =	sdelay $0x2  }
0xbe: {  	s31 =	sshll.u32 s1, $0xD;
	s1 =	sshrl.u32 s1, $0x2  }
0xbf: {  	s3 =	sand.u32 $0x4000, s31;
	s1 =	sadd.s32 s1, s30  }
0xc0: {  	s0 =	sor.u32 s3, s0;
	s1 =	sshll.u32 s1, $0x11  }
0xc1: {  	s0 =	sor.u32 s1, s0  }
0xc2: {  	s0 =	sadd.s32 $0x8F2B, s0  }
0xc3: {  	[sflag:s0] =	ssyncadd.remote.s32 $0x1  }
0xc4: {  	_ =	sfence.sel $0xFFFF  }
0xc5: {  	[dreg:$0x0] =	wrdreg $0xFFFFFFFF;
	(pc) =	sbr.abs _section_cstart, $3  }
0xc6: {  	[dreg:$0x1] =	wrdreg $0xFFFFFFFF  }
0xc7: {  	_ =	task.clear_ibuf [dreg:s7], $0x2FFFF;
	_ =	strace $0x9FFFFFFF  }
0xc8: {  	(tm) =	ssettm $0x7FFFFFFF  }
0xc9: {  	_ =	shalt  }
tec
execute0_lowered:
.L_overlay_start_1:
0x0: {  	(tag) =	ssettag $0x1  }
0x1: {  	s11 =	rddreg [dreg:$0x0]  }
0x2: {  	s8 =	rddreg [dreg:$0x1]  }
0x3: {  	s0 =	rddreg [dreg:$0x2];
	s2 =	simm.s32 $0x0;
	s3 =	srdreg.scid  }
0x4: {  	s1 =	stileid.u32;
	s17 =	simm.s32 $0x3;
	s18 =	simm.s32 $0x900  }
0x5: {  	s19 =	simm.s32 $0x1100;
	s20 =	simm.s32 $0x1900;
	s21 =	simm.s32 $0x2100  }
0x6: {  	s22 =	simm.s32 $0x2900;
	s23 =	simm.s32 $0x3100;
	s28 =	simm.s32 $0x5100  }
0x7: {  	s29 =	simm.s32 $0x5900;
	[smem:$0x7FF] =	sst s2;
	s3 =	sand.u32 $0x1, s3  }
0x8: {  	s4 =	sshll.u32 s1, $0x7;
	s10 =	sadd.s32 $0x3200, s8;
	s12 =	sshll.u32 s1, $0xA  }
0x9: {  	_ =	strace $0x80000047;
	s5 =	sshll.u32 s3, $0x6;
	s24 =	ssub.s32 $0x2, s3  }
0xa: {  	s3 =	sadd.s32 $0x4200, s8;
	s9 =	sor.u32 s5, s4;
	s25 =	sor.u32 s5, s12  }
0xb: {  	s6 =	sshrl.u32 s24, $0x1;
	s26 =	sshrl.u32 s9, $0x3;
	s7 =	sshrl.u32 s25, $0x3  }
0xc: {  	s14 =	ssub.s32 s24, s6;
	s30 =	sor.u32 $0x820, s9;
	s9 =	sor.u32 $0x20, s9  }
0xd: {  	s24 =	simm.s32 $0x3900;
	s25 =	simm.s32 $0x4100;
	s13 =	smul.u32 $0x300, s26  }
0xe: {  	s4 =	sadd.s32 s10, s7;
	s7 =	sadd.s32 $0x4300, s8;
	s15 =	sshll.u32 s30, $0x3  }
0xf: {  	s16 =	sand.u32 $0x60, s9;
	s9 =	sshrl.u32 s9, $0x3;
	s8 =	sadd.s32 $0x4400, s8  }
0x10: {  	s26 =	simm.s32 $0x4900;
	s5 =	sadd.s32 $0x800, s4;
	s15 =	sand.u32 $0x7C00, s15  }
0x11: {  	s12 =	sor.u32 s12, s16;
	s31 =	smul.u32 $0x300, s9;
	s16 =	simm.s32 $0x2  }
0x12: {  	s6 =	sadd.s32 s11, s13;
	s13 =	sand.u32 $0x60, s30;
	s12 =	sshrl.u32 s12, $0x3  }
0x13: {  	v2 =	vlaneseq.u32;
	s13 =	sor.u32 s13, s15;
	s9 =	sadd.s32 s10, s12;
	s11 =	sadd.s32 s11, s31  }
0x14: {  	vm0 =	vmmov $0xffff;
	v1 =	vshrl.u32 v2, $0x3;
	s12 =	smax.u32 s14, $0x1;
	s14 =	simm.s32 $0x100;
	s13 =	sshrl.u32 s13, $0x3  }
0x15: {  	v0 =	vand.u32 $0x7, v2;
	v2 =	vor.u32 $0x8, v2;
	v1 =	vmul.u32 $0x8, v1;
	s15 =	simm.s32 $0x1;
	s10 =	sadd.s32 s10, s13;
	s13 =	simm.s32 $0x80  }
.LBB2_1:
0x16: {  	[tilespmem:s2], [sflag:$0x1] =	stream.linear.gather [hbm4b:s4+s2], $0x20, $0x38;
	[tilespmem:$0x6100] =	vst v63  }
0x17: {  	_ = 	snop  }
0x18: {  	[tilespmem:s13], [sflag:$0x2] =	stream.linear.gather [hbm4b:s5+s2], $0x20, $0x38;
	[tilespmem:$0x6100] =	vst v63  }
0x19: {  	_ = 	snop  }
0x1a: {  	[tilespmem:s14], [sflag:$0x3] =	stream.linear.gather [hbm4b:s6+s2], $0x6000, $0x38;
	[tilespmem:$0x6100] =	vst v63  }
0x1b: {  	_ =	swait.ge [sflag:s15], $0x20  }
0x1c: {  	[sflag:s15] =	ssyncset.done $0x0  }
0x1d: {  	[sflag:s15] =	ssyncadd.s32 $0xFFFFFFE0  }
0x1e: {  	_ =	swait.ge [sflag:s16], $0x20  }
0x1f: {  	[sflag:s16] =	ssyncset.done $0x0  }
0x20: {  	[sflag:s16] =	ssyncadd.s32 $0xFFFFFFE0  }
0x21: {  	_ =	swait.ge [sflag:s17], $0x6000  }
0x22: {  	[sflag:s17] =	ssyncset.done $0x0  }
0x23: {  	[sflag:s17] =	ssyncadd.s32 $0xFFFFA000  }
0x24: {  	v3 =	vld [tilespmem:$0x0];
	_ =	sdelay $0x4  }
0x25: {  	v4 =	vshrl.u32 v3, $0x3  }
0x26: {  	v4 =	vmul.u32 $0x30, v4  }
0x27: {  	v3 =	vand.u32 $0x7, v3  }
0x28: {  	v3 =	vor.u32 v3, v4  }
0x29: {  	v4 =	vperm.xlane v3, v0;
	_ =	sdelay $0x1  }
0x2a: {  	v4 =	vadd.s32 v1, v4;
	_ =	sdelay $0x3  }
0x2b: {  	v3 =	vperm.xlane v3, v2  }
0x2c: {  	[hbm4b:s3+s2] =	stream.indirect_vreg.scatter [tilespmem:s14], [sflag:$0x1], $0x80, v4, vm0, $0xb8;
	[tilespmem:$0x6100] =	vst v63  }
0x2d: {  	v3 =	vadd.s32 v1, v3  }
0x2e: {  	[hbm4b:s7+s2] =	stream.indirect_vreg.scatter [tilespmem:s18], [sflag:$0x1], $0x80, v4, vm0, $0xb8;
	[tilespmem:$0x6100] =	vst v63  }
0x2f: {  	_ = 	snop  }
0x30: {  	[hbm4b:s8+s2] =	stream.indirect_vreg.scatter [tilespmem:s19], [sflag:$0x1], $0x80, v4, vm0, $0xb8;
	[tilespmem:$0x6100] =	vst v63  }
0x31: {  	_ = 	snop  }
0x32: {  	[hbm4b:s3+s2] =	stream.indirect_vreg.scatter [tilespmem:s20], [sflag:$0x1], $0x80, v3, vm0, $0xb8;
	[tilespmem:$0x6100] =	vst v63  }
0x33: {  	_ = 	snop  }
0x34: {  	[hbm4b:s7+s2] =	stream.indirect_vreg.scatter [tilespmem:s21], [sflag:$0x1], $0x80, v3, vm0, $0xb8;
	[tilespmem:$0x6100] =	vst v63  }
0x35: {  	_ = 	snop  }
0x36: {  	[hbm4b:s8+s2] =	stream.indirect_vreg.scatter [tilespmem:s22], [sflag:$0x1], $0x80, v3, vm0, $0xb8;
	[tilespmem:$0x6100] =	vst v63  }
0x37: {  	v3 =	vld [tilespmem:$0x10];
	_ =	sdelay $0x4  }
0x38: {  	v57 =	vshrl.u32 v3, $0x3  }
0x39: {  	v4 =	vmul.u32 $0x30, v57  }
0x3a: {  	v3 =	vand.u32 $0x7, v3  }
0x3b: {  	v3 =	vor.u32 v3, v4  }
0x3c: {  	v4 =	vperm.xlane v3, v0;
	_ =	sdelay $0x1  }
0x3d: {  	v4 =	vadd.s32 v1, v4;
	_ =	sdelay $0x3  }
0x3e: {  	v3 =	vperm.xlane v3, v2  }
0x3f: {  	[hbm4b:s3+s2] =	stream.indirect_vreg.scatter [tilespmem:s23], [sflag:$0x1], $0x80, v4, vm0, $0xb8;
	[tilespmem:$0x6100] =	vst v63  }
0x40: {  	v3 =	vadd.s32 v1, v3  }
0x41: {  	[hbm4b:s7+s2] =	stream.indirect_vreg.scatter [tilespmem:s24], [sflag:$0x1], $0x80, v4, vm0, $0xb8;
	[tilespmem:$0x6100] =	vst v63  }
0x42: {  	_ = 	snop  }
0x43: {  	[hbm4b:s8+s2] =	stream.indirect_vreg.scatter [tilespmem:s25], [sflag:$0x1], $0x80, v4, vm0, $0xb8;
	[tilespmem:$0x6100] =	vst v63  }
0x44: {  	_ = 	snop  }
0x45: {  	[hbm4b:s3+s2] =	stream.indirect_vreg.scatter [tilespmem:s26], [sflag:$0x1], $0x80, v3, vm0, $0xb8;
	[tilespmem:$0x6100] =	vst v63  }
0x46: {  	_ = 	snop  }
0x47: {  	[hbm4b:s7+s2] =	stream.indirect_vreg.scatter [tilespmem:s28], [sflag:$0x1], $0x80, v3, vm0, $0xb8;
	[tilespmem:$0x6100] =	vst v63  }
0x48: {  	_ = 	snop  }
0x49: {  	[hbm4b:s8+s2] =	stream.indirect_vreg.scatter [tilespmem:s29], [sflag:$0x1], $0x80, v3, vm0, $0xb8;
	[tilespmem:$0x6100] =	vst v63  }
0x4a: {  	v3 =	vld [tilespmem:$0x80];
	_ =	sdelay $0x4  }
0x4b: {  	v58 =	vshrl.u32 v3, $0x3  }
0x4c: {  	v4 =	vmul.u32 $0x30, v58  }
0x4d: {  	v3 =	vand.u32 $0x7, v3  }
0x4e: {  	v3 =	vor.u32 v3, v4  }
0x4f: {  	v4 =	vperm.xlane v3, v0;
	_ =	sdelay $0x1  }
0x50: {  	v4 =	vadd.s32 v1, v4;
	_ =	sdelay $0x3  }
0x51: {  	v3 =	vperm.xlane v3, v2  }
0x52: {  	[hbm4b:s3+s2] =	stream.indirect_vreg.scatter [tilespmem:s14], [sflag:$0x2], $0x80, v4, vm0, $0xb8;
	[tilespmem:$0x6100] =	vst v63  }
0x53: {  	v3 =	vadd.s32 v1, v3  }
0x54: {  	[hbm4b:s7+s2] =	stream.indirect_vreg.scatter [tilespmem:s18], [sflag:$0x2], $0x80, v4, vm0, $0xb8;
	[tilespmem:$0x6100] =	vst v63  }
0x55: {  	_ = 	snop  }
0x56: {  	[hbm4b:s8+s2] =	stream.indirect_vreg.scatter [tilespmem:s19], [sflag:$0x2], $0x80, v4, vm0, $0xb8;
	[tilespmem:$0x6100] =	vst v63  }
0x57: {  	_ = 	snop  }
0x58: {  	[hbm4b:s3+s2] =	stream.indirect_vreg.scatter [tilespmem:s20], [sflag:$0x2], $0x80, v3, vm0, $0xb8;
	[tilespmem:$0x6100] =	vst v63  }
0x59: {  	_ = 	snop  }
0x5a: {  	[hbm4b:s7+s2] =	stream.indirect_vreg.scatter [tilespmem:s21], [sflag:$0x2], $0x80, v3, vm0, $0xb8;
	[tilespmem:$0x6100] =	vst v63  }
0x5b: {  	_ = 	snop  }
0x5c: {  	[hbm4b:s8+s2] =	stream.indirect_vreg.scatter [tilespmem:s22], [sflag:$0x2], $0x80, v3, vm0, $0xb8;
	[tilespmem:$0x6100] =	vst v63  }
0x5d: {  	v3 =	vld [tilespmem:$0x90];
	_ =	sdelay $0x4  }
0x5e: {  	v59 =	vshrl.u32 v3, $0x3  }
0x5f: {  	v4 =	vmul.u32 $0x30, v59  }
0x60: {  	v3 =	vand.u32 $0x7, v3  }
0x61: {  	v3 =	vor.u32 v3, v4  }
0x62: {  	v4 =	vperm.xlane v3, v0;
	_ =	sdelay $0x1  }
0x63: {  	v4 =	vadd.s32 v1, v4;
	_ =	sdelay $0x3  }
0x64: {  	v3 =	vperm.xlane v3, v2  }
0x65: {  	[hbm4b:s3+s2] =	stream.indirect_vreg.scatter [tilespmem:s23], [sflag:$0x2], $0x80, v4, vm0, $0xb8;
	[tilespmem:$0x6100] =	vst v63  }
0x66: {  	v3 =	vadd.s32 v1, v3  }
0x67: {  	[hbm4b:s7+s2] =	stream.indirect_vreg.scatter [tilespmem:s24], [sflag:$0x2], $0x80, v4, vm0, $0xb8;
	[tilespmem:$0x6100] =	vst v63  }
0x68: {  	_ = 	snop  }
0x69: {  	[hbm4b:s8+s2] =	stream.indirect_vreg.scatter [tilespmem:s25], [sflag:$0x2], $0x80, v4, vm0, $0xb8;
	[tilespmem:$0x6100] =	vst v63  }
0x6a: {  	_ = 	snop  }
0x6b: {  	[hbm4b:s3+s2] =	stream.indirect_vreg.scatter [tilespmem:s26], [sflag:$0x2], $0x80, v3, vm0, $0xb8;
	[tilespmem:$0x6100] =	vst v63  }
0x6c: {  	_ = 	snop  }
0x6d: {  	[hbm4b:s7+s2] =	stream.indirect_vreg.scatter [tilespmem:s28], [sflag:$0x2], $0x80, v3, vm0, $0xb8;
	[tilespmem:$0x6100] =	vst v63  }
0x6e: {  	_ = 	snop  }
0x6f: {  	[hbm4b:s8+s2] =	stream.indirect_vreg.scatter [tilespmem:s29], [sflag:$0x2], $0x80, v3, vm0, $0xb8;
	[tilespmem:$0x6100] =	vst v63  }
0x70: {  	_ =	swait.ge [sflag:s15], $0x6000  }
0x71: {  	[sflag:s15] =	ssyncset.done $0x0  }
0x72: {  	[sflag:s15] =	ssyncadd.s32 $0xFFFFA000  }
0x73: {  	_ =	swait.ge [sflag:s16], $0x6000  }
0x74: {  	[sflag:s16] =	ssyncset.done $0x0  }
0x75: {  	[sflag:s16] =	ssyncadd.s32 $0xFFFFA000  }
0x76: {  	[tilespmem:s2], [sflag:$0x1] =	stream.linear.gather [hbm4b:s9+s2], $0x20, $0x38;
	[tilespmem:$0x6100] =	vst v63  }
0x77: {  	_ = 	snop  }
0x78: {  	[tilespmem:s13], [sflag:$0x2] =	stream.linear.gather [hbm4b:s10+s2], $0x20, $0x38;
	[tilespmem:$0x6100] =	vst v63  }
0x79: {  	_ = 	snop  }
0x7a: {  	[tilespmem:s14], [sflag:$0x3] =	stream.linear.gather [hbm4b:s11+s2], $0x6000, $0x38;
	[tilespmem:$0x6100] =	vst v63  }
0x7b: {  	_ =	swait.ge [sflag:s15], $0x20  }
0x7c: {  	[sflag:s15] =	ssyncset.done $0x0  }
0x7d: {  	[sflag:s15] =	ssyncadd.s32 $0xFFFFFFE0  }
0x7e: {  	_ =	swait.ge [sflag:s16], $0x20  }
0x7f: {  	[sflag:s16] =	ssyncset.done $0x0  }
0x80: {  	[sflag:s16] =	ssyncadd.s32 $0xFFFFFFE0  }
0x81: {  	_ =	swait.ge [sflag:s17], $0x6000  }
0x82: {  	[sflag:s17] =	ssyncset.done $0x0  }
0x83: {  	[sflag:s17] =	ssyncadd.s32 $0xFFFFA000  }
0x84: {  	v3 =	vld [tilespmem:$0x0];
	_ =	sdelay $0x4  }
0x85: {  	v60 =	vshrl.u32 v3, $0x3  }
0x86: {  	v4 =	vmul.u32 $0x30, v60  }
0x87: {  	v3 =	vand.u32 $0x7, v3  }
0x88: {  	v3 =	vor.u32 v3, v4  }
0x89: {  	v4 =	vperm.xlane v3, v0;
	_ =	sdelay $0x1  }
0x8a: {  	v4 =	vadd.s32 v1, v4;
	_ =	sdelay $0x3  }
0x8b: {  	v3 =	vperm.xlane v3, v2  }
0x8c: {  	[hbm4b:s3+s2] =	stream.indirect_vreg.scatter [tilespmem:s14], [sflag:$0x1], $0x80, v4, vm0, $0xb8;
	[tilespmem:$0x6100] =	vst v63  }
0x8d: {  	v3 =	vadd.s32 v1, v3  }
0x8e: {  	[hbm4b:s7+s2] =	stream.indirect_vreg.scatter [tilespmem:s18], [sflag:$0x1], $0x80, v4, vm0, $0xb8;
	[tilespmem:$0x6100] =	vst v63  }
0x8f: {  	_ = 	snop  }
0x90: {  	[hbm4b:s8+s2] =	stream.indirect_vreg.scatter [tilespmem:s19], [sflag:$0x1], $0x80, v4, vm0, $0xb8;
	[tilespmem:$0x6100] =	vst v63  }
0x91: {  	_ = 	snop  }
0x92: {  	[hbm4b:s3+s2] =	stream.indirect_vreg.scatter [tilespmem:s20], [sflag:$0x1], $0x80, v3, vm0, $0xb8;
	[tilespmem:$0x6100] =	vst v63  }
0x93: {  	_ = 	snop  }
0x94: {  	[hbm4b:s7+s2] =	stream.indirect_vreg.scatter [tilespmem:s21], [sflag:$0x1], $0x80, v3, vm0, $0xb8;
	[tilespmem:$0x6100] =	vst v63  }
0x95: {  	_ = 	snop  }
0x96: {  	[hbm4b:s8+s2] =	stream.indirect_vreg.scatter [tilespmem:s22], [sflag:$0x1], $0x80, v3, vm0, $0xb8;
	[tilespmem:$0x6100] =	vst v63  }
0x97: {  	v3 =	vld [tilespmem:$0x10];
	_ =	sdelay $0x4  }
0x98: {  	v61 =	vshrl.u32 v3, $0x3  }
0x99: {  	v4 =	vmul.u32 $0x30, v61  }
0x9a: {  	v3 =	vand.u32 $0x7, v3  }
0x9b: {  	v3 =	vor.u32 v3, v4  }
0x9c: {  	v4 =	vperm.xlane v3, v0;
	_ =	sdelay $0x1  }
0x9d: {  	v4 =	vadd.s32 v1, v4;
	_ =	sdelay $0x3  }
0x9e: {  	v3 =	vperm.xlane v3, v2  }
0x9f: {  	[hbm4b:s3+s2] =	stream.indirect_vreg.scatter [tilespmem:s23], [sflag:$0x1], $0x80, v4, vm0, $0xb8;
	[tilespmem:$0x6100] =	vst v63  }
0xa0: {  	v3 =	vadd.s32 v1, v3  }
0xa1: {  	[hbm4b:s7+s2] =	stream.indirect_vreg.scatter [tilespmem:s24], [sflag:$0x1], $0x80, v4, vm0, $0xb8;
	[tilespmem:$0x6100] =	vst v63  }
0xa2: {  	_ = 	snop  }
0xa3: {  	[hbm4b:s8+s2] =	stream.indirect_vreg.scatter [tilespmem:s25], [sflag:$0x1], $0x80, v4, vm0, $0xb8;
	[tilespmem:$0x6100] =	vst v63  }
0xa4: {  	_ = 	snop  }
0xa5: {  	[hbm4b:s3+s2] =	stream.indirect_vreg.scatter [tilespmem:s26], [sflag:$0x1], $0x80, v3, vm0, $0xb8;
	[tilespmem:$0x6100] =	vst v63  }
0xa6: {  	_ = 	snop  }
0xa7: {  	[hbm4b:s7+s2] =	stream.indirect_vreg.scatter [tilespmem:s28], [sflag:$0x1], $0x80, v3, vm0, $0xb8;
	[tilespmem:$0x6100] =	vst v63  }
0xa8: {  	_ = 	snop  }
0xa9: {  	[hbm4b:s8+s2] =	stream.indirect_vreg.scatter [tilespmem:s29], [sflag:$0x1], $0x80, v3, vm0, $0xb8;
	[tilespmem:$0x6100] =	vst v63  }
0xaa: {  	v3 =	vld [tilespmem:$0x80];
	_ =	sdelay $0x4  }
0xab: {  	v62 =	vshrl.u32 v3, $0x3  }
0xac: {  	v4 =	vmul.u32 $0x30, v62  }
0xad: {  	v3 =	vand.u32 $0x7, v3  }
0xae: {  	v3 =	vor.u32 v3, v4  }
0xaf: {  	v4 =	vperm.xlane v3, v0;
	_ =	sdelay $0x1  }
0xb0: {  	v4 =	vadd.s32 v1, v4;
	_ =	sdelay $0x3  }
0xb1: {  	v3 =	vperm.xlane v3, v2  }
0xb2: {  	[hbm4b:s3+s2] =	stream.indirect_vreg.scatter [tilespmem:s14], [sflag:$0x2], $0x80, v4, vm0, $0xb8;
	[tilespmem:$0x6100] =	vst v63  }
0xb3: {  	v3 =	vadd.s32 v1, v3  }
0xb4: {  	[hbm4b:s7+s2] =	stream.indirect_vreg.scatter [tilespmem:s18], [sflag:$0x2], $0x80, v4, vm0, $0xb8;
	[tilespmem:$0x6100] =	vst v63  }
0xb5: {  	_ = 	snop  }
0xb6: {  	[hbm4b:s8+s2] =	stream.indirect_vreg.scatter [tilespmem:s19], [sflag:$0x2], $0x80, v4, vm0, $0xb8;
	[tilespmem:$0x6100] =	vst v63  }
0xb7: {  	_ = 	snop  }
0xb8: {  	[hbm4b:s3+s2] =	stream.indirect_vreg.scatter [tilespmem:s20], [sflag:$0x2], $0x80, v3, vm0, $0xb8;
	[tilespmem:$0x6100] =	vst v63  }
0xb9: {  	_ = 	snop  }
0xba: {  	[hbm4b:s7+s2] =	stream.indirect_vreg.scatter [tilespmem:s21], [sflag:$0x2], $0x80, v3, vm0, $0xb8;
	[tilespmem:$0x6100] =	vst v63  }
0xbb: {  	_ = 	snop  }
0xbc: {  	[hbm4b:s8+s2] =	stream.indirect_vreg.scatter [tilespmem:s22], [sflag:$0x2], $0x80, v3, vm0, $0xb8;
	[tilespmem:$0x6100] =	vst v63  }
0xbd: {  	v3 =	vld [tilespmem:$0x90];
	_ =	sdelay $0x4  }
0xbe: {  	v63 =	vshrl.u32 v3, $0x3  }
0xbf: {  	v4 =	vmul.u32 $0x30, v63  }
0xc0: {  	v3 =	vand.u32 $0x7, v3  }
0xc1: {  	v3 =	vor.u32 v3, v4  }
0xc2: {  	v4 =	vperm.xlane v3, v0;
	_ =	sdelay $0x1  }
0xc3: {  	v4 =	vadd.s32 v1, v4;
	_ =	sdelay $0x3  }
0xc4: {  	v3 =	vperm.xlane v3, v2  }
0xc5: {  	[hbm4b:s3+s2] =	stream.indirect_vreg.scatter [tilespmem:s23], [sflag:$0x2], $0x80, v4, vm0, $0xb8;
	[tilespmem:$0x6100] =	vst v63  }
0xc6: {  	v3 =	vadd.s32 v1, v3  }
0xc7: {  	[hbm4b:s7+s2] =	stream.indirect_vreg.scatter [tilespmem:s24], [sflag:$0x2], $0x80, v4, vm0, $0xb8;
	[tilespmem:$0x6100] =	vst v63  }
0xc8: {  	_ = 	snop  }
0xc9: {  	[hbm4b:s8+s2] =	stream.indirect_vreg.scatter [tilespmem:s25], [sflag:$0x2], $0x80, v4, vm0, $0xb8;
	[tilespmem:$0x6100] =	vst v63  }
0xca: {  	_ = 	snop  }
0xcb: {  	[hbm4b:s3+s2] =	stream.indirect_vreg.scatter [tilespmem:s26], [sflag:$0x2], $0x80, v3, vm0, $0xb8;
	[tilespmem:$0x6100] =	vst v63  }
0xcc: {  	_ = 	snop  }
0xcd: {  	[hbm4b:s7+s2] =	stream.indirect_vreg.scatter [tilespmem:s28], [sflag:$0x2], $0x80, v3, vm0, $0xb8;
	[tilespmem:$0x6100] =	vst v63  }
0xce: {  	_ = 	snop  }
0xcf: {  	[hbm4b:s8+s2] =	stream.indirect_vreg.scatter [tilespmem:s29], [sflag:$0x2], $0x80, v3, vm0, $0xb8;
	[tilespmem:$0x6100] =	vst v63  }
0xd0: {  	p0 =	sne.s32 s12, $0x1;
	_ =	swait.ge [sflag:s15], $0x6000  }
.Ltmp0:
0xd1: {  	[sflag:s15] =	ssyncset.done $0x0;
	(pc) =	sbr.rel @p0 .LBB2_1-.Ltmp0, $4  }
0xd2: {  	[sflag:s15] =	ssyncadd.s32 $0xFFFFA000  }
0xd3: {  	_ =	swait.ge [sflag:s16], $0x6000  }
0xd4: {  	[sflag:s16] =	ssyncset.done $0x0  }
0xd5: {  	s12 =	sadd.s32 $0xFFFFFFFF, s12;
	[sflag:s16] =	ssyncadd.s32 $0xFFFFA000  }
0xd6: {  	_ =	sfence.sel $0x180000  }
0xd7: {  	[bflag:$0x0] =	sbarrier.arrive $0xFFFF  }
0xd8: {  	p0 =	sne.s32 s1, $0x0;
	_ =	strace $0x90000047  }
0xd9: {  	s0 =	sadd.s32 @!p0 $0x100000, s0;
	[bflag:$0x2] =	sbarrier.arrive $0xFFFF  }
0xda: {  	[sflag:s0] =	ssyncadd.tile.s32 @!p0 $0x1;
	_ =	shalt  }
.Lfunc_end2:
_tile_overlayer_lowered:
.L_overlay_start_2:
0xdb: {  	(tag) =	ssettag $0x2  }
0xdc: {  	s0 =	rddreg [dreg:$0x0];
	s2 =	stileid.u32  }
0xdd: {  	s1 =	rddreg [dreg:$0x1];
	p0 =	sne.s32 s2, $0x0  }
0xde: {  	s3 =	rddreg [dreg:$0x2];
	[bflag:$0x3] =	sbarrier.arrive $0xFFFF;
	s2 =	simm.s32 @!p0 $0x1C04  }
0xdf: {  	[timem:s3], [sflag:s2] =	dma.local @!p0 [hbm:s0], s1  }
0xe0: {  	s0 =	simm.s32 @!p0 $0x4  }
0xe1: {  	_ =	swait.ge @!p0 [sflag:s0], s1  }
0xe2: {  	s1 =	ssub.s32 @!p0 $0x0, s1;
	[sflag:s0] =	ssyncset.done @!p0 $0x0  }
0xe3: {  	[sflag:s0] =	ssyncadd.s32 @!p0 s1  }
0xe4: {  	[bflag:$0x3] =	sbarrier.arrive $0xFFFF  }
0xe5: {  	_ =	shalt  }

// kernel: kernel.13.cloned.1.call-start
scs
__scs_entry_jumppad:
0x0: {  	(pc) =	sbr.rel $0x88, $3  }
0x1: {  	(tag) =	ssettag $0x0;
	lr =	simm.s32 $0x1  }
0x2: {  	[smem:$0x3F97] =	sst lr;
	_ =	strace $0xD0000000  }
0x3: {  	_ = 	snop  }
0x4: {  	_ = 	snop  }
0x5: {  	_ = 	snop  }
0x6: {  	_ = 	snop  }
0x7: {  	_ = 	snop  }
__scs_overlays_trampoline_lowered:
0x8: {  	[smem:$0x3FA6] =	sst s0  }
0x9: {  	[smem:$0x3FA7] =	sst s1  }
0xa: {  	[smem:$0x3FA8] =	sst s2  }
0xb: {  	[smem:$0x3FA9] =	sst s3  }
0xc: {  	[smem:$0x3FAA] =	sst s4  }
0xd: {  	[smem:$0x3FAB] =	sst s5  }
0xe: {  	[smem:$0x3FAC] =	sst s6  }
0xf: {  	[smem:$0x3FAD] =	sst s7  }
0x10: {  	[smem:$0x3FAE] =	sst s8  }
0x11: {  	[smem:$0x3FAF] =	sst s9;
	s0 =	simm.s32 @!p0 $0x0  }
0x12: {  	s1 =	sld [smem:$0x3F95];
	s0 =	simm.s32 @p0 $0x1  }
0x13: {  	[smem:$0x3FB0] =	sst s0;
	s0 =	simm.s32 @!p1 $0x0  }
0x14: {  	s2 =	sld [smem:$0x3F94];
	s0 =	simm.s32 @p1 $0x1  }
0x15: {  	[smem:$0x3FB1] =	sst s0;
	s0 =	simm.s32 @!p2 $0x0  }
0x16: {  	s3 =	sld [smem:$0x3FDB];
	s0 =	simm.s32 @p2 $0x1  }
0x17: {  	s4 =	simm.s32 $0x1BF5;
	[smem:$0x3FB3] =	sst s0  }
0x18: {  	s0 =	sld [smem:$0x3F96];
	_ =	swait.ge [sflag:s4], $0x0  }
0x19: {  	s7 =	sld [smem:$0x3F97]  }
0x1a: {  	s8 =	sadd.s32 $0xFFFFE003, lr  }
0x1b: {  	s9 =	sadd.s32 $0xFFFFFEF7, lr;
	s5 =	simm.s32 $0xFFFFFFFF;
	p2 =	slt.u32 s8, $0xFFFFF086  }
0x1c: {  	p1 =	slt.u32 s9, $0xF7A;
	s5 =	simm.s32 @!p2 $0x0  }
0x1d: {  	s5 =	simm.s32 @p1 $0x1;
	p0 =	seq.s32 s7, s2  }
0x1e: {  	s7 =	smul.u32 @!p0 $0xF7A, s2;
	p2 =	seq.s32 @!p0 s5, $0x0  }
0x1f: {  	s9 =	smul.u32 $0xF7A, s1;
	s8 =	simm.s32 @!p0 $0x1BF5;
	p2 =	por !p2, p0  }
0x20: {  	[sflag:s8] =	ssyncset.s32 @!p0 $0xFFFFF086;
	s6 =	sadd.s32 @!p0 s3, s7;
	s7 =	simm.s32 @!p0 $0x108  }
0x21: {  	s3 =	sadd.s32 s3, s9;
	s6 =	sadd.s32 @!p0 $0x88, s6;
	s7 =	simm.s32 @p2 $0x1082  }
0x22: {  	[simem:s7], [sflag:s8] =	dma.local @!p0 [hbm:s6], $0xF7A  }
0x23: {  	s9 =	sor.u32 $0xD0000000, s2;
	s6 =	simm.s32 $0x108;
	_ =	swait.ge @!p0 [sflag:s8], $0x0  }
0x24: {  	s3 =	sadd.s32 $0x88, s3;
	s6 =	simm.s32 @!p1 $0x1082;
	[sflag:s4] =	ssyncset.s32 $0xFFFFF086  }
0x25: {  	[simem:s6], [sflag:s4] =	dma.local [hbm:s3], $0xF7A  }
0x26: {  	[smem:$0x3F97] =	sst s1;
	(tag) =	ssettag s2;
	_ =	strace s9  }
0x27: {  	s1 =	sld [smem:$0x3FA7]  }
0x28: {  	s2 =	sld [smem:$0x3FA8]  }
0x29: {  	s4 =	sld [smem:$0x3FAA]  }
0x2a: {  	p0 =	seq.s32 s5, $0x0;
	s5 =	sld [smem:$0x3FAB]  }
0x2b: {  	s6 =	sld [smem:$0x3FAC]  }
0x2c: {  	s7 =	sld [smem:$0x3FAD]  }
0x2d: {  	s3 =	simm.s32 $0x108;
	s8 =	sld [smem:$0x3FAE]  }
0x2e: {  	s3 =	simm.s32 @!p0 $0x1082;
	s9 =	sld [smem:$0x3FAF]  }
0x2f: {  	lr =	sadd.s32 s0, s3;
	s0 =	sld [smem:$0x3FA6]  }
0x30: {  	s3 =	sld [smem:$0x3FA9]  }
0x31: {  	[smem:$0x3FB2] =	sst s10  }
0x32: {  	s10 =	sld [smem:$0x3FB0];
	_ =	sdelay $0x3  }
0x33: {  	p0 =	seq.s32 s10, $0x1;
	s10 =	sld [smem:$0x3FB2];
	_ =	sdelay $0x3  }
0x34: {  	[smem:$0x3FB2] =	sst s10  }
0x35: {  	s10 =	sld [smem:$0x3FB1];
	_ =	sdelay $0x3  }
0x36: {  	p1 =	seq.s32 s10, $0x1;
	s10 =	sld [smem:$0x3FB2];
	_ =	sdelay $0x3  }
0x37: {  	[smem:$0x3FB2] =	sst s10  }
0x38: {  	s10 =	sld [smem:$0x3FB3]  }
0x39: {  	_ = 	snop;
	(pc) =	sbr.ind lr, $3  }
0x3a: {  	_ = 	snop  }
0x3b: {  	_ = 	snop  }
0x3c: {  	p2 =	seq.s32 s10, $0x1;
	s10 =	sld [smem:$0x3FB2]  }
0x3d: {  	_ =	shalt  }
0x3e: {  	_ =	shalt  }
0x3f: {  	_ =	shalt  }
0x40: {  	_ =	shalt  }
0x41: {  	_ =	shalt  }
0x42: {  	_ =	shalt  }
0x43: {  	_ =	shalt  }
0x44: {  	_ =	shalt  }
0x45: {  	_ =	shalt  }
0x46: {  	_ =	shalt  }
0x47: {  	_ =	shalt  }
0x48: {  	_ =	shalt  }
0x49: {  	_ =	shalt  }
0x4a: {  	_ =	shalt  }
0x4b: {  	_ =	shalt  }
0x4c: {  	_ =	shalt  }
0x4d: {  	_ =	shalt  }
0x4e: {  	_ =	shalt  }
0x4f: {  	_ =	shalt  }
0x50: {  	_ =	shalt  }
0x51: {  	_ =	shalt  }
0x52: {  	_ =	shalt  }
0x53: {  	_ =	shalt  }
0x54: {  	_ =	shalt  }
0x55: {  	_ =	shalt  }
0x56: {  	_ =	shalt  }
0x57: {  	_ =	shalt  }
0x58: {  	_ =	shalt  }
0x59: {  	_ =	shalt  }
0x5a: {  	_ =	shalt  }
0x5b: {  	_ =	shalt  }
0x5c: {  	_ =	shalt  }
0x5d: {  	_ =	shalt  }
0x5e: {  	_ =	shalt  }
0x5f: {  	_ =	shalt  }
0x60: {  	_ =	shalt  }
0x61: {  	_ =	shalt  }
0x62: {  	_ =	shalt  }
0x63: {  	_ =	shalt  }
0x64: {  	_ =	shalt  }
0x65: {  	_ =	shalt  }
0x66: {  	_ =	shalt  }
0x67: {  	_ =	shalt  }
0x68: {  	_ =	shalt  }
0x69: {  	_ =	shalt  }
0x6a: {  	_ =	shalt  }
0x6b: {  	_ =	shalt  }
0x6c: {  	_ =	shalt  }
0x6d: {  	_ =	shalt  }
0x6e: {  	_ =	shalt  }
0x6f: {  	_ =	shalt  }
0x70: {  	_ =	shalt  }
0x71: {  	_ =	shalt  }
0x72: {  	_ =	shalt  }
0x73: {  	_ =	shalt  }
0x74: {  	_ =	shalt  }
0x75: {  	_ =	shalt  }
0x76: {  	_ =	shalt  }
0x77: {  	_ =	shalt  }
0x78: {  	_ =	shalt  }
0x79: {  	_ =	shalt  }
0x7a: {  	_ =	shalt  }
0x7b: {  	_ =	shalt  }
0x7c: {  	_ =	shalt  }
0x7d: {  	_ =	shalt  }
0x7e: {  	_ =	shalt  }
0x7f: {  	_ =	shalt  }
0x80: {  	_ =	shalt  }
0x81: {  	_ =	shalt  }
0x82: {  	_ =	shalt  }
0x83: {  	_ =	shalt  }
0x84: {  	_ =	shalt  }
0x85: {  	_ =	shalt  }
0x86: {  	_ =	shalt  }
0x87: {  	_ =	shalt  }
.Lfunc_end0:
.L_simem_size_0:
called_computation.1_lowered:
.L_overlay_start_0:
0x88: {  	s2 =	sld [smem:$0x3FD9]  }
0x89: {  	s3 =	sld [smem:$0x3FFE];
	_ =	sdelay $0x1  }
0x8a: {  	s1 =	srdreg.scid  }
0x8b: {  	s0 =	sand.u32 $0x1, s1  }
0x8c: {  	s14 =	sshll.u32 s0, $0xA;
	s2 =	sadd.s32 s3, s2  }
0x8d: {  	s2 =	sadd.s32 s2, s14  }
0x8e: {  	[smem:$0x3FBE] =	sst s2  }
0x8f: {  	_ = 	snop  }
0x90: {  	s2 =	sld [smem:$0x3FD0];
	_ =	sdelay $0x2  }
0x91: {  	s15 =	simm.s32 $0xA;
	s4 =	simm.s32 $0x10  }
0x92: {  	[smem:s4], [sflag:s15] =	dma.local [hbm:s2], $0x1  }
0x93: {  	_ =	swait.eq [sflag:s15], $0x1  }
0x94: {  	[sflag:s15] =	ssyncset.done $0x0  }
0x95: {  	[sflag:s15] =	ssyncadd.s32 $0xFFFFFFFF  }
0x96: {  	s16 =	sld [smem:$0x10];
	(tm) =	ssettm $0x1  }
0x97: {  	s17 =	sld [smem:$0x3FFB];
	_ =	sdelay $0x3  }
0x98: {  	_ =	strace s17  }
0x99: {  	s3 =	sld [smem:$0x3FFC];
	_ =	sdelay $0x3  }
0x9a: {  	_ =	strace s3  }
0x9b: {  	s3 =	sld [smem:$0x3FFD];
	_ =	sdelay $0x3  }
0x9c: {  	_ =	strace s3  }
0x9d: {  	_ =	strace $0x8FFFFFFF  }
0x9e: {  	s18 =	sld [smem:$0x3FDB];
	_ =	sdelay $0x1  }
0x9f: {  	s19 =	simm.s32 $_scs_section_size  }
0xa0: {  	s5 =	simm.s32 $_size__tile_overlayer_lowered;
	s6 =	simm.s32 $_tile_overlayer_lowered  }
0xa1: {  	s22 =	simm.s32 $0x1BFF;
	s21 =	sshll.u32 s6, $0x1;
	s3 =	sadd.s32 s19, s18  }
0xa2: {  	s7 =	simm.s32 $0x0;
	s20 =	sshll.u32 s5, $0x1;
	s5 =	sadd.s32 s21, s3  }
0xa3: {  	[timem:s7], [sflag:s22] =	dma.local [hbm:s5], s20  }
0xa4: {  	_ =	swait.ge [sflag:s22], s20  }
0xa5: {  	s4 =	ssub.s32 $0x0, s20;
	[sflag:s22] =	ssyncset.done $0x0  }
0xa6: {  	[sflag:s22] =	ssyncadd.s32 s4;
	_ =	sdelay $0x1  }
0xa7: {  	s23 =	simm.s32 $0x1B8B  }
0xa8: {  	_ =	swait.ge [sflag:s23], $0x1  }
0xa9: {  	[sflag:s23] =	ssyncset.done $0x0  }
0xaa: {  	s25 =	simm.s32 $0x1B8E;
	s24 =	sld [smem:$0x3FFE];
	[sflag:s23] =	ssyncadd.s32 $0xFFFFFFFF  }
0xab: {  	s26 =	simm.s32 $execute0_lowered;
	[smem:$0x3FD2] =	sst s25  }
0xac: {  	s5 =	sshll.u32 s26, $0x1;
	_ =	strace $0x80000049;
	[dreg:$0x1] =	wrdreg $0xFFFFFFFF  }
0xad: {  	s28 =	simm.s32 $_size_execute0_lowered;
	s3 =	sadd.s32 s3, s5;
	[dreg:$0x0] =	wrdreg $0x0  }
0xae: {  	s5 =	sshll.u32 s28, $0x1;
	[dreg:$0x2] =	wrdreg s3  }
0xaf: {  	[dreg:$0x3] =	wrdreg s5  }
0xb0: {  	[dreg:$0x4] =	wrdreg $0xC0  }
0xb1: {  	_ =	task [dreg:s7], $0x5FFFF  }
0xb2: {  	[dreg:$0x1] =	wrdreg $0xFFFFFFFF  }
0xb3: {  	[dreg:$0x0] =	wrdreg $0x60  }
0xb4: {  	[dreg:$0x2] =	wrdreg s24  }
0xb5: {  	[dreg:$0x3] =	wrdreg s16  }
0xb6: {  	[dreg:$0x4] =	wrdreg $0x9  }
0xb7: {  	_ =	task.clear_ibuf [dreg:s7], $0x5FFFF;
	_ =	strace $0x90000049  }
0xb8: {  	s29 =	simm.s32 $0x9;
	_ =	strace $0x8000004B  }
0xb9: {  	_ =	swait.ge [sflag:s29], $0x1  }
0xba: {  	[sflag:s29] =	ssyncadd.s32 $0xFFFFFFFF  }
0xbb: {  	_ =	strace $0x9000004B  }
0xbc: {  	_ =	sfence  }
0xbd: {  	s30 =	sld [smem:$0x0];
	_ =	sdelay $0x2  }
0xbe: {  	s31 =	sshll.u32 s1, $0xD;
	s1 =	sshrl.u32 s1, $0x2  }
0xbf: {  	s3 =	sand.u32 $0x4000, s31;
	s1 =	sadd.s32 s1, s30  }
0xc0: {  	s0 =	sor.u32 s3, s0;
	s1 =	sshll.u32 s1, $0x11  }
0xc1: {  	s0 =	sor.u32 s1, s0  }
0xc2: {  	s0 =	sadd.s32 $0x8F2B, s0  }
0xc3: {  	[sflag:s0] =	ssyncadd.remote.s32 $0x1  }
0xc4: {  	_ =	sfence.sel $0xFFFF  }
0xc5: {  	[dreg:$0x0] =	wrdreg $0xFFFFFFFF;
	(pc) =	sbr.abs _section_cstart, $3  }
0xc6: {  	[dreg:$0x1] =	wrdreg $0xFFFFFFFF  }
0xc7: {  	_ =	task.clear_ibuf [dreg:s7], $0x2FFFF;
	_ =	strace $0x9FFFFFFF  }
0xc8: {  	(tm) =	ssettm $0x7FFFFFFF  }
0xc9: {  	_ =	shalt  }
tec
execute0_lowered:
.L_overlay_start_1:
0x0: {  	(tag) =	ssettag $0x1  }
0x1: {  	s0 =	rddreg [dreg:$0x0]  }
0x2: {  	s1 =	rddreg [dreg:$0x1]  }
0x3: {  	s2 =	srdreg.scid;
	s6 =	stileid.u32  }
0x4: {  	s14 =	simm.s32 $0x80;
	s15 =	simm.s32 $0x900;
	s16 =	simm.s32 $0x1100  }
0x5: {  	s17 =	simm.s32 $0x1900;
	s28 =	simm.s32 $0x6900;
	s29 =	simm.s32 $0x7100  }
0x6: {  	s30 =	simm.s32 $0x7900;
	s31 =	simm.s32 $0x8100;
	s3 =	sand.u32 $0x1, s2  }
0x7: {  	s4 =	sshll.u32 s6, $0x7;
	s6 =	sshll.u32 s6, $0xA;
	s2 =	simm.s32 $0x0  }
0x8: {  	s19 =	sadd.s32 $0x3200, s0;
	s10 =	sadd.s32 $0x94200, s0;
	s5 =	sshll.u32 s3, $0x6  }
0x9: {  	[smem:$0x7FF] =	sst s2;
	s3 =	ssub.s32 $0x2, s3;
	s7 =	sor.u32 s5, s4  }
0xa: {  	s18 =	sor.u32 s5, s6;
	_ =	strace $0x8000004A;
	s25 =	sshrl.u32 s3, $0x1  }
0xb: {  	s4 =	sshrl.u32 s18, $0x3;
	s8 =	sshrl.u32 s7, $0x3;
	s21 =	sor.u32 $0x20, s7  }
0xc: {  	s7 =	sor.u32 $0x820, s7;
	s3 =	ssub.s32 s3, s25;
	s18 =	simm.s32 $0x2100  }
0xd: {  	s25 =	simm.s32 $0x5100;
	s4 =	sadd.s32 s19, s4;
	s8 =	smul.u32 $0x300, s8  }
0xe: {  	s22 =	sand.u32 $0x60, s21;
	s11 =	sshll.u32 s7, $0x3;
	s7 =	sand.u32 $0x60, s7  }
0xf: {  	s24 =	sshrl.u32 s21, $0x3;
	s21 =	simm.s32 $0x3900;
	[dreg:$0xa] =	wrdreg s4  }
0x10: {  	s9 =	sadd.s32 $0x800, s4;
	s4 =	sadd.s32 $0x4200, s0;
	s6 =	sor.u32 s6, s22  }
0x11: {  	s23 =	sand.u32 $0x7C00, s11;
	s22 =	simm.s32 $0x4100;
	s11 =	simm.s32 $0xA900  }
0x12: {  	[dreg:$0x3] =	wrdreg s9;
	s20 =	sadd.s32 s1, s8;
	s8 =	sadd.s32 s10, s8  }
0x13: {  	s6 =	sshrl.u32 s6, $0x3;
	s7 =	sor.u32 s7, s23;
	[dreg:$0x4] =	wrdreg s20  }
0x14: {  	s9 =	simm.s32 $0x1;
	s23 =	simm.s32 $0x100;
	[dreg:$0x5] =	wrdreg s8  }
0x15: {  	s6 =	sadd.s32 s19, s6;
	s7 =	sshrl.u32 s7, $0x3;
	s8 =	smul.u32 $0x300, s24  }
0x16: {  	s20 =	simm.s32 $0x3100;
	s24 =	simm.s32 $0x4900;
	[dreg:$0x6] =	wrdreg s6  }
0x17: {  	s5 =	sadd.s32 s19, s7;
	s6 =	sadd.s32 $0x4400, s0;
	s7 =	smax.u32 s3, $0x1  }
0x18: {  	s19 =	simm.s32 $0x2900;
	s3 =	simm.s32 $0x9900;
	[dreg:$0x7] =	wrdreg s5  }
0x19: {  	v2 =	vlaneseq.u32;
	s1 =	sadd.s32 s1, s8;
	s5 =	sadd.s32 $0x4300, s0;
	s26 =	sadd.s32 s10, s8  }
0x1a: {  	vm0 =	vmmov $0xffff;
	v1 =	vshrl.u32 v2, $0x3;
	s10 =	simm.s32 $0x2;
	s0 =	simm.s32 $0x6100;
	[dreg:$0x8] =	wrdreg s1  }
0x1b: {  	v0 =	vand.u32 $0x7, v2;
	v2 =	vor.u32 $0x8, v2;
	v1 =	vmul.u32 $0x8, v1;
	s8 =	simm.s32 $0xA100;
	[dreg:$0x9] =	wrdreg s26;
	s26 =	simm.s32 $0x5900  }
.LBB2_1:
0x1c: {  	s13 =	rddreg [dreg:$0xa]  }
0x1d: {  	[tilespmem:s2], [sflag:$0x1] =	stream.linear.gather [hbm4b:s13+s2], $0x20, $0x38;
	[tilespmem:$0xC100] =	vst v63  }
0x1e: {  	s12 =	rddreg [dreg:$0x3]  }
0x1f: {  	[tilespmem:s14], [sflag:$0x2] =	stream.linear.gather [hbm4b:s12+s2], $0x20, $0x38;
	[tilespmem:$0xC100] =	vst v63  }
0x20: {  	_ =	swait.ge [sflag:s9], $0x20  }
0x21: {  	[sflag:s9] =	ssyncset.done $0x0  }
0x22: {  	[sflag:s9] =	ssyncadd.s32 $0xFFFFFFE0  }
0x23: {  	_ =	swait.ge [sflag:s10], $0x20  }
0x24: {  	[sflag:s10] =	ssyncset.done $0x0  }
0x25: {  	[sflag:s10] =	ssyncadd.s32 $0xFFFFFFE0  }
0x26: {  	v3 =	vld [tilespmem:$0x0];
	_ =	sdelay $0x4  }
0x27: {  	v4 =	vshrl.u32 v3, $0x3  }
0x28: {  	v4 =	vmul.u32 $0x30, v4  }
0x29: {  	v3 =	vand.u32 $0x7, v3  }
0x2a: {  	v3 =	vor.u32 v3, v4  }
0x2b: {  	v4 =	vperm.xlane v3, v0;
	_ =	sdelay $0x1  }
0x2c: {  	v4 =	vadd.s32 v1, v4;
	_ =	sdelay $0x3  }
0x2d: {  	v3 =	vperm.xlane v3, v2  }
0x2e: {  	[tilespmem:s23], [sflag:$0x1] =	stream.indirect_vreg.gather [hbm4b:s4+s2], $0x80, v4, vm0, $0xb8;
	[tilespmem:$0xC100] =	vst v63  }
0x2f: {  	v3 =	vadd.s32 v1, v3  }
0x30: {  	[tilespmem:s15], [sflag:$0x1] =	stream.indirect_vreg.gather [hbm4b:s5+s2], $0x80, v4, vm0, $0xb8;
	[tilespmem:$0xC100] =	vst v63  }
0x31: {  	_ = 	snop  }
0x32: {  	[tilespmem:s16], [sflag:$0x1] =	stream.indirect_vreg.gather [hbm4b:s6+s2], $0x80, v4, vm0, $0xb8;
	[tilespmem:$0xC100] =	vst v63  }
0x33: {  	_ = 	snop  }
0x34: {  	[tilespmem:s17], [sflag:$0x1] =	stream.indirect_vreg.gather [hbm4b:s4+s2], $0x80, v3, vm0, $0xb8;
	[tilespmem:$0xC100] =	vst v63  }
0x35: {  	_ = 	snop  }
0x36: {  	[tilespmem:s18], [sflag:$0x1] =	stream.indirect_vreg.gather [hbm4b:s5+s2], $0x80, v3, vm0, $0xb8;
	[tilespmem:$0xC100] =	vst v63  }
0x37: {  	_ = 	snop  }
0x38: {  	[tilespmem:s19], [sflag:$0x1] =	stream.indirect_vreg.gather [hbm4b:s6+s2], $0x80, v3, vm0, $0xb8;
	[tilespmem:$0xC100] =	vst v63  }
0x39: {  	v3 =	vld [tilespmem:$0x10];
	_ =	sdelay $0x4  }
0x3a: {  	v57 =	vshrl.u32 v3, $0x3  }
0x3b: {  	v4 =	vmul.u32 $0x30, v57  }
0x3c: {  	v3 =	vand.u32 $0x7, v3  }
0x3d: {  	v3 =	vor.u32 v3, v4  }
0x3e: {  	v4 =	vperm.xlane v3, v0;
	_ =	sdelay $0x1  }
0x3f: {  	v4 =	vadd.s32 v1, v4;
	_ =	sdelay $0x3  }
0x40: {  	v3 =	vperm.xlane v3, v2  }
0x41: {  	[tilespmem:s20], [sflag:$0x1] =	stream.indirect_vreg.gather [hbm4b:s4+s2], $0x80, v4, vm0, $0xb8;
	[tilespmem:$0xC100] =	vst v63  }
0x42: {  	v3 =	vadd.s32 v1, v3  }
0x43: {  	[tilespmem:s21], [sflag:$0x1] =	stream.indirect_vreg.gather [hbm4b:s5+s2], $0x80, v4, vm0, $0xb8;
	[tilespmem:$0xC100] =	vst v63  }
0x44: {  	_ = 	snop  }
0x45: {  	[tilespmem:s22], [sflag:$0x1] =	stream.indirect_vreg.gather [hbm4b:s6+s2], $0x80, v4, vm0, $0xb8;
	[tilespmem:$0xC100] =	vst v63  }
0x46: {  	_ = 	snop  }
0x47: {  	[tilespmem:s24], [sflag:$0x1] =	stream.indirect_vreg.gather [hbm4b:s4+s2], $0x80, v3, vm0, $0xb8;
	[tilespmem:$0xC100] =	vst v63  }
0x48: {  	_ = 	snop  }
0x49: {  	[tilespmem:s25], [sflag:$0x1] =	stream.indirect_vreg.gather [hbm4b:s5+s2], $0x80, v3, vm0, $0xb8;
	[tilespmem:$0xC100] =	vst v63  }
0x4a: {  	_ = 	snop  }
0x4b: {  	[tilespmem:s26], [sflag:$0x1] =	stream.indirect_vreg.gather [hbm4b:s6+s2], $0x80, v3, vm0, $0xb8;
	[tilespmem:$0xC100] =	vst v63  }
0x4c: {  	v3 =	vld [tilespmem:$0x80];
	_ =	sdelay $0x4  }
0x4d: {  	v58 =	vshrl.u32 v3, $0x3  }
0x4e: {  	v4 =	vmul.u32 $0x30, v58  }
0x4f: {  	v3 =	vand.u32 $0x7, v3  }
0x50: {  	v3 =	vor.u32 v3, v4  }
0x51: {  	v4 =	vperm.xlane v3, v0;
	_ =	sdelay $0x1  }
0x52: {  	v4 =	vadd.s32 v1, v4;
	_ =	sdelay $0x3  }
0x53: {  	v3 =	vperm.xlane v3, v2  }
0x54: {  	[tilespmem:s0], [sflag:$0x2] =	stream.indirect_vreg.gather [hbm4b:s4+s2], $0x80, v4, vm0, $0xb8;
	[tilespmem:$0xC100] =	vst v63  }
0x55: {  	v3 =	vadd.s32 v1, v3  }
0x56: {  	[tilespmem:s28], [sflag:$0x2] =	stream.indirect_vreg.gather [hbm4b:s5+s2], $0x80, v4, vm0, $0xb8;
	[tilespmem:$0xC100] =	vst v63  }
0x57: {  	_ = 	snop  }
0x58: {  	[tilespmem:s29], [sflag:$0x2] =	stream.indirect_vreg.gather [hbm4b:s6+s2], $0x80, v4, vm0, $0xb8;
	[tilespmem:$0xC100] =	vst v63  }
0x59: {  	_ = 	snop  }
0x5a: {  	[tilespmem:s30], [sflag:$0x2] =	stream.indirect_vreg.gather [hbm4b:s4+s2], $0x80, v3, vm0, $0xb8;
	[tilespmem:$0xC100] =	vst v63  }
0x5b: {  	_ = 	snop  }
0x5c: {  	[tilespmem:s31], [sflag:$0x2] =	stream.indirect_vreg.gather [hbm4b:s5+s2], $0x80, v3, vm0, $0xb8;
	[tilespmem:$0xC100] =	vst v63  }
0x5d: {  	s1 =	simm.s32 $0x8900  }
0x5e: {  	[tilespmem:s1], [sflag:$0x2] =	stream.indirect_vreg.gather [hbm4b:s6+s2], $0x80, v3, vm0, $0xb8;
	[tilespmem:$0xC100] =	vst v63  }
0x5f: {  	v3 =	vld [tilespmem:$0x90];
	_ =	sdelay $0x4  }
0x60: {  	v59 =	vshrl.u32 v3, $0x3  }
0x61: {  	v4 =	vmul.u32 $0x30, v59  }
0x62: {  	v3 =	vand.u32 $0x7, v3  }
0x63: {  	v3 =	vor.u32 v3, v4  }
0x64: {  	v4 =	vperm.xlane v3, v0;
	_ =	sdelay $0x1  }
0x65: {  	v4 =	vadd.s32 v1, v4;
	_ =	sdelay $0x3  }
0x66: {  	s1 =	simm.s32 $0x9100;
	v3 =	vperm.xlane v3, v2  }
0x67: {  	[tilespmem:s1], [sflag:$0x2] =	stream.indirect_vreg.gather [hbm4b:s4+s2], $0x80, v4, vm0, $0xb8;
	[tilespmem:$0xC100] =	vst v63  }
0x68: {  	v3 =	vadd.s32 v1, v3  }
0x69: {  	[tilespmem:s3], [sflag:$0x2] =	stream.indirect_vreg.gather [hbm4b:s5+s2], $0x80, v4, vm0, $0xb8;
	[tilespmem:$0xC100] =	vst v63  }
0x6a: {  	_ = 	snop  }
0x6b: {  	[tilespmem:s8], [sflag:$0x2] =	stream.indirect_vreg.gather [hbm4b:s6+s2], $0x80, v4, vm0, $0xb8;
	[tilespmem:$0xC100] =	vst v63  }
0x6c: {  	_ = 	snop  }
0x6d: {  	[tilespmem:s11], [sflag:$0x2] =	stream.indirect_vreg.gather [hbm4b:s4+s2], $0x80, v3, vm0, $0xb8;
	[tilespmem:$0xC100] =	vst v63  }
0x6e: {  	s13 =	simm.s32 $0xB100  }
0x6f: {  	[tilespmem:s13], [sflag:$0x2] =	stream.indirect_vreg.gather [hbm4b:s5+s2], $0x80, v3, vm0, $0xb8;
	[tilespmem:$0xC100] =	vst v63  }
0x70: {  	s13 =	simm.s32 $0xB900  }
0x71: {  	[tilespmem:s13], [sflag:$0x2] =	stream.indirect_vreg.gather [hbm4b:s6+s2], $0x80, v3, vm0, $0xb8;
	[tilespmem:$0xC100] =	vst v63  }
0x72: {  	_ =	swait.ge [sflag:s9], $0x6000  }
0x73: {  	[sflag:s9] =	ssyncset.done $0x0  }
0x74: {  	[sflag:s9] =	ssyncadd.s32 $0xFFFFA000  }
0x75: {  	_ =	swait.ge [sflag:s10], $0x6000  }
0x76: {  	[sflag:s10] =	ssyncset.done $0x0  }
0x77: {  	s12 =	rddreg [dreg:$0x4];
	[sflag:s10] =	ssyncadd.s32 $0xFFFFA000  }
0x78: {  	[hbm4b:s12+s2] =	stream.linear.scatter [tilespmem:s23], [sflag:$0x1], $0x6000, $0x38;
	[tilespmem:$0xC100] =	vst v63  }
0x79: {  	s13 =	rddreg [dreg:$0x5]  }
0x7a: {  	[hbm4b:s13+s2] =	stream.linear.scatter [tilespmem:s0], [sflag:$0x2], $0x6000, $0x38;
	[tilespmem:$0xC100] =	vst v63  }
0x7b: {  	_ =	swait.ge [sflag:s9], $0x6000  }
0x7c: {  	[sflag:s9] =	ssyncset.done $0x0  }
0x7d: {  	[sflag:s9] =	ssyncadd.s32 $0xFFFFA000  }
0x7e: {  	_ =	swait.ge [sflag:s10], $0x6000  }
0x7f: {  	[sflag:s10] =	ssyncset.done $0x0  }
0x80: {  	s12 =	rddreg [dreg:$0x6];
	[sflag:s10] =	ssyncadd.s32 $0xFFFFA000  }
0x81: {  	[tilespmem:s2], [sflag:$0x1] =	stream.linear.gather [hbm4b:s12+s2], $0x20, $0x38;
	[tilespmem:$0xC100] =	vst v63  }
0x82: {  	s13 =	rddreg [dreg:$0x7]  }
0x83: {  	[tilespmem:s14], [sflag:$0x2] =	stream.linear.gather [hbm4b:s13+s2], $0x20, $0x38;
	[tilespmem:$0xC100] =	vst v63  }
0x84: {  	_ =	swait.ge [sflag:s9], $0x20  }
0x85: {  	[sflag:s9] =	ssyncset.done $0x0  }
0x86: {  	[sflag:s9] =	ssyncadd.s32 $0xFFFFFFE0  }
0x87: {  	_ =	swait.ge [sflag:s10], $0x20  }
0x88: {  	[sflag:s10] =	ssyncset.done $0x0  }
0x89: {  	[sflag:s10] =	ssyncadd.s32 $0xFFFFFFE0  }
0x8a: {  	v3 =	vld [tilespmem:$0x0];
	_ =	sdelay $0x4  }
0x8b: {  	v60 =	vshrl.u32 v3, $0x3  }
0x8c: {  	v4 =	vmul.u32 $0x30, v60  }
0x8d: {  	v3 =	vand.u32 $0x7, v3  }
0x8e: {  	v3 =	vor.u32 v3, v4  }
0x8f: {  	v4 =	vperm.xlane v3, v0;
	_ =	sdelay $0x1  }
0x90: {  	v4 =	vadd.s32 v1, v4;
	_ =	sdelay $0x3  }
0x91: {  	v3 =	vperm.xlane v3, v2  }
0x92: {  	[tilespmem:s23], [sflag:$0x1] =	stream.indirect_vreg.gather [hbm4b:s4+s2], $0x80, v4, vm0, $0xb8;
	[tilespmem:$0xC100] =	vst v63  }
0x93: {  	v3 =	vadd.s32 v1, v3  }
0x94: {  	[tilespmem:s15], [sflag:$0x1] =	stream.indirect_vreg.gather [hbm4b:s5+s2], $0x80, v4, vm0, $0xb8;
	[tilespmem:$0xC100] =	vst v63  }
0x95: {  	_ = 	snop  }
0x96: {  	[tilespmem:s16], [sflag:$0x1] =	stream.indirect_vreg.gather [hbm4b:s6+s2], $0x80, v4, vm0, $0xb8;
	[tilespmem:$0xC100] =	vst v63  }
0x97: {  	_ = 	snop  }
0x98: {  	[tilespmem:s17], [sflag:$0x1] =	stream.indirect_vreg.gather [hbm4b:s4+s2], $0x80, v3, vm0, $0xb8;
	[tilespmem:$0xC100] =	vst v63  }
0x99: {  	_ = 	snop  }
0x9a: {  	[tilespmem:s18], [sflag:$0x1] =	stream.indirect_vreg.gather [hbm4b:s5+s2], $0x80, v3, vm0, $0xb8;
	[tilespmem:$0xC100] =	vst v63  }
0x9b: {  	_ = 	snop  }
0x9c: {  	[tilespmem:s19], [sflag:$0x1] =	stream.indirect_vreg.gather [hbm4b:s6+s2], $0x80, v3, vm0, $0xb8;
	[tilespmem:$0xC100] =	vst v63  }
0x9d: {  	v3 =	vld [tilespmem:$0x10];
	_ =	sdelay $0x4  }
0x9e: {  	v61 =	vshrl.u32 v3, $0x3  }
0x9f: {  	v4 =	vmul.u32 $0x30, v61  }
0xa0: {  	v3 =	vand.u32 $0x7, v3  }
0xa1: {  	v3 =	vor.u32 v3, v4  }
0xa2: {  	v4 =	vperm.xlane v3, v0;
	_ =	sdelay $0x1  }
0xa3: {  	v4 =	vadd.s32 v1, v4;
	_ =	sdelay $0x3  }
0xa4: {  	v3 =	vperm.xlane v3, v2  }
0xa5: {  	[tilespmem:s20], [sflag:$0x1] =	stream.indirect_vreg.gather [hbm4b:s4+s2], $0x80, v4, vm0, $0xb8;
	[tilespmem:$0xC100] =	vst v63  }
0xa6: {  	v3 =	vadd.s32 v1, v3  }
0xa7: {  	[tilespmem:s21], [sflag:$0x1] =	stream.indirect_vreg.gather [hbm4b:s5+s2], $0x80, v4, vm0, $0xb8;
	[tilespmem:$0xC100] =	vst v63  }
0xa8: {  	_ = 	snop  }
0xa9: {  	[tilespmem:s22], [sflag:$0x1] =	stream.indirect_vreg.gather [hbm4b:s6+s2], $0x80, v4, vm0, $0xb8;
	[tilespmem:$0xC100] =	vst v63  }
0xaa: {  	_ = 	snop  }
0xab: {  	[tilespmem:s24], [sflag:$0x1] =	stream.indirect_vreg.gather [hbm4b:s4+s2], $0x80, v3, vm0, $0xb8;
	[tilespmem:$0xC100] =	vst v63  }
0xac: {  	_ = 	snop  }
0xad: {  	[tilespmem:s25], [sflag:$0x1] =	stream.indirect_vreg.gather [hbm4b:s5+s2], $0x80, v3, vm0, $0xb8;
	[tilespmem:$0xC100] =	vst v63  }
0xae: {  	_ = 	snop  }
0xaf: {  	[tilespmem:s26], [sflag:$0x1] =	stream.indirect_vreg.gather [hbm4b:s6+s2], $0x80, v3, vm0, $0xb8;
	[tilespmem:$0xC100] =	vst v63  }
0xb0: {  	v3 =	vld [tilespmem:$0x80];
	_ =	sdelay $0x4  }
0xb1: {  	v62 =	vshrl.u32 v3, $0x3  }
0xb2: {  	v4 =	vmul.u32 $0x30, v62  }
0xb3: {  	v3 =	vand.u32 $0x7, v3  }
0xb4: {  	v3 =	vor.u32 v3, v4  }
0xb5: {  	v4 =	vperm.xlane v3, v0;
	_ =	sdelay $0x1  }
0xb6: {  	v4 =	vadd.s32 v1, v4;
	_ =	sdelay $0x3  }
0xb7: {  	v3 =	vperm.xlane v3, v2  }
0xb8: {  	[tilespmem:s0], [sflag:$0x2] =	stream.indirect_vreg.gather [hbm4b:s4+s2], $0x80, v4, vm0, $0xb8;
	[tilespmem:$0xC100] =	vst v63  }
0xb9: {  	v3 =	vadd.s32 v1, v3  }
0xba: {  	[tilespmem:s28], [sflag:$0x2] =	stream.indirect_vreg.gather [hbm4b:s5+s2], $0x80, v4, vm0, $0xb8;
	[tilespmem:$0xC100] =	vst v63  }
0xbb: {  	_ = 	snop  }
0xbc: {  	[tilespmem:s29], [sflag:$0x2] =	stream.indirect_vreg.gather [hbm4b:s6+s2], $0x80, v4, vm0, $0xb8;
	[tilespmem:$0xC100] =	vst v63  }
0xbd: {  	_ = 	snop  }
0xbe: {  	[tilespmem:s30], [sflag:$0x2] =	stream.indirect_vreg.gather [hbm4b:s4+s2], $0x80, v3, vm0, $0xb8;
	[tilespmem:$0xC100] =	vst v63  }
0xbf: {  	_ = 	snop  }
0xc0: {  	[tilespmem:s31], [sflag:$0x2] =	stream.indirect_vreg.gather [hbm4b:s5+s2], $0x80, v3, vm0, $0xb8;
	[tilespmem:$0xC100] =	vst v63  }
0xc1: {  	s13 =	simm.s32 $0x8900  }
0xc2: {  	[tilespmem:s13], [sflag:$0x2] =	stream.indirect_vreg.gather [hbm4b:s6+s2], $0x80, v3, vm0, $0xb8;
	[tilespmem:$0xC100] =	vst v63  }
0xc3: {  	v3 =	vld [tilespmem:$0x90];
	_ =	sdelay $0x4  }
0xc4: {  	v63 =	vshrl.u32 v3, $0x3  }
0xc5: {  	v4 =	vmul.u32 $0x30, v63  }
0xc6: {  	v3 =	vand.u32 $0x7, v3  }
0xc7: {  	v3 =	vor.u32 v3, v4  }
0xc8: {  	v4 =	vperm.xlane v3, v0;
	_ =	sdelay $0x1  }
0xc9: {  	v4 =	vadd.s32 v1, v4;
	_ =	sdelay $0x3  }
0xca: {  	v3 =	vperm.xlane v3, v2  }
0xcb: {  	[tilespmem:s1], [sflag:$0x2] =	stream.indirect_vreg.gather [hbm4b:s4+s2], $0x80, v4, vm0, $0xb8;
	[tilespmem:$0xC100] =	vst v63  }
0xcc: {  	v3 =	vadd.s32 v1, v3  }
0xcd: {  	[tilespmem:s3], [sflag:$0x2] =	stream.indirect_vreg.gather [hbm4b:s5+s2], $0x80, v4, vm0, $0xb8;
	[tilespmem:$0xC100] =	vst v63  }
0xce: {  	_ = 	snop  }
0xcf: {  	[tilespmem:s8], [sflag:$0x2] =	stream.indirect_vreg.gather [hbm4b:s6+s2], $0x80, v4, vm0, $0xb8;
	[tilespmem:$0xC100] =	vst v63  }
0xd0: {  	_ = 	snop  }
0xd1: {  	[tilespmem:s11], [sflag:$0x2] =	stream.indirect_vreg.gather [hbm4b:s4+s2], $0x80, v3, vm0, $0xb8;
	[tilespmem:$0xC100] =	vst v63  }
0xd2: {  	s13 =	simm.s32 $0xB100  }
0xd3: {  	[tilespmem:s13], [sflag:$0x2] =	stream.indirect_vreg.gather [hbm4b:s5+s2], $0x80, v3, vm0, $0xb8;
	[tilespmem:$0xC100] =	vst v63  }
0xd4: {  	s12 =	simm.s32 $0xB900  }
0xd5: {  	[tilespmem:s12], [sflag:$0x2] =	stream.indirect_vreg.gather [hbm4b:s6+s2], $0x80, v3, vm0, $0xb8;
	[tilespmem:$0xC100] =	vst v63  }
0xd6: {  	_ =	swait.ge [sflag:s9], $0x6000  }
0xd7: {  	[sflag:s9] =	ssyncset.done $0x0  }
0xd8: {  	[sflag:s9] =	ssyncadd.s32 $0xFFFFA000  }
0xd9: {  	_ =	swait.ge [sflag:s10], $0x6000  }
0xda: {  	[sflag:s10] =	ssyncset.done $0x0  }
0xdb: {  	s13 =	rddreg [dreg:$0x8];
	[sflag:s10] =	ssyncadd.s32 $0xFFFFA000  }
0xdc: {  	[hbm4b:s13+s2] =	stream.linear.scatter [tilespmem:s23], [sflag:$0x1], $0x6000, $0x38;
	[tilespmem:$0xC100] =	vst v63  }
0xdd: {  	s1 =	rddreg [dreg:$0x9]  }
0xde: {  	[hbm4b:s1+s2] =	stream.linear.scatter [tilespmem:s0], [sflag:$0x2], $0x6000, $0x38;
	[tilespmem:$0xC100] =	vst v63  }
0xdf: {  	p0 =	sne.s32 s7, $0x1;
	_ =	swait.ge [sflag:s9], $0x6000  }
.Ltmp0:
0xe0: {  	[sflag:s9] =	ssyncset.done $0x0;
	(pc) =	sbr.rel @p0 .LBB2_1-.Ltmp0, $4  }
0xe1: {  	[sflag:s9] =	ssyncadd.s32 $0xFFFFA000  }
0xe2: {  	_ =	swait.ge [sflag:s10], $0x6000  }
0xe3: {  	[sflag:s10] =	ssyncset.done $0x0  }
0xe4: {  	s7 =	sadd.s32 $0xFFFFFFFF, s7;
	[sflag:s10] =	ssyncadd.s32 $0xFFFFA000  }
0xe5: {  	_ =	sfence.sel $0x180000  }
0xe6: {  	[bflag:$0x0] =	sbarrier.arrive $0xFFFF  }
0xe7: {  	_ =	strace $0x9000004A  }
0xe8: {  	s0 =	stileid.u32;
	[bflag:$0x2] =	sbarrier.arrive $0xFFFF  }
0xe9: {  	p0 =	sne.s32 s0, $0x0;
	s0 =	rddreg [dreg:$0x2]  }
0xea: {  	s0 =	sadd.s32 @!p0 $0x100000, s0  }
0xeb: {  	[sflag:s0] =	ssyncadd.tile.s32 @!p0 $0x1;
	_ =	shalt  }
.Lfunc_end2:
_tile_overlayer_lowered:
.L_overlay_start_2:
0xec: {  	(tag) =	ssettag $0x2  }
0xed: {  	s0 =	rddreg [dreg:$0x0];
	s2 =	stileid.u32  }
0xee: {  	s1 =	rddreg [dreg:$0x1];
	p0 =	sne.s32 s2, $0x0  }
0xef: {  	s3 =	rddreg [dreg:$0x2];
	[bflag:$0x3] =	sbarrier.arrive $0xFFFF;
	s2 =	simm.s32 @!p0 $0x1C03  }
0xf0: {  	[timem:s3], [sflag:s2] =	dma.local @!p0 [hbm:s0], s1  }
0xf1: {  	s0 =	simm.s32 @!p0 $0x3  }
0xf2: {  	_ =	swait.ge @!p0 [sflag:s0], s1  }
0xf3: {  	s1 =	ssub.s32 @!p0 $0x0, s1;
	[sflag:s0] =	ssyncset.done @!p0 $0x0  }
0xf4: {  	[sflag:s0] =	ssyncadd.s32 @!p0 s1  }
0xf5: {  	[bflag:$0x3] =	sbarrier.arrive $0xFFFF  }
0xf6: {  	_ =	shalt  }

</sc_bundles>
